<compile_context>
chip_gen: v7x
topology: tpu7x:2x2x1
jax: 0.10.2.dev20260603
libtpu: 0.0.44.dev20260713+nightly
codegen_flags: <defaults>
</compile_context>

<pallas_src>
import functools

import jax
import jax.numpy as jnp
from jax import lax
from jax.experimental import pallas as pl
from jax.experimental.pallas import tpu as pltpu
from jax.experimental.pallas import tpu_sc as plsc

_B, _L = 4096, 50
_N = _B * _L
_D = 64
_NW = 32
_PER_W = _N // _NW
_CHUNK = 128
_NCH = _PER_W // _CHUNK


def _sc_gather(act_table, res_table, aidx, ridx):
    mesh = plsc.VectorSubcoreMesh(core_axis_name="c", subcore_axis_name="s")

    @functools.partial(
        pl.kernel,
        mesh=mesh,
        out_type=[
            jax.ShapeDtypeStruct((_N, _D), jnp.float32),
            jax.ShapeDtypeStruct((_N, _D), jnp.float32),
        ],
        scratch_types=[
            pltpu.VMEM((_NCH, _CHUNK), jnp.int32),
            pltpu.VMEM((_NCH, _CHUNK), jnp.int32),
            pltpu.VMEM((_CHUNK, _D), jnp.float32),
            pltpu.VMEM((_CHUNK, _D), jnp.float32),
            pltpu.SemaphoreType.DMA,
            pltpu.SemaphoreType.DMA,
        ],
        compiler_params=pltpu.CompilerParams(use_tc_tiling_on_sc=False),
    )
    def k(act_hbm, res_hbm, aidx_hbm, ridx_hbm, out_a, out_r,
          aidx_v, ridx_v, rows_a, rows_r, sem_a, sem_r):
        wid = lax.axis_index("s") * 2 + lax.axis_index("c")
        pltpu.sync_copy(aidx_hbm.at[wid], aidx_v)
        pltpu.sync_copy(ridx_hbm.at[wid], ridx_v)
        base = wid * _PER_W

        def body(j, carry):
            off = pl.multiple_of(base + j * _CHUNK, _CHUNK)
            ca = pltpu.async_copy(act_hbm.at[aidx_v.at[j]], rows_a, sem_a)
            cr = pltpu.async_copy(res_hbm.at[ridx_v.at[j]], rows_r, sem_r)
            ca.wait()
            pltpu.sync_copy(rows_a, out_a.at[pl.ds(off, _CHUNK)])
            cr.wait()
            pltpu.sync_copy(rows_r, out_r.at[pl.ds(off, _CHUNK)])
            return carry

        lax.fori_loop(0, _NCH, body, 0)

    return k(act_table, res_table, aidx, ridx)


_BTD = 256
_BTC = 512


def _dense_body(nf_ref, tf_ref, w1n, b1n, w1t, b1t, qn, qt, bias, d_ref):
    f32 = jnp.float32
    dot = lambda x, w: jnp.dot(x, w, preferred_element_type=f32)
    nf = nf_ref[...]
    tf = tf_ref[...]
    w1n_v, b1n_v = w1n[...], b1n[...]
    w1t_v, b1t_v = w1t[...], b1t[...]
    qn_v, qt_v, bias_v = qn[...], qt[...], bias[...]
    for l in range(_L):
        hn = jnp.maximum(dot(w1n_v, nf[l]) + b1n_v, 0.0)
        ht = jnp.maximum(dot(w1t_v, tf[:, l, :]) + b1t_v, 0.0)
        d_ref[l] = dot(qn_v, hn) + dot(qt_v, ht) + bias_v


def _tc_dense(nfT, tfT, w1nT, b1n, w1tT, b1t, qnT, qtT, bias):
    grid = (_B // _BTD,)
    full = lambda i: (0, 0)
    return pl.pallas_call(
        _dense_body,
        grid=grid,
        in_specs=[
            pl.BlockSpec((_L, 16, _BTD), lambda i: (0, 0, i)),
            pl.BlockSpec((3, _L, _BTD), lambda i: (0, 0, i)),
            pl.BlockSpec((_D, 16), full),
            pl.BlockSpec((_D, 1), full),
            pl.BlockSpec((_D, 3), full),
            pl.BlockSpec((_D, 1), full),
            pl.BlockSpec((_D, _D), full),
            pl.BlockSpec((_D, _D), full),
            pl.BlockSpec((_D, 1), full),
        ],
        out_specs=pl.BlockSpec((_L, _D, _BTD), lambda i: (0, 0, i)),
        out_shape=jax.ShapeDtypeStruct((_L, _D, _B), jnp.float32),
    )(nfT, tfT, w1nT, b1n, w1tT, b1t, qnT, qtT, bias)


_H = _B // 2


def _combine_body(ap_ref, rp_ref, d_ref, pa, pr, out_ref):
    f32 = jnp.float32
    dn = (((0,), (1,)), ((), ()))
    ap_v, rp_v, pa_v, pr_v = ap_ref[...], rp_ref[...], pa[...], pr[...]
    left = (lax.dot_general(pa_v, ap_v[:, 0:_D], dn, preferred_element_type=f32)
            + lax.dot_general(pr_v, rp_v[:, 0:_D], dn, preferred_element_type=f32))
    right = (lax.dot_general(pa_v, ap_v[:, _D:128], dn, preferred_element_type=f32)
             + lax.dot_general(pr_v, rp_v[:, _D:128], dn, preferred_element_type=f32))
    out_ref[0] = d_ref[0] + jnp.concatenate([left, right], axis=1)


def _tc_combine(ap, rp, d, pa_s, pr_s):
    grid = (_L,)
    full = lambda l: (0, 0)
    return pl.pallas_call(
        _combine_body,
        grid=grid,
        in_specs=[
            pl.BlockSpec((_H, 128), lambda l: (l, 0)),
            pl.BlockSpec((_H, 128), lambda l: (l, 0)),
            pl.BlockSpec((1, _D, _B), lambda l: (l, 0, 0)),
            pl.BlockSpec((_D, _D), full),
            pl.BlockSpec((_D, _D), full),
        ],
        out_specs=pl.BlockSpec((1, _D, _B), lambda l: (l, 0, 0)),
        out_shape=jax.ShapeDtypeStruct((_L, _D, _B), jnp.float32),
    )(ap, rp, d, pa_s, pr_s)


def kernel(act_ids, res_ids, num_feats, time_feats, act_table, res_table,
           num_W1, num_b1, num_W2, num_b2,
           time_W1, time_b1, time_W2, time_b2, proj_W, proj_b):
    def _il(ids):
        t = jnp.transpose(ids).reshape(_L, 2, _H)
        return (jnp.transpose(t, (0, 2, 1)).reshape(_NW, _NCH, _CHUNK)
                .astype(jnp.int32))

    a, r = _sc_gather(act_table, res_table, _il(act_ids), _il(res_ids))

    nfT = jnp.transpose(num_feats, (1, 2, 0))
    tfT = jnp.transpose(time_feats, (2, 1, 0))

    pa_s, pr_s = proj_W[0:64], proj_W[64:128]
    pn_s, pt_s = proj_W[128:192], proj_W[192:256]
    qnT = (num_W2 @ pn_s).T
    qtT = (time_W2 @ pt_s).T
    bias = (num_b2 @ pn_s + time_b2 @ pt_s + proj_b).reshape(_D, 1)

    d = _tc_dense(nfT, tfT, num_W1.T, num_b1.reshape(_D, 1),
                  time_W1.T, time_b1.reshape(_D, 1), qnT, qtT, bias)
    ap = a.reshape(_N // 2, 128)
    rp = r.reshape(_N // 2, 128)
    outT = _tc_combine(ap, rp, d, pa_s, pr_s)
    return jnp.transpose(outT, (2, 0, 1))

# --- scband reference (transcript-rebuilt; emitter-appended) ---
"""Pipeline reference for scband-event-embed-33200097198692 (READ-ONLY COPY).

The authoritative reference and input builder live on the scoring server;
editing this copy changes nothing except your own understanding.
"""

import jax, jax.numpy as jnp
import numpy as np

NUM_ACT = 100000
NUM_RES = 100000
NUM_DIMS = 16
D_MODEL = 64
B, L = 4096, 50

def setup_inputs(seed: int = 0) -> dict:
    key = jax.random.key(seed)
    ks = jax.random.split(key, 20)
    act_ids = jax.random.randint(ks[0], (B, L), 0, NUM_ACT, dtype=jnp.int64 if jax.config.jax_enable_x64 else jnp.int32)
    res_ids = jax.random.randint(ks[1], (B, L), 0, NUM_RES, dtype=jnp.int64 if jax.config.jax_enable_x64 else jnp.int32)
    num_feats = jax.random.normal(ks[2], (B, L, NUM_DIMS), dtype=jnp.float32)
    time_feats = jax.random.normal(ks[3], (B, L, 3), dtype=jnp.float32)
    s = 0.02
    act_table = jax.random.normal(ks[4], (NUM_ACT, D_MODEL), dtype=jnp.float32) * s
    res_table = jax.random.normal(ks[5], (NUM_RES, D_MODEL), dtype=jnp.float32) * s
    num_W1 = jax.random.normal(ks[6], (NUM_DIMS, D_MODEL), dtype=jnp.float32) * (1.0 / np.sqrt(NUM_DIMS))
    num_b1 = jnp.zeros((D_MODEL,), dtype=jnp.float32)
    num_W2 = jax.random.normal(ks[7], (D_MODEL, D_MODEL), dtype=jnp.float32) * (1.0 / np.sqrt(D_MODEL))
    num_b2 = jnp.zeros((D_MODEL,), dtype=jnp.float32)
    time_W1 = jax.random.normal(ks[8], (3, D_MODEL), dtype=jnp.float32) * (1.0 / np.sqrt(3))
    time_b1 = jnp.zeros((D_MODEL,), dtype=jnp.float32)
    time_W2 = jax.random.normal(ks[9], (D_MODEL, D_MODEL), dtype=jnp.float32) * (1.0 / np.sqrt(D_MODEL))
    time_b2 = jnp.zeros((D_MODEL,), dtype=jnp.float32)
    proj_W = jax.random.normal(ks[10], (D_MODEL * 4, D_MODEL), dtype=jnp.float32) * (1.0 / np.sqrt(D_MODEL * 4))
    proj_b = jnp.zeros((D_MODEL,), dtype=jnp.float32)
    return {
        'act_ids': act_ids, 'res_ids': res_ids,
        'num_feats': num_feats, 'time_feats': time_feats,
        'act_table': act_table, 'res_table': res_table,
        'num_W1': num_W1, 'num_b1': num_b1, 'num_W2': num_W2, 'num_b2': num_b2,
        'time_W1': time_W1, 'time_b1': time_b1, 'time_W2': time_W2, 'time_b2': time_b2,
        'proj_W': proj_W, 'proj_b': proj_b,
    }

def reference(act_ids, res_ids, num_feats, time_feats,
              act_table, res_table,
              num_W1, num_b1, num_W2, num_b2,
              time_W1, time_b1, time_W2, time_b2,
              proj_W, proj_b):
    a = jnp.take(act_table, act_ids, axis=0)
    r = jnp.take(res_table, res_ids, axis=0)
    n = jax.nn.relu(num_feats @ num_W1 + num_b1) @ num_W2 + num_b2
    t = jax.nn.relu(time_feats @ time_W1 + time_b1) @ time_W2 + time_b2
    x = jnp.concatenate([a, r, n, t], axis=-1)
    return x @ proj_W + proj_b

if __name__ == "__main__":
    import jax
    _d = setup_inputs()
    print(jax.jit(kernel)(*tuple(_d.values())))

</pallas_src>

<mosaic_0001>
#map = affine_map<(d0, d1) -> (0, 0)>
#map1 = affine_map<(d0, d1) -> (0, 0, 0)>
module attributes {stable_mosaic.version = 14 : i64} {
  func.func @k(%arg0: i32, %arg1: i32, %arg2: memref<100000x64xf32, #tpu.memory_space<hbm>>, %arg3: memref<100000x64xf32, #tpu.memory_space<hbm>>, %arg4: memref<32x50x128xi32, #tpu.memory_space<hbm>>, %arg5: memref<32x50x128xi32, #tpu.memory_space<hbm>>, %arg6: memref<204800x64xf32, #tpu.memory_space<hbm>>, %arg7: memref<204800x64xf32, #tpu.memory_space<hbm>>, %arg8: memref<50x128xi32, #tpu.memory_space<vmem>>, %arg9: memref<50x128xi32, #tpu.memory_space<vmem>>, %arg10: memref<128x64xf32, #tpu.memory_space<vmem>>, %arg11: memref<128x64xf32, #tpu.memory_space<vmem>>, %arg12: memref<!tpu.dma_semaphore, #tpu.memory_space<semaphore_mem>>, %arg13: memref<!tpu.dma_semaphore, #tpu.memory_space<semaphore_mem>>) attributes {dimension_semantics = [#tpu.dimension_semantics<core_parallel>, #tpu.dimension_semantics<subcore_parallel>], iteration_bounds = array<i64: 2, 16>, scalar_prefetch = 0 : i64, scratch_operands = 6 : i64, tpu.core_type = #tpu.core_type<sc_vector_subcore>, window_params = [{transform_indices = #map}, {transform_indices = #map}, {transform_indices = #map1}, {transform_indices = #map1}, {transform_indices = #map}, {transform_indices = #map}]} {
    %mul3A = arith.constant 2 : i32
    %mul3A_0 = arith.muli %arg1, %mul3A : i32
    %add3A = arith.addi %mul3A_0, %arg0 : i32
    "tpu.region"() ({
      %run_scoped3A = tpu.sem_alloc : memref<!tpu.dma_semaphore, #tpu.memory_space<semaphore_mem>>
      %dma_start3A = arith.constant 0 : i32
      %dma_start3A_8 = arith.constant 0 : i32
      %dma_start3A_9 = tpu.memref_slice %arg4[%add3A, %dma_start3A, %dma_start3A_8] : memref<32x50x128xi32, #tpu.memory_space<hbm>> -> memref<1x50x128xi32, #tpu.memory_space<hbm>>
      %dma_start3A_10 = tpu.memref_squeeze %dma_start3A_9 : memref<1x50x128xi32, #tpu.memory_space<hbm>> -> memref<50x128xi32, #tpu.memory_space<hbm>>
      %dma_start3A_11 = arith.constant 0 : i32
      %dma_start3A_12 = arith.constant 0 : i32
      %dma_start3A_13 = tpu.memref_slice %arg4[%add3A, %dma_start3A_11, %dma_start3A_12] : memref<32x50x128xi32, #tpu.memory_space<hbm>> -> memref<1x50x128xi32, #tpu.memory_space<hbm>>
      %dma_start3A_14 = tpu.memref_squeeze %dma_start3A_13 : memref<1x50x128xi32, #tpu.memory_space<hbm>> -> memref<50x128xi32, #tpu.memory_space<hbm>>
      tpu.enqueue_dma source(%dma_start3A_14 : memref<50x128xi32, #tpu.memory_space<hbm>>) target(%arg8 : memref<50x128xi32, #tpu.memory_space<vmem>>) target_semaphore(%run_scoped3A : memref<!tpu.dma_semaphore, #tpu.memory_space<semaphore_mem>>)
      %dma_wait3A = arith.constant 0 : i32
      %dma_wait3A_15 = arith.constant 0 : i32
      %dma_wait3A_16 = tpu.memref_slice %arg4[%add3A, %dma_wait3A, %dma_wait3A_15] : memref<32x50x128xi32, #tpu.memory_space<hbm>> -> memref<1x50x128xi32, #tpu.memory_space<hbm>>
      %dma_wait3A_17 = tpu.memref_squeeze %dma_wait3A_16 : memref<1x50x128xi32, #tpu.memory_space<hbm>> -> memref<50x128xi32, #tpu.memory_space<hbm>>
      %dma_wait3A_18 = arith.constant 0 : i32
      %dma_wait3A_19 = arith.constant 0 : i32
      %dma_wait3A_20 = tpu.memref_slice %arg4[%add3A, %dma_wait3A_18, %dma_wait3A_19] : memref<32x50x128xi32, #tpu.memory_space<hbm>> -> memref<1x50x128xi32, #tpu.memory_space<hbm>>
      %dma_wait3A_21 = tpu.memref_squeeze %dma_wait3A_20 : memref<1x50x128xi32, #tpu.memory_space<hbm>> -> memref<50x128xi32, #tpu.memory_space<hbm>>
      tpu.wait_dma2 semaphore(%run_scoped3A : memref<!tpu.dma_semaphore, #tpu.memory_space<semaphore_mem>>) src(%dma_wait3A_21 : memref<50x128xi32, #tpu.memory_space<hbm>>) dst(%arg8 : memref<50x128xi32, #tpu.memory_space<vmem>>)
      tpu.yield
    }) : () -> ()
    "tpu.region"() ({
      %run_scoped3A = tpu.sem_alloc : memref<!tpu.dma_semaphore, #tpu.memory_space<semaphore_mem>>
      %dma_start3A = arith.constant 0 : i32
      %dma_start3A_8 = arith.constant 0 : i32
      %dma_start3A_9 = tpu.memref_slice %arg5[%add3A, %dma_start3A, %dma_start3A_8] : memref<32x50x128xi32, #tpu.memory_space<hbm>> -> memref<1x50x128xi32, #tpu.memory_space<hbm>>
      %dma_start3A_10 = tpu.memref_squeeze %dma_start3A_9 : memref<1x50x128xi32, #tpu.memory_space<hbm>> -> memref<50x128xi32, #tpu.memory_space<hbm>>
      %dma_start3A_11 = arith.constant 0 : i32
      %dma_start3A_12 = arith.constant 0 : i32
      %dma_start3A_13 = tpu.memref_slice %arg5[%add3A, %dma_start3A_11, %dma_start3A_12] : memref<32x50x128xi32, #tpu.memory_space<hbm>> -> memref<1x50x128xi32, #tpu.memory_space<hbm>>
      %dma_start3A_14 = tpu.memref_squeeze %dma_start3A_13 : memref<1x50x128xi32, #tpu.memory_space<hbm>> -> memref<50x128xi32, #tpu.memory_space<hbm>>
      tpu.enqueue_dma source(%dma_start3A_14 : memref<50x128xi32, #tpu.memory_space<hbm>>) target(%arg9 : memref<50x128xi32, #tpu.memory_space<vmem>>) target_semaphore(%run_scoped3A : memref<!tpu.dma_semaphore, #tpu.memory_space<semaphore_mem>>)
      %dma_wait3A = arith.constant 0 : i32
      %dma_wait3A_15 = arith.constant 0 : i32
      %dma_wait3A_16 = tpu.memref_slice %arg5[%add3A, %dma_wait3A, %dma_wait3A_15] : memref<32x50x128xi32, #tpu.memory_space<hbm>> -> memref<1x50x128xi32, #tpu.memory_space<hbm>>
      %dma_wait3A_17 = tpu.memref_squeeze %dma_wait3A_16 : memref<1x50x128xi32, #tpu.memory_space<hbm>> -> memref<50x128xi32, #tpu.memory_space<hbm>>
      %dma_wait3A_18 = arith.constant 0 : i32
      %dma_wait3A_19 = arith.constant 0 : i32
      %dma_wait3A_20 = tpu.memref_slice %arg5[%add3A, %dma_wait3A_18, %dma_wait3A_19] : memref<32x50x128xi32, #tpu.memory_space<hbm>> -> memref<1x50x128xi32, #tpu.memory_space<hbm>>
      %dma_wait3A_21 = tpu.memref_squeeze %dma_wait3A_20 : memref<1x50x128xi32, #tpu.memory_space<hbm>> -> memref<50x128xi32, #tpu.memory_space<hbm>>
      tpu.wait_dma2 semaphore(%run_scoped3A : memref<!tpu.dma_semaphore, #tpu.memory_space<semaphore_mem>>) src(%dma_wait3A_21 : memref<50x128xi32, #tpu.memory_space<hbm>>) dst(%arg9 : memref<50x128xi32, #tpu.memory_space<vmem>>)
      tpu.yield
    }) : () -> ()
    %mul3A_1 = arith.constant 6400 : i32
    %mul3A_2 = arith.muli %add3A, %mul3A_1 : i32
    %scan3A = arith.constant 0 : i32
    %scan3A_3 = arith.constant 0 : i32
    %scan3A_4 = arith.constant 50 : i32
    %scan3A_5 = arith.addi %scan3A_3, %scan3A_4 : i32
    %scan3A_6 = arith.constant 1 : i32
    scf.for %scan3A_8 = %scan3A_3 to %scan3A_5 step %scan3A_6  : i32 {
      %mul3A_9 = arith.constant 128 : i32
      %mul3A_10 = arith.muli %scan3A_8, %mul3A_9 : i32
      %add3A_11 = arith.addi %mul3A_2, %mul3A_10 : i32
      %multiple_of3A = tpu.assume_multiple %add3A_11, 128 : i32
      %dma_start3A = arith.constant 0 : i32
      %dma_start3A_12 = tpu.memref_slice %arg8[%scan3A_8, %dma_start3A] : memref<50x128xi32, #tpu.memory_space<vmem>> -> memref<1x128xi32, #tpu.memory_space<vmem>>
      %dma_start3A_13 = tpu.memref_squeeze %dma_start3A_12 : memref<1x128xi32, #tpu.memory_space<vmem>> -> memref<128xi32, #tpu.memory_space<vmem>>
      %dma_start3A_14 = arith.constant 0 : i32
      %dma_start3A_15 = arith.constant 0 : i32
      %dma_start3A_16 = tpu.memref_slice %arg2[%dma_start3A_14, %dma_start3A_15] : memref<100000x64xf32, #tpu.memory_space<hbm>> -> memref<100000x64xf32, #tpu.memory_space<hbm>>
      tpu.enqueue_indirect_dma source(%dma_start3A_16 : memref<100000x64xf32, #tpu.memory_space<hbm>>) target(%arg10 : memref<128x64xf32, #tpu.memory_space<vmem>>) offsets(%dma_start3A_13 : memref<128xi32, #tpu.memory_space<vmem>>) semaphore(%arg12 : memref<!tpu.dma_semaphore, #tpu.memory_space<semaphore_mem>>)
      %dma_start3A_17 = arith.constant 0 : i32
      %dma_start3A_18 = tpu.memref_slice %arg9[%scan3A_8, %dma_start3A_17] : memref<50x128xi32, #tpu.memory_space<vmem>> -> memref<1x128xi32, #tpu.memory_space<vmem>>
      %dma_start3A_19 = tpu.memref_squeeze %dma_start3A_18 : memref<1x128xi32, #tpu.memory_space<vmem>> -> memref<128xi32, #tpu.memory_space<vmem>>
      %dma_start3A_20 = arith.constant 0 : i32
      %dma_start3A_21 = arith.constant 0 : i32
      %dma_start3A_22 = tpu.memref_slice %arg3[%dma_start3A_20, %dma_start3A_21] : memref<100000x64xf32, #tpu.memory_space<hbm>> -> memref<100000x64xf32, #tpu.memory_space<hbm>>
      tpu.enqueue_indirect_dma source(%dma_start3A_22 : memref<100000x64xf32, #tpu.memory_space<hbm>>) target(%arg11 : memref<128x64xf32, #tpu.memory_space<vmem>>) offsets(%dma_start3A_19 : memref<128xi32, #tpu.memory_space<vmem>>) semaphore(%arg13 : memref<!tpu.dma_semaphore, #tpu.memory_space<semaphore_mem>>)
      %dma_wait3A = arith.constant 0 : i32
      %dma_wait3A_23 = tpu.memref_slice %arg8[%scan3A_8, %dma_wait3A] : memref<50x128xi32, #tpu.memory_space<vmem>> -> memref<1x128xi32, #tpu.memory_space<vmem>>
      %dma_wait3A_24 = tpu.memref_squeeze %dma_wait3A_23 : memref<1x128xi32, #tpu.memory_space<vmem>> -> memref<128xi32, #tpu.memory_space<vmem>>
      %dma_wait3A_25 = arith.constant 0 : i32
      %dma_wait3A_26 = arith.constant 0 : i32
      %dma_wait3A_27 = tpu.memref_slice %arg2[%dma_wait3A_25, %dma_wait3A_26] : memref<100000x64xf32, #tpu.memory_space<hbm>> -> memref<100000x64xf32, #tpu.memory_space<hbm>>
      tpu.wait_indirect_dma semaphore(%arg12 : memref<!tpu.dma_semaphore, #tpu.memory_space<semaphore_mem>>) src(%dma_wait3A_27 : memref<100000x64xf32, #tpu.memory_space<hbm>>) dst(%arg10 : memref<128x64xf32, #tpu.memory_space<vmem>>)
      "tpu.region"() ({
        %run_scoped3A = tpu.sem_alloc : memref<!tpu.dma_semaphore, #tpu.memory_space<semaphore_mem>>
        %dma_start3A_34 = arith.constant 0 : i32
        %dma_start3A_35 = tpu.memref_slice %arg6[%multiple_of3A, %dma_start3A_34] : memref<204800x64xf32, #tpu.memory_space<hbm>> -> memref<128x64xf32, #tpu.memory_space<hbm>>
        %dma_start3A_36 = arith.constant 0 : i32
        %dma_start3A_37 = tpu.memref_slice %arg6[%multiple_of3A, %dma_start3A_36] : memref<204800x64xf32, #tpu.memory_space<hbm>> -> memref<128x64xf32, #tpu.memory_space<hbm>>
        tpu.enqueue_dma source(%arg10 : memref<128x64xf32, #tpu.memory_space<vmem>>) target(%dma_start3A_37 : memref<128x64xf32, #tpu.memory_space<hbm>>) target_semaphore(%run_scoped3A : memref<!tpu.dma_semaphore, #tpu.memory_space<semaphore_mem>>)
        %dma_wait3A_38 = arith.constant 0 : i32
        %dma_wait3A_39 = tpu.memref_slice %arg6[%multiple_of3A, %dma_wait3A_38] : memref<204800x64xf32, #tpu.memory_space<hbm>> -> memref<128x64xf32, #tpu.memory_space<hbm>>
        %dma_wait3A_40 = arith.constant 0 : i32
        %dma_wait3A_41 = tpu.memref_slice %arg6[%multiple_of3A, %dma_wait3A_40] : memref<204800x64xf32, #tpu.memory_space<hbm>> -> memref<128x64xf32, #tpu.memory_space<hbm>>
        tpu.wait_dma2 semaphore(%run_scoped3A : memref<!tpu.dma_semaphore, #tpu.memory_space<semaphore_mem>>) src(%arg10 : memref<128x64xf32, #tpu.memory_space<vmem>>) dst(%dma_wait3A_41 : memref<128x64xf32, #tpu.memory_space<hbm>>)
        tpu.yield
      }) : () -> ()
      %dma_wait3A_28 = arith.constant 0 : i32
      %dma_wait3A_29 = tpu.memref_slice %arg9[%scan3A_8, %dma_wait3A_28] : memref<50x128xi32, #tpu.memory_space<vmem>> -> memref<1x128xi32, #tpu.memory_space<vmem>>
      %dma_wait3A_30 = tpu.memref_squeeze %dma_wait3A_29 : memref<1x128xi32, #tpu.memory_space<vmem>> -> memref<128xi32, #tpu.memory_space<vmem>>
      %dma_wait3A_31 = arith.constant 0 : i32
      %dma_wait3A_32 = arith.constant 0 : i32
      %dma_wait3A_33 = tpu.memref_slice %arg3[%dma_wait3A_31, %dma_wait3A_32] : memref<100000x64xf32, #tpu.memory_space<hbm>> -> memref<100000x64xf32, #tpu.memory_space<hbm>>
      tpu.wait_indirect_dma semaphore(%arg13 : memref<!tpu.dma_semaphore, #tpu.memory_space<semaphore_mem>>) src(%dma_wait3A_33 : memref<100000x64xf32, #tpu.memory_space<hbm>>) dst(%arg11 : memref<128x64xf32, #tpu.memory_space<vmem>>)
      "tpu.region"() ({
        %run_scoped3A = tpu.sem_alloc : memref<!tpu.dma_semaphore, #tpu.memory_space<semaphore_mem>>
        %dma_start3A_34 = arith.constant 0 : i32
        %dma_start3A_35 = tpu.memref_slice %arg7[%multiple_of3A, %dma_start3A_34] : memref<204800x64xf32, #tpu.memory_space<hbm>> -> memref<128x64xf32, #tpu.memory_space<hbm>>
        %dma_start3A_36 = arith.constant 0 : i32
        %dma_start3A_37 = tpu.memref_slice %arg7[%multiple_of3A, %dma_start3A_36] : memref<204800x64xf32, #tpu.memory_space<hbm>> -> memref<128x64xf32, #tpu.memory_space<hbm>>
        tpu.enqueue_dma source(%arg11 : memref<128x64xf32, #tpu.memory_space<vmem>>) target(%dma_start3A_37 : memref<128x64xf32, #tpu.memory_space<hbm>>) target_semaphore(%run_scoped3A : memref<!tpu.dma_semaphore, #tpu.memory_space<semaphore_mem>>)
        %dma_wait3A_38 = arith.constant 0 : i32
        %dma_wait3A_39 = tpu.memref_slice %arg7[%multiple_of3A, %dma_wait3A_38] : memref<204800x64xf32, #tpu.memory_space<hbm>> -> memref<128x64xf32, #tpu.memory_space<hbm>>
        %dma_wait3A_40 = arith.constant 0 : i32
        %dma_wait3A_41 = tpu.memref_slice %arg7[%multiple_of3A, %dma_wait3A_40] : memref<204800x64xf32, #tpu.memory_space<hbm>> -> memref<128x64xf32, #tpu.memory_space<hbm>>
        tpu.wait_dma2 semaphore(%run_scoped3A : memref<!tpu.dma_semaphore, #tpu.memory_space<semaphore_mem>>) src(%arg11 : memref<128x64xf32, #tpu.memory_space<vmem>>) dst(%dma_wait3A_41 : memref<128x64xf32, #tpu.memory_space<hbm>>)
        tpu.yield
      }) : () -> ()
    }
    %scan3A_7 = arith.constant 50 : i32
    return
  }
}

module attributes {stable_mosaic.version = 14 : i64} {
  func.func @_combine_body(%arg0: i32, %arg1: memref<2048x128xf32, #tpu.memory_space<vmem>>, %arg2: memref<2048x128xf32, #tpu.memory_space<vmem>>, %arg3: memref<1x64x4096xf32, #tpu.memory_space<vmem>>, %arg4: memref<64x64xf32, #tpu.memory_space<vmem>>, %arg5: memref<64x64xf32, #tpu.memory_space<vmem>>, %arg6: memref<1x64x4096xf32, #tpu.memory_space<vmem>>) attributes {dimension_semantics = [#tpu.dimension_semantics<arbitrary>], iteration_bounds = array<i64: 50>, scalar_prefetch = 0 : i64, scratch_operands = 0 : i64, tpu.core_type = #tpu.core_type<tc>, window_params = [{transform_indices = @transform_0, window_bounds = array<i64: 2048, 128>}, {transform_indices = @transform_1, window_bounds = array<i64: 2048, 128>}, {transform_indices = @transform_2, window_bounds = array<i64: 1, 64, 4096>}, {pipeline_mode = #tpu.pipeline_mode<synchronous>, transform_indices = @transform_3, window_bounds = array<i64: 64, 64>}, {pipeline_mode = #tpu.pipeline_mode<synchronous>, transform_indices = @transform_4, window_bounds = array<i64: 64, 64>}, {transform_indices = @transform_5, window_bounds = array<i64: 1, 64, 4096>}]} {
    %get3A = arith.constant 0 : index
    %get3A_0 = arith.constant 0 : index
    %get3A_1 = vector.load %arg1[%get3A, %get3A_0] : memref<2048x128xf32, #tpu.memory_space<vmem>>, vector<2048x128xf32>
    %get3A_2 = arith.constant 0 : index
    %get3A_3 = arith.constant 0 : index
    %get3A_4 = vector.load %arg2[%get3A_2, %get3A_3] : memref<2048x128xf32, #tpu.memory_space<vmem>>, vector<2048x128xf32>
    %get3A_5 = arith.constant 0 : index
    %get3A_6 = arith.constant 0 : index
    %get3A_7 = vector.load %arg4[%get3A_5, %get3A_6] : memref<64x64xf32, #tpu.memory_space<vmem>>, vector<64x64xf32>
    %get3A_8 = arith.constant 0 : index
    %get3A_9 = arith.constant 0 : index
    %get3A_10 = vector.load %arg5[%get3A_8, %get3A_9] : memref<64x64xf32, #tpu.memory_space<vmem>>, vector<64x64xf32>
    %slice3A = vector.extract_strided_slice %get3A_1 {offsets = [0, 0], sizes = [2048, 64], strides = [1, 1]} : vector<2048x128xf32> to vector<2048x64xf32>
    %dot_general3A = arith.constant dense<0.000000e+00> : vector<64x2048xf32>
    %dot_general3A_11 = tpu.matmul %get3A_7, %slice3A, %dot_general3A {dimension_numbers = #tpu.dot_dimension_numbers<[0], [1], [1], [0], [0, 1, 1, 0], [], []>, transpose_lhs_hint = false} : vector<64x64xf32>, vector<2048x64xf32>, vector<64x2048xf32> -> vector<64x2048xf32>
    %slice3A_12 = vector.extract_strided_slice %get3A_4 {offsets = [0, 0], sizes = [2048, 64], strides = [1, 1]} : vector<2048x128xf32> to vector<2048x64xf32>
    %dot_general3A_13 = arith.constant dense<0.000000e+00> : vector<64x2048xf32>
    %dot_general3A_14 = tpu.matmul %get3A_10, %slice3A_12, %dot_general3A_13 {dimension_numbers = #tpu.dot_dimension_numbers<[0], [1], [1], [0], [0, 1, 1, 0], [], []>, transpose_lhs_hint = false} : vector<64x64xf32>, vector<2048x64xf32>, vector<64x2048xf32> -> vector<64x2048xf32>
    %add3A = arith.addf %dot_general3A_11, %dot_general3A_14 : vector<64x2048xf32>
    %slice3A_15 = vector.extract_strided_slice %get3A_1 {offsets = [0, 64], sizes = [2048, 64], strides = [1, 1]} : vector<2048x128xf32> to vector<2048x64xf32>
    %dot_general3A_16 = arith.constant dense<0.000000e+00> : vector<64x2048xf32>
    %dot_general3A_17 = tpu.matmul %get3A_7, %slice3A_15, %dot_general3A_16 {dimension_numbers = #tpu.dot_dimension_numbers<[0], [1], [1], [0], [0, 1, 1, 0], [], []>, transpose_lhs_hint = false} : vector<64x64xf32>, vector<2048x64xf32>, vector<64x2048xf32> -> vector<64x2048xf32>
    %slice3A_18 = vector.extract_strided_slice %get3A_4 {offsets = [0, 64], sizes = [2048, 64], strides = [1, 1]} : vector<2048x128xf32> to vector<2048x64xf32>
    %dot_general3A_19 = arith.constant dense<0.000000e+00> : vector<64x2048xf32>
    %dot_general3A_20 = tpu.matmul %get3A_10, %slice3A_18, %dot_general3A_19 {dimension_numbers = #tpu.dot_dimension_numbers<[0], [1], [1], [0], [0, 1, 1, 0], [], []>, transpose_lhs_hint = false} : vector<64x64xf32>, vector<2048x64xf32>, vector<64x2048xf32> -> vector<64x2048xf32>
    %add3A_21 = arith.addf %dot_general3A_17, %dot_general3A_20 : vector<64x2048xf32>
    %get3A_22 = arith.constant 0 : index
    %get3A_23 = arith.constant 0 : index
    %get3A_24 = arith.constant 0 : index
    %get3A_25 = vector.load %arg3[%get3A_22, %get3A_23, %get3A_24] : memref<1x64x4096xf32, #tpu.memory_space<vmem>>, vector<1x64x4096xf32>
    %get3A_26 = vector.shape_cast %get3A_25 : vector<1x64x4096xf32> to vector<64x4096xf32>
    %concatenate3A = tpu.concatenate %add3A, %add3A_21 in 1 : vector<64x2048xf32>, vector<64x2048xf32> -> vector<64x4096xf32>
    %add3A_27 = arith.addf %get3A_26, %concatenate3A : vector<64x4096xf32>
    %swap3A = arith.constant 0 : index
    %swap3A_28 = arith.constant 0 : index
    %swap3A_29 = arith.constant 0 : index
    %swap3A_30 = vector.load %arg6[%swap3A, %swap3A_28, %swap3A_29] : memref<1x64x4096xf32, #tpu.memory_space<vmem>>, vector<1x64x4096xf32>
    %swap3A_31 = vector.shape_cast %swap3A_30 : vector<1x64x4096xf32> to vector<64x4096xf32>
    %swap3A_32 = vector.shape_cast %add3A_27 : vector<64x4096xf32> to vector<1x64x4096xf32>
    tpu.vector_store %arg6[%swap3A, %swap3A_28, %swap3A_29], %swap3A_32 {strides = array<i32>} : memref<1x64x4096xf32, #tpu.memory_space<vmem>>, vector<1x64x4096xf32>,
    return
  }
  func.func @transform_0(%arg0: i32) -> (i32, i32) {
    %c0_i32 = arith.constant 0 : i32
    %c0_i32_0 = arith.constant 0 : i32
    return %arg0, %c0_i32 : i32, i32
  }
  func.func @transform_1(%arg0: i32) -> (i32, i32) {
    %c0_i32 = arith.constant 0 : i32
    %c0_i32_0 = arith.constant 0 : i32
    return %arg0, %c0_i32 : i32, i32
  }
  func.func @transform_2(%arg0: i32) -> (i32, i32, i32) {
    %c0_i32 = arith.constant 0 : i32
    %c0_i32_0 = arith.constant 0 : i32
    %c0_i32_1 = arith.constant 0 : i32
    return %arg0, %c0_i32, %c0_i32_0 : i32, i32, i32
  }
  func.func @transform_3(%arg0: i32) -> (i32, i32) {
    %c0_i32 = arith.constant 0 : i32
    %c0_i32_0 = arith.constant 0 : i32
    %c0_i32_1 = arith.constant 0 : i32
    return %c0_i32, %c0_i32_0 : i32, i32
  }
  func.func @transform_4(%arg0: i32) -> (i32, i32) {
    %c0_i32 = arith.constant 0 : i32
    %c0_i32_0 = arith.constant 0 : i32
    %c0_i32_1 = arith.constant 0 : i32
    return %c0_i32, %c0_i32_0 : i32, i32
  }
  func.func @transform_5(%arg0: i32) -> (i32, i32, i32) {
    %c0_i32 = arith.constant 0 : i32
    %c0_i32_0 = arith.constant 0 : i32
    %c0_i32_1 = arith.constant 0 : i32
    return %arg0, %c0_i32, %c0_i32_0 : i32, i32, i32
  }
}

module attributes {stable_mosaic.version = 14 : i64} {
  func.func @_dense_body(%arg0: i32, %arg1: memref<50x16x256xf32, #tpu.memory_space<vmem>>, %arg2: memref<3x50x256xf32, #tpu.memory_space<vmem>>, %arg3: memref<64x16xf32, #tpu.memory_space<vmem>>, %arg4: memref<64x1xf32, #tpu.memory_space<vmem>>, %arg5: memref<64x3xf32, #tpu.memory_space<vmem>>, %arg6: memref<64x1xf32, #tpu.memory_space<vmem>>, %arg7: memref<64x64xf32, #tpu.memory_space<vmem>>, %arg8: memref<64x64xf32, #tpu.memory_space<vmem>>, %arg9: memref<64x1xf32, #tpu.memory_space<vmem>>, %arg10: memref<50x64x256xf32, #tpu.memory_space<vmem>>) attributes {dimension_semantics = [#tpu.dimension_semantics<arbitrary>], iteration_bounds = array<i64: 16>, scalar_prefetch = 0 : i64, scratch_operands = 0 : i64, tpu.core_type = #tpu.core_type<tc>, window_params = [{transform_indices = @transform_0, window_bounds = array<i64: 50, 16, 256>}, {transform_indices = @transform_1, window_bounds = array<i64: 3, 50, 256>}, {pipeline_mode = #tpu.pipeline_mode<synchronous>, transform_indices = @transform_2, window_bounds = array<i64: 64, 16>}, {pipeline_mode = #tpu.pipeline_mode<synchronous>, transform_indices = @transform_3, window_bounds = array<i64: 64, 1>}, {pipeline_mode = #tpu.pipeline_mode<synchronous>, transform_indices = @transform_4, window_bounds = array<i64: 64, 3>}, {pipeline_mode = #tpu.pipeline_mode<synchronous>, transform_indices = @transform_5, window_bounds = array<i64: 64, 1>}, {pipeline_mode = #tpu.pipeline_mode<synchronous>, transform_indices = @transform_6, window_bounds = array<i64: 64, 64>}, {pipeline_mode = #tpu.pipeline_mode<synchronous>, transform_indices = @transform_7, window_bounds = array<i64: 64, 64>}, {pipeline_mode = #tpu.pipeline_mode<synchronous>, transform_indices = @transform_8, window_bounds = array<i64: 64, 1>}, {transform_indices = @transform_9, window_bounds = array<i64: 50, 64, 256>}]} {
    %get3A = arith.constant 0 : index
    %get3A_0 = arith.constant 0 : index
    %get3A_1 = arith.constant 0 : index
    %get3A_2 = vector.load %arg1[%get3A, %get3A_0, %get3A_1] : memref<50x16x256xf32, #tpu.memory_space<vmem>>, vector<50x16x256xf32>
    %get3A_3 = arith.constant 0 : index
    %get3A_4 = arith.constant 0 : index
    %get3A_5 = arith.constant 0 : index
    %get3A_6 = vector.load %arg2[%get3A_3, %get3A_4, %get3A_5] : memref<3x50x256xf32, #tpu.memory_space<vmem>>, vector<3x50x256xf32>
    %get3A_7 = arith.constant 0 : index
    %get3A_8 = arith.constant 0 : index
    %get3A_9 = vector.load %arg3[%get3A_7, %get3A_8] : memref<64x16xf32, #tpu.memory_space<vmem>>, vector<64x16xf32>
    %get3A_10 = arith.constant 0 : index
    %get3A_11 = arith.constant 0 : index
    %get3A_12 = vector.load %arg4[%get3A_10, %get3A_11] : memref<64x1xf32, #tpu.memory_space<vmem>>, vector<64x1xf32>
    %get3A_13 = arith.constant 0 : index
    %get3A_14 = arith.constant 0 : index
    %get3A_15 = vector.load %arg5[%get3A_13, %get3A_14] : memref<64x3xf32, #tpu.memory_space<vmem>>, vector<64x3xf32>
    %get3A_16 = arith.constant 0 : index
    %get3A_17 = arith.constant 0 : index
    %get3A_18 = vector.load %arg6[%get3A_16, %get3A_17] : memref<64x1xf32, #tpu.memory_space<vmem>>, vector<64x1xf32>
    %get3A_19 = arith.constant 0 : index
    %get3A_20 = arith.constant 0 : index
    %get3A_21 = vector.load %arg7[%get3A_19, %get3A_20] : memref<64x64xf32, #tpu.memory_space<vmem>>, vector<64x64xf32>
    %get3A_22 = arith.constant 0 : index
    %get3A_23 = arith.constant 0 : index
    %get3A_24 = vector.load %arg8[%get3A_22, %get3A_23] : memref<64x64xf32, #tpu.memory_space<vmem>>, vector<64x64xf32>
    %get3A_25 = arith.constant 0 : index
    %get3A_26 = arith.constant 0 : index
    %get3A_27 = vector.load %arg9[%get3A_25, %get3A_26] : memref<64x1xf32, #tpu.memory_space<vmem>>, vector<64x1xf32>
    %slice3A = vector.extract_strided_slice %get3A_2 {offsets = [0, 0, 0], sizes = [1, 16, 256], strides = [1, 1, 1]} : vector<50x16x256xf32> to vector<1x16x256xf32>
    %squeeze3A = vector.shape_cast %slice3A : vector<1x16x256xf32> to vector<16x256xf32>
    %dot_general3A = arith.constant dense<0.000000e+00> : vector<64x256xf32>
    %dot_general3A_28 = tpu.matmul %get3A_9, %squeeze3A, %dot_general3A {dimension_numbers = #tpu.dot_dimension_numbers<[1], [0], [0], [1], [0, 0, 1, 1], [], []>, transpose_lhs_hint = false} : vector<64x16xf32>, vector<16x256xf32>, vector<64x256xf32> -> vector<64x256xf32>
    %add3A = vector.broadcast %get3A_12 : vector<64x1xf32> to vector<64x256xf32>
    %add3A_29 = arith.addf %dot_general3A_28, %add3A : vector<64x256xf32>
    %max3A = arith.constant 0.000000e+00 : f32
    %max3A_30 = vector.broadcast %max3A : f32 to vector<64x256xf32>
    %max3A_31 = arith.maximumf %add3A_29, %max3A_30 : vector<64x256xf32>
    %slice3A_32 = vector.extract_strided_slice %get3A_6 {offsets = [0, 0, 0], sizes = [3, 1, 256], strides = [1, 1, 1]} : vector<3x50x256xf32> to vector<3x1x256xf32>
    %squeeze3A_33 = vector.shape_cast %slice3A_32 : vector<3x1x256xf32> to vector<3x256xf32>
    %dot_general3A_34 = arith.constant dense<0.000000e+00> : vector<64x256xf32>
    %dot_general3A_35 = tpu.matmul %get3A_15, %squeeze3A_33, %dot_general3A_34 {dimension_numbers = #tpu.dot_dimension_numbers<[1], [0], [0], [1], [0, 0, 1, 1], [], []>, transpose_lhs_hint = false} : vector<64x3xf32>, vector<3x256xf32>, vector<64x256xf32> -> vector<64x256xf32>
    %add3A_36 = vector.broadcast %get3A_18 : vector<64x1xf32> to vector<64x256xf32>
    %add3A_37 = arith.addf %dot_general3A_35, %add3A_36 : vector<64x256xf32>
    %max3A_38 = arith.constant 0.000000e+00 : f32
    %max3A_39 = vector.broadcast %max3A_38 : f32 to vector<64x256xf32>
    %max3A_40 = arith.maximumf %add3A_37, %max3A_39 : vector<64x256xf32>
    %dot_general3A_41 = arith.constant dense<0.000000e+00> : vector<64x256xf32>
    %dot_general3A_42 = tpu.matmul %get3A_21, %max3A_31, %dot_general3A_41 {dimension_numbers = #tpu.dot_dimension_numbers<[1], [0], [0], [1], [0, 0, 1, 1], [], []>, transpose_lhs_hint = false} : vector<64x64xf32>, vector<64x256xf32>, vector<64x256xf32> -> vector<64x256xf32>
    %dot_general3A_43 = arith.constant dense<0.000000e+00> : vector<64x256xf32>
    %dot_general3A_44 = tpu.matmul %get3A_24, %max3A_40, %dot_general3A_43 {dimension_numbers = #tpu.dot_dimension_numbers<[1], [0], [0], [1], [0, 0, 1, 1], [], []>, transpose_lhs_hint = false} : vector<64x64xf32>, vector<64x256xf32>, vector<64x256xf32> -> vector<64x256xf32>
    %add3A_45 = arith.addf %dot_general3A_42, %dot_general3A_44 : vector<64x256xf32>
    %add3A_46 = vector.broadcast %get3A_27 : vector<64x1xf32> to vector<64x256xf32>
    %add3A_47 = arith.addf %add3A_45, %add3A_46 : vector<64x256xf32>
    %swap3A = arith.constant 0 : index
    %swap3A_48 = arith.constant 0 : index
    %swap3A_49 = arith.constant 0 : index
    %swap3A_50 = vector.load %arg10[%swap3A, %swap3A_48, %swap3A_49] : memref<50x64x256xf32, #tpu.memory_space<vmem>>, vector<1x64x256xf32>
    %swap3A_51 = vector.shape_cast %swap3A_50 : vector<1x64x256xf32> to vector<64x256xf32>
    %swap3A_52 = vector.shape_cast %add3A_47 : vector<64x256xf32> to vector<1x64x256xf32>
    tpu.vector_store %arg10[%swap3A, %swap3A_48, %swap3A_49], %swap3A_52 {strides = array<i32>} : memref<50x64x256xf32, #tpu.memory_space<vmem>>, vector<1x64x256xf32>,
    %slice3A_53 = vector.extract_strided_slice %get3A_2 {offsets = [1, 0, 0], sizes = [1, 16, 256], strides = [1, 1, 1]} : vector<50x16x256xf32> to vector<1x16x256xf32>
    %squeeze3A_54 = vector.shape_cast %slice3A_53 : vector<1x16x256xf32> to vector<16x256xf32>
    %dot_general3A_55 = arith.constant dense<0.000000e+00> : vector<64x256xf32>
    %dot_general3A_56 = tpu.matmul %get3A_9, %squeeze3A_54, %dot_general3A_55 {dimension_numbers = #tpu.dot_dimension_numbers<[1], [0], [0], [1], [0, 0, 1, 1], [], []>, transpose_lhs_hint = false} : vector<64x16xf32>, vector<16x256xf32>, vector<64x256xf32> -> vector<64x256xf32>
    %add3A_57 = vector.broadcast %get3A_12 : vector<64x1xf32> to vector<64x256xf32>
    %add3A_58 = arith.addf %dot_general3A_56, %add3A_57 : vector<64x256xf32>
    %max3A_59 = arith.constant 0.000000e+00 : f32
    %max3A_60 = vector.broadcast %max3A_59 : f32 to vector<64x256xf32>
    %max3A_61 = arith.maximumf %add3A_58, %max3A_60 : vector<64x256xf32>
    %slice3A_62 = vector.extract_strided_slice %get3A_6 {offsets = [0, 1, 0], sizes = [3, 1, 256], strides = [1, 1, 1]} : vector<3x50x256xf32> to vector<3x1x256xf32>
    %squeeze3A_63 = vector.shape_cast %slice3A_62 : vector<3x1x256xf32> to vector<3x256xf32>
    %dot_general3A_64 = arith.constant dense<0.000000e+00> : vector<64x256xf32>
    %dot_general3A_65 = tpu.matmul %get3A_15, %squeeze3A_63, %dot_general3A_64 {dimension_numbers = #tpu.dot_dimension_numbers<[1], [0], [0], [1], [0, 0, 1, 1], [], []>, transpose_lhs_hint = false} : vector<64x3xf32>, vector<3x256xf32>, vector<64x256xf32> -> vector<64x256xf32>
    %add3A_66 = vector.broadcast %get3A_18 : vector<64x1xf32> to vector<64x256xf32>
    %add3A_67 = arith.addf %dot_general3A_65, %add3A_66 : vector<64x256xf32>
    %max3A_68 = arith.constant 0.000000e+00 : f32
    %max3A_69 = vector.broadcast %max3A_68 : f32 to vector<64x256xf32>
    %max3A_70 = arith.maximumf %add3A_67, %max3A_69 : vector<64x256xf32>
    %dot_general3A_71 = arith.constant dense<0.000000e+00> : vector<64x256xf32>
    %dot_general3A_72 = tpu.matmul %get3A_21, %max3A_61, %dot_general3A_71 {dimension_numbers = #tpu.dot_dimension_numbers<[1], [0], [0], [1], [0, 0, 1, 1], [], []>, transpose_lhs_hint = false} : vector<64x64xf32>, vector<64x256xf32>, vector<64x256xf32> -> vector<64x256xf32>
    %dot_general3A_73 = arith.constant dense<0.000000e+00> : vector<64x256xf32>
    %dot_general3A_74 = tpu.matmul %get3A_24, %max3A_70, %dot_general3A_73 {dimension_numbers = #tpu.dot_dimension_numbers<[1], [0], [0], [1], [0, 0, 1, 1], [], []>, transpose_lhs_hint = false} : vector<64x64xf32>, vector<64x256xf32>, vector<64x256xf32> -> vector<64x256xf32>
    %add3A_75 = arith.addf %dot_general3A_72, %dot_general3A_74 : vector<64x256xf32>
    %add3A_76 = vector.broadcast %get3A_27 : vector<64x1xf32> to vector<64x256xf32>
    %add3A_77 = arith.addf %add3A_75, %add3A_76 : vector<64x256xf32>
    %swap3A_78 = arith.constant 1 : index
    %swap3A_79 = arith.constant 0 : index
    %swap3A_80 = arith.constant 0 : index
    %swap3A_81 = vector.load %arg10[%swap3A_78, %swap3A_79, %swap3A_80] : memref<50x64x256xf32, #tpu.memory_space<vmem>>, vector<1x64x256xf32>
    %swap3A_82 = vector.shape_cast %swap3A_81 : vector<1x64x256xf32> to vector<64x256xf32>
    %swap3A_83 = vector.shape_cast %add3A_77 : vector<64x256xf32> to vector<1x64x256xf32>
    tpu.vector_store %arg10[%swap3A_78, %swap3A_79, %swap3A_80], %swap3A_83 {strides = array<i32>} : memref<50x64x256xf32, #tpu.memory_space<vmem>>, vector<1x64x256xf32>,
    %slice3A_84 = vector.extract_strided_slice %get3A_2 {offsets = [2, 0, 0], sizes = [1, 16, 256], strides = [1, 1, 1]} : vector<50x16x256xf32> to vector<1x16x256xf32>
    %squeeze3A_85 = vector.shape_cast %slice3A_84 : vector<1x16x256xf32> to vector<16x256xf32>
    %dot_general3A_86 = arith.constant dense<0.000000e+00> : vector<64x256xf32>
    %dot_general3A_87 = tpu.matmul %get3A_9, %squeeze3A_85, %dot_general3A_86 {dimension_numbers = #tpu.dot_dimension_numbers<[1], [0], [0], [1], [0, 0, 1, 1], [], []>, transpose_lhs_hint = false} : vector<64x16xf32>, vector<16x256xf32>, vector<64x256xf32> -> vector<64x256xf32>
    %add3A_88 = vector.broadcast %get3A_12 : vector<64x1xf32> to vector<64x256xf32>
    %add3A_89 = arith.addf %dot_general3A_87, %add3A_88 : vector<64x256xf32>
    %max3A_90 = arith.constant 0.000000e+00 : f32
    %max3A_91 = vector.broadcast %max3A_90 : f32 to vector<64x256xf32>
    %max3A_92 = arith.maximumf %add3A_89, %max3A_91 : vector<64x256xf32>
    %slice3A_93 = vector.extract_strided_slice %get3A_6 {offsets = [0, 2, 0], sizes = [3, 1, 256], strides = [1, 1, 1]} : vector<3x50x256xf32> to vector<3x1x256xf32>
    %squeeze3A_94 = vector.shape_cast %slice3A_93 : vector<3x1x256xf32> to vector<3x256xf32>
    %dot_general3A_95 = arith.constant dense<0.000000e+00> : vector<64x256xf32>
    %dot_general3A_96 = tpu.matmul %get3A_15, %squeeze3A_94, %dot_general3A_95 {dimension_numbers = #tpu.dot_dimension_numbers<[1], [0], [0], [1], [0, 0, 1, 1], [], []>, transpose_lhs_hint = false} : vector<64x3xf32>, vector<3x256xf32>, vector<64x256xf32> -> vector<64x256xf32>
    %add3A_97 = vector.broadcast %get3A_18 : vector<64x1xf32> to vector<64x256xf32>
    %add3A_98 = arith.addf %dot_general3A_96, %add3A_97 : vector<64x256xf32>
    %max3A_99 = arith.constant 0.000000e+00 : f32
    %max3A_100 = vector.broadcast %max3A_99 : f32 to vector<64x256xf32>
    %max3A_101 = arith.maximumf %add3A_98, %max3A_100 : vector<64x256xf32>
    %dot_general3A_102 = arith.constant dense<0.000000e+00> : vector<64x256xf32>
    %dot_general3A_103 = tpu.matmul %get3A_21, %max3A_92, %dot_general3A_102 {dimension_numbers = #tpu.dot_dimension_numbers<[1], [0], [0], [1], [0, 0, 1, 1], [], []>, transpose_lhs_hint = false} : vector<64x64xf32>, vector<64x256xf32>, vector<64x256xf32> -> vector<64x256xf32>
    %dot_general3A_104 = arith.constant dense<0.000000e+00> : vector<64x256xf32>
    %dot_general3A_105 = tpu.matmul %get3A_24, %max3A_101, %dot_general3A_104 {dimension_numbers = #tpu.dot_dimension_numbers<[1], [0], [0], [1], [0, 0, 1, 1], [], []>, transpose_lhs_hint = false} : vector<64x64xf32>, vector<64x256xf32>, vector<64x256xf32> -> vector<64x256xf32>
    %add3A_106 = arith.addf %dot_general3A_103, %dot_general3A_105 : vector<64x256xf32>
    %add3A_107 = vector.broadcast %get3A_27 : vector<64x1xf32> to vector<64x256xf32>
    %add3A_108 = arith.addf %add3A_106, %add3A_107 : vector<64x256xf32>
    %swap3A_109 = arith.constant 2 : index
    %swap3A_110 = arith.constant 0 : index
    %swap3A_111 = arith.constant 0 : index
    %swap3A_112 = vector.load %arg10[%swap3A_109, %swap3A_110, %swap3A_111] : memref<50x64x256xf32, #tpu.memory_space<vmem>>, vector<1x64x256xf32>
    %swap3A_113 = vector.shape_cast %swap3A_112 : vector<1x64x256xf32> to vector<64x256xf32>
    %swap3A_114 = vector.shape_cast %add3A_108 : vector<64x256xf32> to vector<1x64x256xf32>
    tpu.vector_store %arg10[%swap3A_109, %swap3A_110, %swap3A_111], %swap3A_114 {strides = array<i32>} : memref<50x64x256xf32, #tpu.memory_space<vmem>>, vector<1x64x256xf32>,
    %slice3A_115 = vector.extract_strided_slice %get3A_2 {offsets = [3, 0, 0], sizes = [1, 16, 256], strides = [1, 1, 1]} : vector<50x16x256xf32> to vector<1x16x256xf32>
    %squeeze3A_116 = vector.shape_cast %slice3A_115 : vector<1x16x256xf32> to vector<16x256xf32>
    %dot_general3A_117 = arith.constant dense<0.000000e+00> : vector<64x256xf32>
    %dot_general3A_118 = tpu.matmul %get3A_9, %squeeze3A_116, %dot_general3A_117 {dimension_numbers = #tpu.dot_dimension_numbers<[1], [0], [0], [1], [0, 0, 1, 1], [], []>, transpose_lhs_hint = false} : vector<64x16xf32>, vector<16x256xf32>, vector<64x256xf32> -> vector<64x256xf32>
    %add3A_119 = vector.broadcast %get3A_12 : vector<64x1xf32> to vector<64x256xf32>
    %add3A_120 = arith.addf %dot_general3A_118, %add3A_119 : vector<64x256xf32>
    %max3A_121 = arith.constant 0.000000e+00 : f32
    %max3A_122 = vector.broadcast %max3A_121 : f32 to vector<64x256xf32>
    %max3A_123 = arith.maximumf %add3A_120, %max3A_122 : vector<64x256xf32>
    %slice3A_124 = vector.extract_strided_slice %get3A_6 {offsets = [0, 3, 0], sizes = [3, 1, 256], strides = [1, 1, 1]} : vector<3x50x256xf32> to vector<3x1x256xf32>
    %squeeze3A_125 = vector.shape_cast %slice3A_124 : vector<3x1x256xf32> to vector<3x256xf32>
    %dot_general3A_126 = arith.constant dense<0.000000e+00> : vector<64x256xf32>
    %dot_general3A_127 = tpu.matmul %get3A_15, %squeeze3A_125, %dot_general3A_126 {dimension_numbers = #tpu.dot_dimension_numbers<[1], [0], [0], [1], [0, 0, 1, 1], [], []>, transpose_lhs_hint = false} : vector<64x3xf32>, vector<3x256xf32>, vector<64x256xf32> -> vector<64x256xf32>
    %add3A_128 = vector.broadcast %get3A_18 : vector<64x1xf32> to vector<64x256xf32>
    %add3A_129 = arith.addf %dot_general3A_127, %add3A_128 : vector<64x256xf32>
    %max3A_130 = arith.constant 0.000000e+00 : f32
    %max3A_131 = vector.broadcast %max3A_130 : f32 to vector<64x256xf32>
    %max3A_132 = arith.maximumf %add3A_129, %max3A_131 : vector<64x256xf32>
    %dot_general3A_133 = arith.constant dense<0.000000e+00> : vector<64x256xf32>
    %dot_general3A_134 = tpu.matmul %get3A_21, %max3A_123, %dot_general3A_133 {dimension_numbers = #tpu.dot_dimension_numbers<[1], [0], [0], [1], [0, 0, 1, 1], [], []>, transpose_lhs_hint = false} : vector<64x64xf32>, vector<64x256xf32>, vector<64x256xf32> -> vector<64x256xf32>
    %dot_general3A_135 = arith.constant dense<0.000000e+00> : vector<64x256xf32>
    %dot_general3A_136 = tpu.matmul %get3A_24, %max3A_132, %dot_general3A_135 {dimension_numbers = #tpu.dot_dimension_numbers<[1], [0], [0], [1], [0, 0, 1, 1], [], []>, transpose_lhs_hint = false} : vector<64x64xf32>, vector<64x256xf32>, vector<64x256xf32> -> vector<64x256xf32>
    %add3A_137 = arith.addf %dot_general3A_134, %dot_general3A_136 : vector<64x256xf32>
    %add3A_138 = vector.broadcast %get3A_27 : vector<64x1xf32> to vector<64x256xf32>
    %add3A_139 = arith.addf %add3A_137, %add3A_138 : vector<64x256xf32>
    %swap3A_140 = arith.constant 3 : index
    %swap3A_141 = arith.constant 0 : index
    %swap3A_142 = arith.constant 0 : index
    %swap3A_143 = vector.load %arg10[%swap3A_140, %swap3A_141, %swap3A_142] : memref<50x64x256xf32, #tpu.memory_space<vmem>>, vector<1x64x256xf32>
    %swap3A_144 = vector.shape_cast %swap3A_143 : vector<1x64x256xf32> to vector<64x256xf32>
    %swap3A_145 = vector.shape_cast %add3A_139 : vector<64x256xf32> to vector<1x64x256xf32>
    tpu.vector_store %arg10[%swap3A_140, %swap3A_141, %swap3A_142], %swap3A_145 {strides = array<i32>} : memref<50x64x256xf32, #tpu.memory_space<vmem>>, vector<1x64x256xf32>,
    %slice3A_146 = vector.extract_strided_slice %get3A_2 {offsets = [4, 0, 0], sizes = [1, 16, 256], strides = [1, 1, 1]} : vector<50x16x256xf32> to vector<1x16x256xf32>
    %squeeze3A_147 = vector.shape_cast %slice3A_146 : vector<1x16x256xf32> to vector<16x256xf32>
    %dot_general3A_148 = arith.constant dense<0.000000e+00> : vector<64x256xf32>
    %dot_general3A_149 = tpu.matmul %get3A_9, %squeeze3A_147, %dot_general3A_148 {dimension_numbers = #tpu.dot_dimension_numbers<[1], [0], [0], [1], [0, 0, 1, 1], [], []>, transpose_lhs_hint = false} : vector<64x16xf32>, vector<16x256xf32>, vector<64x256xf32> -> vector<64x256xf32>
    %add3A_150 = vector.broadcast %get3A_12 : vector<64x1xf32> to vector<64x256xf32>
    %add3A_151 = arith.addf %dot_general3A_149, %add3A_150 : vector<64x256xf32>
    %max3A_152 = arith.constant 0.000000e+00 : f32
    %max3A_153 = vector.broadcast %max3A_152 : f32 to vector<64x256xf32>
    %max3A_154 = arith.maximumf %add3A_151, %max3A_153 : vector<64x256xf32>
    %slice3A_155 = vector.extract_strided_slice %get3A_6 {offsets = [0, 4, 0], sizes = [3, 1, 256], strides = [1, 1, 1]} : vector<3x50x256xf32> to vector<3x1x256xf32>
    %squeeze3A_156 = vector.shape_cast %slice3A_155 : vector<3x1x256xf32> to vector<3x256xf32>
    %dot_general3A_157 = arith.constant dense<0.000000e+00> : vector<64x256xf32>
    %dot_general3A_158 = tpu.matmul %get3A_15, %squeeze3A_156, %dot_general3A_157 {dimension_numbers = #tpu.dot_dimension_numbers<[1], [0], [0], [1], [0, 0, 1, 1], [], []>, transpose_lhs_hint = false} : vector<64x3xf32>, vector<3x256xf32>, vector<64x256xf32> -> vector<64x256xf32>
    %add3A_159 = vector.broadcast %get3A_18 : vector<64x1xf32> to vector<64x256xf32>
    %add3A_160 = arith.addf %dot_general3A_158, %add3A_159 : vector<64x256xf32>
    %max3A_161 = arith.constant 0.000000e+00 : f32
    %max3A_162 = vector.broadcast %max3A_161 : f32 to vector<64x256xf32>
    %max3A_163 = arith.maximumf %add3A_160, %max3A_162 : vector<64x256xf32>
    %dot_general3A_164 = arith.constant dense<0.000000e+00> : vector<64x256xf32>
    %dot_general3A_165 = tpu.matmul %get3A_21, %max3A_154, %dot_general3A_164 {dimension_numbers = #tpu.dot_dimension_numbers<[1], [0], [0], [1], [0, 0, 1, 1], [], []>, transpose_lhs_hint = false} : vector<64x64xf32>, vector<64x256xf32>, vector<64x256xf32> -> vector<64x256xf32>
    %dot_general3A_166 = arith.constant dense<0.000000e+00> : vector<64x256xf32>
    %dot_general3A_167 = tpu.matmul %get3A_24, %max3A_163, %dot_general3A_166 {dimension_numbers = #tpu.dot_dimension_numbers<[1], [0], [0], [1], [0, 0, 1, 1], [], []>, transpose_lhs_hint = false} : vector<64x64xf32>, vector<64x256xf32>, vector<64x256xf32> -> vector<64x256xf32>
    %add3A_168 = arith.addf %dot_general3A_165, %dot_general3A_167 : vector<64x256xf32>
    %add3A_169 = vector.broadcast %get3A_27 : vector<64x1xf32> to vector<64x256xf32>
    %add3A_170 = arith.addf %add3A_168, %add3A_169 : vector<64x256xf32>
    %swap3A_171 = arith.constant 4 : index
    %swap3A_172 = arith.constant 0 : index
    %swap3A_173 = arith.constant 0 : index
    %swap3A_174 = vector.load %arg10[%swap3A_171, %swap3A_172, %swap3A_173] : memref<50x64x256xf32, #tpu.memory_space<vmem>>, vector<1x64x256xf32>
    %swap3A_175 = vector.shape_cast %swap3A_174 : vector<1x64x256xf32> to vector<64x256xf32>
    %swap3A_176 = vector.shape_cast %add3A_170 : vector<64x256xf32> to vector<1x64x256xf32>
    tpu.vector_store %arg10[%swap3A_171, %swap3A_172, %swap3A_173], %swap3A_176 {strides = array<i32>} : memref<50x64x256xf32, #tpu.memory_space<vmem>>, vector<1x64x256xf32>,
    %slice3A_177 = vector.extract_strided_slice %get3A_2 {offsets = [5, 0, 0], sizes = [1, 16, 256], strides = [1, 1, 1]} : vector<50x16x256xf32> to vector<1x16x256xf32>
    %squeeze3A_178 = vector.shape_cast %slice3A_177 : vector<1x16x256xf32> to vector<16x256xf32>
    %dot_general3A_179 = arith.constant dense<0.000000e+00> : vector<64x256xf32>
    %dot_general3A_180 = tpu.matmul %get3A_9, %squeeze3A_178, %dot_general3A_179 {dimension_numbers = #tpu.dot_dimension_numbers<[1], [0], [0], [1], [0, 0, 1, 1], [], []>, transpose_lhs_hint = false} : vector<64x16xf32>, vector<16x256xf32>, vector<64x256xf32> -> vector<64x256xf32>
    %add3A_181 = vector.broadcast %get3A_12 : vector<64x1xf32> to vector<64x256xf32>
    %add3A_182 = arith.addf %dot_general3A_180, %add3A_181 : vector<64x256xf32>
    %max3A_183 = arith.constant 0.000000e+00 : f32
    %max3A_184 = vector.broadcast %max3A_183 : f32 to vector<64x256xf32>
    %max3A_185 = arith.maximumf %add3A_182, %max3A_184 : vector<64x256xf32>
    %slice3A_186 = vector.extract_strided_slice %get3A_6 {offsets = [0, 5, 0], sizes = [3, 1, 256], strides = [1, 1, 1]} : vector<3x50x256xf32> to vector<3x1x256xf32>
    %squeeze3A_187 = vector.shape_cast %slice3A_186 : vector<3x1x256xf32> to vector<3x256xf32>
    %dot_general3A_188 = arith.constant dense<0.000000e+00> : vector<64x256xf32>
    %dot_general3A_189 = tpu.matmul %get3A_15, %squeeze3A_187, %dot_general3A_188 {dimension_numbers = #tpu.dot_dimension_numbers<[1], [0], [0], [1], [0, 0, 1, 1], [], []>, transpose_lhs_hint = false} : vector<64x3xf32>, vector<3x256xf32>, vector<64x256xf32> -> vector<64x256xf32>
    %add3A_190 = vector.broadcast %get3A_18 : vector<64x1xf32> to vector<64x256xf32>
    %add3A_191 = arith.addf %dot_general3A_189, %add3A_190 : vector<64x256xf32>
    %max3A_192 = arith.constant 0.000000e+00 : f32
    %max3A_193 = vector.broadcast %max3A_192 : f32 to vector<64x256xf32>
    %max3A_194 = arith.maximumf %add3A_191, %max3A_193 : vector<64x256xf32>
    %dot_general3A_195 = arith.constant dense<0.000000e+00> : vector<64x256xf32>
    %dot_general3A_196 = tpu.matmul %get3A_21, %max3A_185, %dot_general3A_195 {dimension_numbers = #tpu.dot_dimension_numbers<[1], [0], [0], [1], [0, 0, 1, 1], [], []>, transpose_lhs_hint = false} : vector<64x64xf32>, vector<64x256xf32>, vector<64x256xf32> -> vector<64x256xf32>
    %dot_general3A_197 = arith.constant dense<0.000000e+00> : vector<64x256xf32>
    %dot_general3A_198 = tpu.matmul %get3A_24, %max3A_194, %dot_general3A_197 {dimension_numbers = #tpu.dot_dimension_numbers<[1], [0], [0], [1], [0, 0, 1, 1], [], []>, transpose_lhs_hint = false} : vector<64x64xf32>, vector<64x256xf32>, vector<64x256xf32> -> vector<64x256xf32>
    %add3A_199 = arith.addf %dot_general3A_196, %dot_general3A_198 : vector<64x256xf32>
    %add3A_200 = vector.broadcast %get3A_27 : vector<64x1xf32> to vector<64x256xf32>
    %add3A_201 = arith.addf %add3A_199, %add3A_200 : vector<64x256xf32>
    %swap3A_202 = arith.constant 5 : index
    %swap3A_203 = arith.constant 0 : index
    %swap3A_204 = arith.constant 0 : index
    %swap3A_205 = vector.load %arg10[%swap3A_202, %swap3A_203, %swap3A_204] : memref<50x64x256xf32, #tpu.memory_space<vmem>>, vector<1x64x256xf32>
    %swap3A_206 = vector.shape_cast %swap3A_205 : vector<1x64x256xf32> to vector<64x256xf32>
    %swap3A_207 = vector.shape_cast %add3A_201 : vector<64x256xf32> to vector<1x64x256xf32>
    tpu.vector_store %arg10[%swap3A_202, %swap3A_203, %swap3A_204], %swap3A_207 {strides = array<i32>} : memref<50x64x256xf32, #tpu.memory_space<vmem>>, vector<1x64x256xf32>,
    %slice3A_208 = vector.extract_strided_slice %get3A_2 {offsets = [6, 0, 0], sizes = [1, 16, 256], strides = [1, 1, 1]} : vector<50x16x256xf32> to vector<1x16x256xf32>
    %squeeze3A_209 = vector.shape_cast %slice3A_208 : vector<1x16x256xf32> to vector<16x256xf32>
    %dot_general3A_210 = arith.constant dense<0.000000e+00> : vector<64x256xf32>
    %dot_general3A_211 = tpu.matmul %get3A_9, %squeeze3A_209, %dot_general3A_210 {dimension_numbers = #tpu.dot_dimension_numbers<[1], [0], [0], [1], [0, 0, 1, 1], [], []>, transpose_lhs_hint = false} : vector<64x16xf32>, vector<16x256xf32>, vector<64x256xf32> -> vector<64x256xf32>
    %add3A_212 = vector.broadcast %get3A_12 : vector<64x1xf32> to vector<64x256xf32>
    %add3A_213 = arith.addf %dot_general3A_211, %add3A_212 : vector<64x256xf32>
    %max3A_214 = arith.constant 0.000000e+00 : f32
    %max3A_215 = vector.broadcast %max3A_214 : f32 to vector<64x256xf32>
    %max3A_216 = arith.maximumf %add3A_213, %max3A_215 : vector<64x256xf32>
    %slice3A_217 = vector.extract_strided_slice %get3A_6 {offsets = [0, 6, 0], sizes = [3, 1, 256], strides = [1, 1, 1]} : vector<3x50x256xf32> to vector<3x1x256xf32>
    %squeeze3A_218 = vector.shape_cast %slice3A_217 : vector<3x1x256xf32> to vector<3x256xf32>
    %dot_general3A_219 = arith.constant dense<0.000000e+00> : vector<64x256xf32>
    %dot_general3A_220 = tpu.matmul %get3A_15, %squeeze3A_218, %dot_general3A_219 {dimension_numbers = #tpu.dot_dimension_numbers<[1], [0], [0], [1], [0, 0, 1, 1], [], []>, transpose_lhs_hint = false} : vector<64x3xf32>, vector<3x256xf32>, vector<64x256xf32> -> vector<64x256xf32>
    %add3A_221 = vector.broadcast %get3A_18 : vector<64x1xf32> to vector<64x256xf32>
    %add3A_222 = arith.addf %dot_general3A_220, %add3A_221 : vector<64x256xf32>
    %max3A_223 = arith.constant 0.000000e+00 : f32
    %max3A_224 = vector.broadcast %max3A_223 : f32 to vector<64x256xf32>
    %max3A_225 = arith.maximumf %add3A_222, %max3A_224 : vector<64x256xf32>
    %dot_general3A_226 = arith.constant dense<0.000000e+00> : vector<64x256xf32>
    %dot_general3A_227 = tpu.matmul %get3A_21, %max3A_216, %dot_general3A_226 {dimension_numbers = #tpu.dot_dimension_numbers<[1], [0], [0], [1], [0, 0, 1, 1], [], []>, transpose_lhs_hint = false} : vector<64x64xf32>, vector<64x256xf32>, vector<64x256xf32> -> vector<64x256xf32>
    %dot_general3A_228 = arith.constant dense<0.000000e+00> : vector<64x256xf32>
    %dot_general3A_229 = tpu.matmul %get3A_24, %max3A_225, %dot_general3A_228 {dimension_numbers = #tpu.dot_dimension_numbers<[1], [0], [0], [1], [0, 0, 1, 1], [], []>, transpose_lhs_hint = false} : vector<64x64xf32>, vector<64x256xf32>, vector<64x256xf32> -> vector<64x256xf32>
    %add3A_230 = arith.addf %dot_general3A_227, %dot_general3A_229 : vector<64x256xf32>
    %add3A_231 = vector.broadcast %get3A_27 : vector<64x1xf32> to vector<64x256xf32>
    %add3A_232 = arith.addf %add3A_230, %add3A_231 : vector<64x256xf32>
    %swap3A_233 = arith.constant 6 : index
    %swap3A_234 = arith.constant 0 : index
    %swap3A_235 = arith.constant 0 : index
    %swap3A_236 = vector.load %arg10[%swap3A_233, %swap3A_234, %swap3A_235] : memref<50x64x256xf32, #tpu.memory_space<vmem>>, vector<1x64x256xf32>
    %swap3A_237 = vector.shape_cast %swap3A_236 : vector<1x64x256xf32> to vector<64x256xf32>
    %swap3A_238 = vector.shape_cast %add3A_232 : vector<64x256xf32> to vector<1x64x256xf32>
    tpu.vector_store %arg10[%swap3A_233, %swap3A_234, %swap3A_235], %swap3A_238 {strides = array<i32>} : memref<50x64x256xf32, #tpu.memory_space<vmem>>, vector<1x64x256xf32>,
    %slice3A_239 = vector.extract_strided_slice %get3A_2 {offsets = [7, 0, 0], sizes = [1, 16, 256], strides = [1, 1, 1]} : vector<50x16x256xf32> to vector<1x16x256xf32>
    %squeeze3A_240 = vector.shape_cast %slice3A_239 : vector<1x16x256xf32> to vector<16x256xf32>
    %dot_general3A_241 = arith.constant dense<0.000000e+00> : vector<64x256xf32>
    %dot_general3A_242 = tpu.matmul %get3A_9, %squeeze3A_240, %dot_general3A_241 {dimension_numbers = #tpu.dot_dimension_numbers<[1], [0], [0], [1], [0, 0, 1, 1], [], []>, transpose_lhs_hint = false} : vector<64x16xf32>, vector<16x256xf32>, vector<64x256xf32> -> vector<64x256xf32>
    %add3A_243 = vector.broadcast %get3A_12 : vector<64x1xf32> to vector<64x256xf32>
    %add3A_244 = arith.addf %dot_general3A_242, %add3A_243 : vector<64x256xf32>
    %max3A_245 = arith.constant 0.000000e+00 : f32
    %max3A_246 = vector.broadcast %max3A_245 : f32 to vector<64x256xf32>
    %max3A_247 = arith.maximumf %add3A_244, %max3A_246 : vector<64x256xf32>
    %slice3A_248 = vector.extract_strided_slice %get3A_6 {offsets = [0, 7, 0], sizes = [3, 1, 256], strides = [1, 1, 1]} : vector<3x50x256xf32> to vector<3x1x256xf32>
    %squeeze3A_249 = vector.shape_cast %slice3A_248 : vector<3x1x256xf32> to vector<3x256xf32>
    %dot_general3A_250 = arith.constant dense<0.000000e+00> : vector<64x256xf32>
    %dot_general3A_251 = tpu.matmul %get3A_15, %squeeze3A_249, %dot_general3A_250 {dimension_numbers = #tpu.dot_dimension_numbers<[1], [0], [0], [1], [0, 0, 1, 1], [], []>, transpose_lhs_hint = false} : vector<64x3xf32>, vector<3x256xf32>, vector<64x256xf32> -> vector<64x256xf32>
    %add3A_252 = vector.broadcast %get3A_18 : vector<64x1xf32> to vector<64x256xf32>
    %add3A_253 = arith.addf %dot_general3A_251, %add3A_252 : vector<64x256xf32>
    %max3A_254 = arith.constant 0.000000e+00 : f32
    %max3A_255 = vector.broadcast %max3A_254 : f32 to vector<64x256xf32>
    %max3A_256 = arith.maximumf %add3A_253, %max3A_255 : vector<64x256xf32>
    %dot_general3A_257 = arith.constant dense<0.000000e+00> : vector<64x256xf32>
    %dot_general3A_258 = tpu.matmul %get3A_21, %max3A_247, %dot_general3A_257 {dimension_numbers = #tpu.dot_dimension_numbers<[1], [0], [0], [1], [0, 0, 1, 1], [], []>, transpose_lhs_hint = false} : vector<64x64xf32>, vector<64x256xf32>, vector<64x256xf32> -> vector<64x256xf32>
    %dot_general3A_259 = arith.constant dense<0.000000e+00> : vector<64x256xf32>
    %dot_general3A_260 = tpu.matmul %get3A_24, %max3A_256, %dot_general3A_259 {dimension_numbers = #tpu.dot_dimension_numbers<[1], [0], [0], [1], [0, 0, 1, 1], [], []>, transpose_lhs_hint = false} : vector<64x64xf32>, vector<64x256xf32>, vector<64x256xf32> -> vector<64x256xf32>
    %add3A_261 = arith.addf %dot_general3A_258, %dot_general3A_260 : vector<64x256xf32>
    %add3A_262 = vector.broadcast %get3A_27 : vector<64x1xf32> to vector<64x256xf32>
    %add3A_263 = arith.addf %add3A_261, %add3A_262 : vector<64x256xf32>
    %swap3A_264 = arith.constant 7 : index
    %swap3A_265 = arith.constant 0 : index
    %swap3A_266 = arith.constant 0 : index
    %swap3A_267 = vector.load %arg10[%swap3A_264, %swap3A_265, %swap3A_266] : memref<50x64x256xf32, #tpu.memory_space<vmem>>, vector<1x64x256xf32>
    %swap3A_268 = vector.shape_cast %swap3A_267 : vector<1x64x256xf32> to vector<64x256xf32>
    %swap3A_269 = vector.shape_cast %add3A_263 : vector<64x256xf32> to vector<1x64x256xf32>
    tpu.vector_store %arg10[%swap3A_264, %swap3A_265, %swap3A_266], %swap3A_269 {strides = array<i32>} : memref<50x64x256xf32, #tpu.memory_space<vmem>>, vector<1x64x256xf32>,
    %slice3A_270 = vector.extract_strided_slice %get3A_2 {offsets = [8, 0, 0], sizes = [1, 16, 256], strides = [1, 1, 1]} : vector<50x16x256xf32> to vector<1x16x256xf32>
    %squeeze3A_271 = vector.shape_cast %slice3A_270 : vector<1x16x256xf32> to vector<16x256xf32>
    %dot_general3A_272 = arith.constant dense<0.000000e+00> : vector<64x256xf32>
    %dot_general3A_273 = tpu.matmul %get3A_9, %squeeze3A_271, %dot_general3A_272 {dimension_numbers = #tpu.dot_dimension_numbers<[1], [0], [0], [1], [0, 0, 1, 1], [], []>, transpose_lhs_hint = false} : vector<64x16xf32>, vector<16x256xf32>, vector<64x256xf32> -> vector<64x256xf32>
    %add3A_274 = vector.broadcast %get3A_12 : vector<64x1xf32> to vector<64x256xf32>
    %add3A_275 = arith.addf %dot_general3A_273, %add3A_274 : vector<64x256xf32>
    %max3A_276 = arith.constant 0.000000e+00 : f32
    %max3A_277 = vector.broadcast %max3A_276 : f32 to vector<64x256xf32>
    %max3A_278 = arith.maximumf %add3A_275, %max3A_277 : vector<64x256xf32>
    %slice3A_279 = vector.extract_strided_slice %get3A_6 {offsets = [0, 8, 0], sizes = [3, 1, 256], strides = [1, 1, 1]} : vector<3x50x256xf32> to vector<3x1x256xf32>
    %squeeze3A_280 = vector.shape_cast %slice3A_279 : vector<3x1x256xf32> to vector<3x256xf32>
    %dot_general3A_281 = arith.constant dense<0.000000e+00> : vector<64x256xf32>
    %dot_general3A_282 = tpu.matmul %get3A_15, %squeeze3A_280, %dot_general3A_281 {dimension_numbers = #tpu.dot_dimension_numbers<[1], [0], [0], [1], [0, 0, 1, 1], [], []>, transpose_lhs_hint = false} : vector<64x3xf32>, vector<3x256xf32>, vector<64x256xf32> -> vector<64x256xf32>
    %add3A_283 = vector.broadcast %get3A_18 : vector<64x1xf32> to vector<64x256xf32>
    %add3A_284 = arith.addf %dot_general3A_282, %add3A_283 : vector<64x256xf32>
    %max3A_285 = arith.constant 0.000000e+00 : f32
    %max3A_286 = vector.broadcast %max3A_285 : f32 to vector<64x256xf32>
    %max3A_287 = arith.maximumf %add3A_284, %max3A_286 : vector<64x256xf32>
    %dot_general3A_288 = arith.constant dense<0.000000e+00> : vector<64x256xf32>
    %dot_general3A_289 = tpu.matmul %get3A_21, %max3A_278, %dot_general3A_288 {dimension_numbers = #tpu.dot_dimension_numbers<[1], [0], [0], [1], [0, 0, 1, 1], [], []>, transpose_lhs_hint = false} : vector<64x64xf32>, vector<64x256xf32>, vector<64x256xf32> -> vector<64x256xf32>
    %dot_general3A_290 = arith.constant dense<0.000000e+00> : vector<64x256xf32>
    %dot_general3A_291 = tpu.matmul %get3A_24, %max3A_287, %dot_general3A_290 {dimension_numbers = #tpu.dot_dimension_numbers<[1], [0], [0], [1], [0, 0, 1, 1], [], []>, transpose_lhs_hint = false} : vector<64x64xf32>, vector<64x256xf32>, vector<64x256xf32> -> vector<64x256xf32>
    %add3A_292 = arith.addf %dot_general3A_289, %dot_general3A_291 : vector<64x256xf32>
    %add3A_293 = vector.broadcast %get3A_27 : vector<64x1xf32> to vector<64x256xf32>
    %add3A_294 = arith.addf %add3A_292, %add3A_293 : vector<64x256xf32>
    %swap3A_295 = arith.constant 8 : index
    %swap3A_296 = arith.constant 0 : index
    %swap3A_297 = arith.constant 0 : index
    %swap3A_298 = vector.load %arg10[%swap3A_295, %swap3A_296, %swap3A_297] : memref<50x64x256xf32, #tpu.memory_space<vmem>>, vector<1x64x256xf32>
    %swap3A_299 = vector.shape_cast %swap3A_298 : vector<1x64x256xf32> to vector<64x256xf32>
    %swap3A_300 = vector.shape_cast %add3A_294 : vector<64x256xf32> to vector<1x64x256xf32>
    tpu.vector_store %arg10[%swap3A_295, %swap3A_296, %swap3A_297], %swap3A_300 {strides = array<i32>} : memref<50x64x256xf32, #tpu.memory_space<vmem>>, vector<1x64x256xf32>,
    %slice3A_301 = vector.extract_strided_slice %get3A_2 {offsets = [9, 0, 0], sizes = [1, 16, 256], strides = [1, 1, 1]} : vector<50x16x256xf32> to vector<1x16x256xf32>
    %squeeze3A_302 = vector.shape_cast %slice3A_301 : vector<1x16x256xf32> to vector<16x256xf32>
    %dot_general3A_303 = arith.constant dense<0.000000e+00> : vector<64x256xf32>
    %dot_general3A_304 = tpu.matmul %get3A_9, %squeeze3A_302, %dot_general3A_303 {dimension_numbers = #tpu.dot_dimension_numbers<[1], [0], [0], [1], [0, 0, 1, 1], [], []>, transpose_lhs_hint = false} : vector<64x16xf32>, vector<16x256xf32>, vector<64x256xf32> -> vector<64x256xf32>
    %add3A_305 = vector.broadcast %get3A_12 : vector<64x1xf32> to vector<64x256xf32>
    %add3A_306 = arith.addf %dot_general3A_304, %add3A_305 : vector<64x256xf32>
    %max3A_307 = arith.constant 0.000000e+00 : f32
    %max3A_308 = vector.broadcast %max3A_307 : f32 to vector<64x256xf32>
    %max3A_309 = arith.maximumf %add3A_306, %max3A_308 : vector<64x256xf32>
    %slice3A_310 = vector.extract_strided_slice %get3A_6 {offsets = [0, 9, 0], sizes = [3, 1, 256], strides = [1, 1, 1]} : vector<3x50x256xf32> to vector<3x1x256xf32>
    %squeeze3A_311 = vector.shape_cast %slice3A_310 : vector<3x1x256xf32> to vector<3x256xf32>
    %dot_general3A_312 = arith.constant dense<0.000000e+00> : vector<64x256xf32>
    %dot_general3A_313 = tpu.matmul %get3A_15, %squeeze3A_311, %dot_general3A_312 {dimension_numbers = #tpu.dot_dimension_numbers<[1], [0], [0], [1], [0, 0, 1, 1], [], []>, transpose_lhs_hint = false} : vector<64x3xf32>, vector<3x256xf32>, vector<64x256xf32> -> vector<64x256xf32>
    %add3A_314 = vector.broadcast %get3A_18 : vector<64x1xf32> to vector<64x256xf32>
    %add3A_315 = arith.addf %dot_general3A_313, %add3A_314 : vector<64x256xf32>
    %max3A_316 = arith.constant 0.000000e+00 : f32
    %max3A_317 = vector.broadcast %max3A_316 : f32 to vector<64x256xf32>
    %max3A_318 = arith.maximumf %add3A_315, %max3A_317 : vector<64x256xf32>
    %dot_general3A_319 = arith.constant dense<0.000000e+00> : vector<64x256xf32>
    %dot_general3A_320 = tpu.matmul %get3A_21, %max3A_309, %dot_general3A_319 {dimension_numbers = #tpu.dot_dimension_numbers<[1], [0], [0], [1], [0, 0, 1, 1], [], []>, transpose_lhs_hint = false} : vector<64x64xf32>, vector<64x256xf32>, vector<64x256xf32> -> vector<64x256xf32>
    %dot_general3A_321 = arith.constant dense<0.000000e+00> : vector<64x256xf32>
    %dot_general3A_322 = tpu.matmul %get3A_24, %max3A_318, %dot_general3A_321 {dimension_numbers = #tpu.dot_dimension_numbers<[1], [0], [0], [1], [0, 0, 1, 1], [], []>, transpose_lhs_hint = false} : vector<64x64xf32>, vector<64x256xf32>, vector<64x256xf32> -> vector<64x256xf32>
    %add3A_323 = arith.addf %dot_general3A_320, %dot_general3A_322 : vector<64x256xf32>
    %add3A_324 = vector.broadcast %get3A_27 : vector<64x1xf32> to vector<64x256xf32>
    %add3A_325 = arith.addf %add3A_323, %add3A_324 : vector<64x256xf32>
    %swap3A_326 = arith.constant 9 : index
    %swap3A_327 = arith.constant 0 : index
    %swap3A_328 = arith.constant 0 : index
    %swap3A_329 = vector.load %arg10[%swap3A_326, %swap3A_327, %swap3A_328] : memref<50x64x256xf32, #tpu.memory_space<vmem>>, vector<1x64x256xf32>
    %swap3A_330 = vector.shape_cast %swap3A_329 : vector<1x64x256xf32> to vector<64x256xf32>
    %swap3A_331 = vector.shape_cast %add3A_325 : vector<64x256xf32> to vector<1x64x256xf32>
    tpu.vector_store %arg10[%swap3A_326, %swap3A_327, %swap3A_328], %swap3A_331 {strides = array<i32>} : memref<50x64x256xf32, #tpu.memory_space<vmem>>, vector<1x64x256xf32>,
    %slice3A_332 = vector.extract_strided_slice %get3A_2 {offsets = [10, 0, 0], sizes = [1, 16, 256], strides = [1, 1, 1]} : vector<50x16x256xf32> to vector<1x16x256xf32>
    %squeeze3A_333 = vector.shape_cast %slice3A_332 : vector<1x16x256xf32> to vector<16x256xf32>
    %dot_general3A_334 = arith.constant dense<0.000000e+00> : vector<64x256xf32>
    %dot_general3A_335 = tpu.matmul %get3A_9, %squeeze3A_333, %dot_general3A_334 {dimension_numbers = #tpu.dot_dimension_numbers<[1], [0], [0], [1], [0, 0, 1, 1], [], []>, transpose_lhs_hint = false} : vector<64x16xf32>, vector<16x256xf32>, vector<64x256xf32> -> vector<64x256xf32>
    %add3A_336 = vector.broadcast %get3A_12 : vector<64x1xf32> to vector<64x256xf32>
    %add3A_337 = arith.addf %dot_general3A_335, %add3A_336 : vector<64x256xf32>
    %max3A_338 = arith.constant 0.000000e+00 : f32
    %max3A_339 = vector.broadcast %max3A_338 : f32 to vector<64x256xf32>
    %max3A_340 = arith.maximumf %add3A_337, %max3A_339 : vector<64x256xf32>
    %slice3A_341 = vector.extract_strided_slice %get3A_6 {offsets = [0, 10, 0], sizes = [3, 1, 256], strides = [1, 1, 1]} : vector<3x50x256xf32> to vector<3x1x256xf32>
    %squeeze3A_342 = vector.shape_cast %slice3A_341 : vector<3x1x256xf32> to vector<3x256xf32>
    %dot_general3A_343 = arith.constant dense<0.000000e+00> : vector<64x256xf32>
    %dot_general3A_344 = tpu.matmul %get3A_15, %squeeze3A_342, %dot_general3A_343 {dimension_numbers = #tpu.dot_dimension_numbers<[1], [0], [0], [1], [0, 0, 1, 1], [], []>, transpose_lhs_hint = false} : vector<64x3xf32>, vector<3x256xf32>, vector<64x256xf32> -> vector<64x256xf32>
    %add3A_345 = vector.broadcast %get3A_18 : vector<64x1xf32> to vector<64x256xf32>
    %add3A_346 = arith.addf %dot_general3A_344, %add3A_345 : vector<64x256xf32>
    %max3A_347 = arith.constant 0.000000e+00 : f32
    %max3A_348 = vector.broadcast %max3A_347 : f32 to vector<64x256xf32>
    %max3A_349 = arith.maximumf %add3A_346, %max3A_348 : vector<64x256xf32>
    %dot_general3A_350 = arith.constant dense<0.000000e+00> : vector<64x256xf32>
    %dot_general3A_351 = tpu.matmul %get3A_21, %max3A_340, %dot_general3A_350 {dimension_numbers = #tpu.dot_dimension_numbers<[1], [0], [0], [1], [0, 0, 1, 1], [], []>, transpose_lhs_hint = false} : vector<64x64xf32>, vector<64x256xf32>, vector<64x256xf32> -> vector<64x256xf32>
    %dot_general3A_352 = arith.constant dense<0.000000e+00> : vector<64x256xf32>
    %dot_general3A_353 = tpu.matmul %get3A_24, %max3A_349, %dot_general3A_352 {dimension_numbers = #tpu.dot_dimension_numbers<[1], [0], [0], [1], [0, 0, 1, 1], [], []>, transpose_lhs_hint = false} : vector<64x64xf32>, vector<64x256xf32>, vector<64x256xf32> -> vector<64x256xf32>
    %add3A_354 = arith.addf %dot_general3A_351, %dot_general3A_353 : vector<64x256xf32>
    %add3A_355 = vector.broadcast %get3A_27 : vector<64x1xf32> to vector<64x256xf32>
    %add3A_356 = arith.addf %add3A_354, %add3A_355 : vector<64x256xf32>
    %swap3A_357 = arith.constant 10 : index
    %swap3A_358 = arith.constant 0 : index
    %swap3A_359 = arith.constant 0 : index
    %swap3A_360 = vector.load %arg10[%swap3A_357, %swap3A_358, %swap3A_359] : memref<50x64x256xf32, #tpu.memory_space<vmem>>, vector<1x64x256xf32>
    %swap3A_361 = vector.shape_cast %swap3A_360 : vector<1x64x256xf32> to vector<64x256xf32>
    %swap3A_362 = vector.shape_cast %add3A_356 : vector<64x256xf32> to vector<1x64x256xf32>
    tpu.vector_store %arg10[%swap3A_357, %swap3A_358, %swap3A_359], %swap3A_362 {strides = array<i32>} : memref<50x64x256xf32, #tpu.memory_space<vmem>>, vector<1x64x256xf32>,
    %slice3A_363 = vector.extract_strided_slice %get3A_2 {offsets = [11, 0, 0], sizes = [1, 16, 256], strides = [1, 1, 1]} : vector<50x16x256xf32> to vector<1x16x256xf32>
    %squeeze3A_364 = vector.shape_cast %slice3A_363 : vector<1x16x256xf32> to vector<16x256xf32>
    %dot_general3A_365 = arith.constant dense<0.000000e+00> : vector<64x256xf32>
    %dot_general3A_366 = tpu.matmul %get3A_9, %squeeze3A_364, %dot_general3A_365 {dimension_numbers = #tpu.dot_dimension_numbers<[1], [0], [0], [1], [0, 0, 1, 1], [], []>, transpose_lhs_hint = false} : vector<64x16xf32>, vector<16x256xf32>, vector<64x256xf32> -> vector<64x256xf32>
    %add3A_367 = vector.broadcast %get3A_12 : vector<64x1xf32> to vector<64x256xf32>
    %add3A_368 = arith.addf %dot_general3A_366, %add3A_367 : vector<64x256xf32>
    %max3A_369 = arith.constant 0.000000e+00 : f32
    %max3A_370 = vector.broadcast %max3A_369 : f32 to vector<64x256xf32>
    %max3A_371 = arith.maximumf %add3A_368, %max3A_370 : vector<64x256xf32>
    %slice3A_372 = vector.extract_strided_slice %get3A_6 {offsets = [0, 11, 0], sizes = [3, 1, 256], strides = [1, 1, 1]} : vector<3x50x256xf32> to vector<3x1x256xf32>
    %squeeze3A_373 = vector.shape_cast %slice3A_372 : vector<3x1x256xf32> to vector<3x256xf32>
    %dot_general3A_374 = arith.constant dense<0.000000e+00> : vector<64x256xf32>
    %dot_general3A_375 = tpu.matmul %get3A_15, %squeeze3A_373, %dot_general3A_374 {dimension_numbers = #tpu.dot_dimension_numbers<[1], [0], [0], [1], [0, 0, 1, 1], [], []>, transpose_lhs_hint = false} : vector<64x3xf32>, vector<3x256xf32>, vector<64x256xf32> -> vector<64x256xf32>
    %add3A_376 = vector.broadcast %get3A_18 : vector<64x1xf32> to vector<64x256xf32>
    %add3A_377 = arith.addf %dot_general3A_375, %add3A_376 : vector<64x256xf32>
    %max3A_378 = arith.constant 0.000000e+00 : f32
    %max3A_379 = vector.broadcast %max3A_378 : f32 to vector<64x256xf32>
    %max3A_380 = arith.maximumf %add3A_377, %max3A_379 : vector<64x256xf32>
    %dot_general3A_381 = arith.constant dense<0.000000e+00> : vector<64x256xf32>
    %dot_general3A_382 = tpu.matmul %get3A_21, %max3A_371, %dot_general3A_381 {dimension_numbers = #tpu.dot_dimension_numbers<[1], [0], [0], [1], [0, 0, 1, 1], [], []>, transpose_lhs_hint = false} : vector<64x64xf32>, vector<64x256xf32>, vector<64x256xf32> -> vector<64x256xf32>
    %dot_general3A_383 = arith.constant dense<0.000000e+00> : vector<64x256xf32>
    %dot_general3A_384 = tpu.matmul %get3A_24, %max3A_380, %dot_general3A_383 {dimension_numbers = #tpu.dot_dimension_numbers<[1], [0], [0], [1], [0, 0, 1, 1], [], []>, transpose_lhs_hint = false} : vector<64x64xf32>, vector<64x256xf32>, vector<64x256xf32> -> vector<64x256xf32>
    %add3A_385 = arith.addf %dot_general3A_382, %dot_general3A_384 : vector<64x256xf32>
    %add3A_386 = vector.broadcast %get3A_27 : vector<64x1xf32> to vector<64x256xf32>
    %add3A_387 = arith.addf %add3A_385, %add3A_386 : vector<64x256xf32>
    %swap3A_388 = arith.constant 11 : index
    %swap3A_389 = arith.constant 0 : index
    %swap3A_390 = arith.constant 0 : index
    %swap3A_391 = vector.load %arg10[%swap3A_388, %swap3A_389, %swap3A_390] : memref<50x64x256xf32, #tpu.memory_space<vmem>>, vector<1x64x256xf32>
    %swap3A_392 = vector.shape_cast %swap3A_391 : vector<1x64x256xf32> to vector<64x256xf32>
    %swap3A_393 = vector.shape_cast %add3A_387 : vector<64x256xf32> to vector<1x64x256xf32>
    tpu.vector_store %arg10[%swap3A_388, %swap3A_389, %swap3A_390], %swap3A_393 {strides = array<i32>} : memref<50x64x256xf32, #tpu.memory_space<vmem>>, vector<1x64x256xf32>,
    %slice3A_394 = vector.extract_strided_slice %get3A_2 {offsets = [12, 0, 0], sizes = [1, 16, 256], strides = [1, 1, 1]} : vector<50x16x256xf32> to vector<1x16x256xf32>
    %squeeze3A_395 = vector.shape_cast %slice3A_394 : vector<1x16x256xf32> to vector<16x256xf32>
    %dot_general3A_396 = arith.constant dense<0.000000e+00> : vector<64x256xf32>
    %dot_general3A_397 = tpu.matmul %get3A_9, %squeeze3A_395, %dot_general3A_396 {dimension_numbers = #tpu.dot_dimension_numbers<[1], [0], [0], [1], [0, 0, 1, 1], [], []>, transpose_lhs_hint = false} : vector<64x16xf32>, vector<16x256xf32>, vector<64x256xf32> -> vector<64x256xf32>
    %add3A_398 = vector.broadcast %get3A_12 : vector<64x1xf32> to vector<64x256xf32>
    %add3A_399 = arith.addf %dot_general3A_397, %add3A_398 : vector<64x256xf32>
    %max3A_400 = arith.constant 0.000000e+00 : f32
    %max3A_401 = vector.broadcast %max3A_400 : f32 to vector<64x256xf32>
    %max3A_402 = arith.maximumf %add3A_399, %max3A_401 : vector<64x256xf32>
    %slice3A_403 = vector.extract_strided_slice %get3A_6 {offsets = [0, 12, 0], sizes = [3, 1, 256], strides = [1, 1, 1]} : vector<3x50x256xf32> to vector<3x1x256xf32>
    %squeeze3A_404 = vector.shape_cast %slice3A_403 : vector<3x1x256xf32> to vector<3x256xf32>
    %dot_general3A_405 = arith.constant dense<0.000000e+00> : vector<64x256xf32>
    %dot_general3A_406 = tpu.matmul %get3A_15, %squeeze3A_404, %dot_general3A_405 {dimension_numbers = #tpu.dot_dimension_numbers<[1], [0], [0], [1], [0, 0, 1, 1], [], []>, transpose_lhs_hint = false} : vector<64x3xf32>, vector<3x256xf32>, vector<64x256xf32> -> vector<64x256xf32>
    %add3A_407 = vector.broadcast %get3A_18 : vector<64x1xf32> to vector<64x256xf32>
    %add3A_408 = arith.addf %dot_general3A_406, %add3A_407 : vector<64x256xf32>
    %max3A_409 = arith.constant 0.000000e+00 : f32
    %max3A_410 = vector.broadcast %max3A_409 : f32 to vector<64x256xf32>
    %max3A_411 = arith.maximumf %add3A_408, %max3A_410 : vector<64x256xf32>
    %dot_general3A_412 = arith.constant dense<0.000000e+00> : vector<64x256xf32>
    %dot_general3A_413 = tpu.matmul %get3A_21, %max3A_402, %dot_general3A_412 {dimension_numbers = #tpu.dot_dimension_numbers<[1], [0], [0], [1], [0, 0, 1, 1], [], []>, transpose_lhs_hint = false} : vector<64x64xf32>, vector<64x256xf32>, vector<64x256xf32> -> vector<64x256xf32>
    %dot_general3A_414 = arith.constant dense<0.000000e+00> : vector<64x256xf32>
    %dot_general3A_415 = tpu.matmul %get3A_24, %max3A_411, %dot_general3A_414 {dimension_numbers = #tpu.dot_dimension_numbers<[1], [0], [0], [1], [0, 0, 1, 1], [], []>, transpose_lhs_hint = false} : vector<64x64xf32>, vector<64x256xf32>, vector<64x256xf32> -> vector<64x256xf32>
    %add3A_416 = arith.addf %dot_general3A_413, %dot_general3A_415 : vector<64x256xf32>
    %add3A_417 = vector.broadcast %get3A_27 : vector<64x1xf32> to vector<64x256xf32>
    %add3A_418 = arith.addf %add3A_416, %add3A_417 : vector<64x256xf32>
    %swap3A_419 = arith.constant 12 : index
    %swap3A_420 = arith.constant 0 : index
    %swap3A_421 = arith.constant 0 : index
    %swap3A_422 = vector.load %arg10[%swap3A_419, %swap3A_420, %swap3A_421] : memref<50x64x256xf32, #tpu.memory_space<vmem>>, vector<1x64x256xf32>
    %swap3A_423 = vector.shape_cast %swap3A_422 : vector<1x64x256xf32> to vector<64x256xf32>
    %swap3A_424 = vector.shape_cast %add3A_418 : vector<64x256xf32> to vector<1x64x256xf32>
    tpu.vector_store %arg10[%swap3A_419, %swap3A_420, %swap3A_421], %swap3A_424 {strides = array<i32>} : memref<50x64x256xf32, #tpu.memory_space<vmem>>, vector<1x64x256xf32>,
    %slice3A_425 = vector.extract_strided_slice %get3A_2 {offsets = [13, 0, 0], sizes = [1, 16, 256], strides = [1, 1, 1]} : vector<50x16x256xf32> to vector<1x16x256xf32>
    %squeeze3A_426 = vector.shape_cast %slice3A_425 : vector<1x16x256xf32> to vector<16x256xf32>
    %dot_general3A_427 = arith.constant dense<0.000000e+00> : vector<64x256xf32>
    %dot_general3A_428 = tpu.matmul %get3A_9, %squeeze3A_426, %dot_general3A_427 {dimension_numbers = #tpu.dot_dimension_numbers<[1], [0], [0], [1], [0, 0, 1, 1], [], []>, transpose_lhs_hint = false} : vector<64x16xf32>, vector<16x256xf32>, vector<64x256xf32> -> vector<64x256xf32>
    %add3A_429 = vector.broadcast %get3A_12 : vector<64x1xf32> to vector<64x256xf32>
    %add3A_430 = arith.addf %dot_general3A_428, %add3A_429 : vector<64x256xf32>
    %max3A_431 = arith.constant 0.000000e+00 : f32
    %max3A_432 = vector.broadcast %max3A_431 : f32 to vector<64x256xf32>
    %max3A_433 = arith.maximumf %add3A_430, %max3A_432 : vector<64x256xf32>
    %slice3A_434 = vector.extract_strided_slice %get3A_6 {offsets = [0, 13, 0], sizes = [3, 1, 256], strides = [1, 1, 1]} : vector<3x50x256xf32> to vector<3x1x256xf32>
    %squeeze3A_435 = vector.shape_cast %slice3A_434 : vector<3x1x256xf32> to vector<3x256xf32>
    %dot_general3A_436 = arith.constant dense<0.000000e+00> : vector<64x256xf32>
    %dot_general3A_437 = tpu.matmul %get3A_15, %squeeze3A_435, %dot_general3A_436 {dimension_numbers = #tpu.dot_dimension_numbers<[1], [0], [0], [1], [0, 0, 1, 1], [], []>, transpose_lhs_hint = false} : vector<64x3xf32>, vector<3x256xf32>, vector<64x256xf32> -> vector<64x256xf32>
    %add3A_438 = vector.broadcast %get3A_18 : vector<64x1xf32> to vector<64x256xf32>
    %add3A_439 = arith.addf %dot_general3A_437, %add3A_438 : vector<64x256xf32>
    %max3A_440 = arith.constant 0.000000e+00 : f32
    %max3A_441 = vector.broadcast %max3A_440 : f32 to vector<64x256xf32>
    %max3A_442 = arith.maximumf %add3A_439, %max3A_441 : vector<64x256xf32>
    %dot_general3A_443 = arith.constant dense<0.000000e+00> : vector<64x256xf32>
    %dot_general3A_444 = tpu.matmul %get3A_21, %max3A_433, %dot_general3A_443 {dimension_numbers = #tpu.dot_dimension_numbers<[1], [0], [0], [1], [0, 0, 1, 1], [], []>, transpose_lhs_hint = false} : vector<64x64xf32>, vector<64x256xf32>, vector<64x256xf32> -> vector<64x256xf32>
    %dot_general3A_445 = arith.constant dense<0.000000e+00> : vector<64x256xf32>
    %dot_general3A_446 = tpu.matmul %get3A_24, %max3A_442, %dot_general3A_445 {dimension_numbers = #tpu.dot_dimension_numbers<[1], [0], [0], [1], [0, 0, 1, 1], [], []>, transpose_lhs_hint = false} : vector<64x64xf32>, vector<64x256xf32>, vector<64x256xf32> -> vector<64x256xf32>
    %add3A_447 = arith.addf %dot_general3A_444, %dot_general3A_446 : vector<64x256xf32>
    %add3A_448 = vector.broadcast %get3A_27 : vector<64x1xf32> to vector<64x256xf32>
    %add3A_449 = arith.addf %add3A_447, %add3A_448 : vector<64x256xf32>
    %swap3A_450 = arith.constant 13 : index
    %swap3A_451 = arith.constant 0 : index
    %swap3A_452 = arith.constant 0 : index
    %swap3A_453 = vector.load %arg10[%swap3A_450, %swap3A_451, %swap3A_452] : memref<50x64x256xf32, #tpu.memory_space<vmem>>, vector<1x64x256xf32>
    %swap3A_454 = vector.shape_cast %swap3A_453 : vector<1x64x256xf32> to vector<64x256xf32>
    %swap3A_455 = vector.shape_cast %add3A_449 : vector<64x256xf32> to vector<1x64x256xf32>
    tpu.vector_store %arg10[%swap3A_450, %swap3A_451, %swap3A_452], %swap3A_455 {strides = array<i32>} : memref<50x64x256xf32, #tpu.memory_space<vmem>>, vector<1x64x256xf32>,
    %slice3A_456 = vector.extract_strided_slice %get3A_2 {offsets = [14, 0, 0], sizes = [1, 16, 256], strides = [1, 1, 1]} : vector<50x16x256xf32> to vector<1x16x256xf32>
    %squeeze3A_457 = vector.shape_cast %slice3A_456 : vector<1x16x256xf32> to vector<16x256xf32>
    %dot_general3A_458 = arith.constant dense<0.000000e+00> : vector<64x256xf32>
    %dot_general3A_459 = tpu.matmul %get3A_9, %squeeze3A_457, %dot_general3A_458 {dimension_numbers = #tpu.dot_dimension_numbers<[1], [0], [0], [1], [0, 0, 1, 1], [], []>, transpose_lhs_hint = false} : vector<64x16xf32>, vector<16x256xf32>, vector<64x256xf32> -> vector<64x256xf32>
    %add3A_460 = vector.broadcast %get3A_12 : vector<64x1xf32> to vector<64x256xf32>
    %add3A_461 = arith.addf %dot_general3A_459, %add3A_460 : vector<64x256xf32>
    %max3A_462 = arith.constant 0.000000e+00 : f32
    %max3A_463 = vector.broadcast %max3A_462 : f32 to vector<64x256xf32>
    %max3A_464 = arith.maximumf %add3A_461, %max3A_463 : vector<64x256xf32>
    %slice3A_465 = vector.extract_strided_slice %get3A_6 {offsets = [0, 14, 0], sizes = [3, 1, 256], strides = [1, 1, 1]} : vector<3x50x256xf32> to vector<3x1x256xf32>
    %squeeze3A_466 = vector.shape_cast %slice3A_465 : vector<3x1x256xf32> to vector<3x256xf32>
    %dot_general3A_467 = arith.constant dense<0.000000e+00> : vector<64x256xf32>
    %dot_general3A_468 = tpu.matmul %get3A_15, %squeeze3A_466, %dot_general3A_467 {dimension_numbers = #tpu.dot_dimension_numbers<[1], [0], [0], [1], [0, 0, 1, 1], [], []>, transpose_lhs_hint = false} : vector<64x3xf32>, vector<3x256xf32>, vector<64x256xf32> -> vector<64x256xf32>
    %add3A_469 = vector.broadcast %get3A_18 : vector<64x1xf32> to vector<64x256xf32>
    %add3A_470 = arith.addf %dot_general3A_468, %add3A_469 : vector<64x256xf32>
    %max3A_471 = arith.constant 0.000000e+00 : f32
    %max3A_472 = vector.broadcast %max3A_471 : f32 to vector<64x256xf32>
    %max3A_473 = arith.maximumf %add3A_470, %max3A_472 : vector<64x256xf32>
    %dot_general3A_474 = arith.constant dense<0.000000e+00> : vector<64x256xf32>
    %dot_general3A_475 = tpu.matmul %get3A_21, %max3A_464, %dot_general3A_474 {dimension_numbers = #tpu.dot_dimension_numbers<[1], [0], [0], [1], [0, 0, 1, 1], [], []>, transpose_lhs_hint = false} : vector<64x64xf32>, vector<64x256xf32>, vector<64x256xf32> -> vector<64x256xf32>
    %dot_general3A_476 = arith.constant dense<0.000000e+00> : vector<64x256xf32>
    %dot_general3A_477 = tpu.matmul %get3A_24, %max3A_473, %dot_general3A_476 {dimension_numbers = #tpu.dot_dimension_numbers<[1], [0], [0], [1], [0, 0, 1, 1], [], []>, transpose_lhs_hint = false} : vector<64x64xf32>, vector<64x256xf32>, vector<64x256xf32> -> vector<64x256xf32>
    %add3A_478 = arith.addf %dot_general3A_475, %dot_general3A_477 : vector<64x256xf32>
    %add3A_479 = vector.broadcast %get3A_27 : vector<64x1xf32> to vector<64x256xf32>
    %add3A_480 = arith.addf %add3A_478, %add3A_479 : vector<64x256xf32>
    %swap3A_481 = arith.constant 14 : index
    %swap3A_482 = arith.constant 0 : index
    %swap3A_483 = arith.constant 0 : index
    %swap3A_484 = vector.load %arg10[%swap3A_481, %swap3A_482, %swap3A_483] : memref<50x64x256xf32, #tpu.memory_space<vmem>>, vector<1x64x256xf32>
    %swap3A_485 = vector.shape_cast %swap3A_484 : vector<1x64x256xf32> to vector<64x256xf32>
    %swap3A_486 = vector.shape_cast %add3A_480 : vector<64x256xf32> to vector<1x64x256xf32>
    tpu.vector_store %arg10[%swap3A_481, %swap3A_482, %swap3A_483], %swap3A_486 {strides = array<i32>} : memref<50x64x256xf32, #tpu.memory_space<vmem>>, vector<1x64x256xf32>,
    %slice3A_487 = vector.extract_strided_slice %get3A_2 {offsets = [15, 0, 0], sizes = [1, 16, 256], strides = [1, 1, 1]} : vector<50x16x256xf32> to vector<1x16x256xf32>
    %squeeze3A_488 = vector.shape_cast %slice3A_487 : vector<1x16x256xf32> to vector<16x256xf32>
    %dot_general3A_489 = arith.constant dense<0.000000e+00> : vector<64x256xf32>
    %dot_general3A_490 = tpu.matmul %get3A_9, %squeeze3A_488, %dot_general3A_489 {dimension_numbers = #tpu.dot_dimension_numbers<[1], [0], [0], [1], [0, 0, 1, 1], [], []>, transpose_lhs_hint = false} : vector<64x16xf32>, vector<16x256xf32>, vector<64x256xf32> -> vector<64x256xf32>
    %add3A_491 = vector.broadcast %get3A_12 : vector<64x1xf32> to vector<64x256xf32>
    %add3A_492 = arith.addf %dot_general3A_490, %add3A_491 : vector<64x256xf32>
    %max3A_493 = arith.constant 0.000000e+00 : f32
    %max3A_494 = vector.broadcast %max3A_493 : f32 to vector<64x256xf32>
    %max3A_495 = arith.maximumf %add3A_492, %max3A_494 : vector<64x256xf32>
    %slice3A_496 = vector.extract_strided_slice %get3A_6 {offsets = [0, 15, 0], sizes = [3, 1, 256], strides = [1, 1, 1]} : vector<3x50x256xf32> to vector<3x1x256xf32>
    %squeeze3A_497 = vector.shape_cast %slice3A_496 : vector<3x1x256xf32> to vector<3x256xf32>
    %dot_general3A_498 = arith.constant dense<0.000000e+00> : vector<64x256xf32>
    %dot_general3A_499 = tpu.matmul %get3A_15, %squeeze3A_497, %dot_general3A_498 {dimension_numbers = #tpu.dot_dimension_numbers<[1], [0], [0], [1], [0, 0, 1, 1], [], []>, transpose_lhs_hint = false} : vector<64x3xf32>, vector<3x256xf32>, vector<64x256xf32> -> vector<64x256xf32>
    %add3A_500 = vector.broadcast %get3A_18 : vector<64x1xf32> to vector<64x256xf32>
    %add3A_501 = arith.addf %dot_general3A_499, %add3A_500 : vector<64x256xf32>
    %max3A_502 = arith.constant 0.000000e+00 : f32
    %max3A_503 = vector.broadcast %max3A_502 : f32 to vector<64x256xf32>
    %max3A_504 = arith.maximumf %add3A_501, %max3A_503 : vector<64x256xf32>
    %dot_general3A_505 = arith.constant dense<0.000000e+00> : vector<64x256xf32>
    %dot_general3A_506 = tpu.matmul %get3A_21, %max3A_495, %dot_general3A_505 {dimension_numbers = #tpu.dot_dimension_numbers<[1], [0], [0], [1], [0, 0, 1, 1], [], []>, transpose_lhs_hint = false} : vector<64x64xf32>, vector<64x256xf32>, vector<64x256xf32> -> vector<64x256xf32>
    %dot_general3A_507 = arith.constant dense<0.000000e+00> : vector<64x256xf32>
    %dot_general3A_508 = tpu.matmul %get3A_24, %max3A_504, %dot_general3A_507 {dimension_numbers = #tpu.dot_dimension_numbers<[1], [0], [0], [1], [0, 0, 1, 1], [], []>, transpose_lhs_hint = false} : vector<64x64xf32>, vector<64x256xf32>, vector<64x256xf32> -> vector<64x256xf32>
    %add3A_509 = arith.addf %dot_general3A_506, %dot_general3A_508 : vector<64x256xf32>
    %add3A_510 = vector.broadcast %get3A_27 : vector<64x1xf32> to vector<64x256xf32>
    %add3A_511 = arith.addf %add3A_509, %add3A_510 : vector<64x256xf32>
    %swap3A_512 = arith.constant 15 : index
    %swap3A_513 = arith.constant 0 : index
    %swap3A_514 = arith.constant 0 : index
    %swap3A_515 = vector.load %arg10[%swap3A_512, %swap3A_513, %swap3A_514] : memref<50x64x256xf32, #tpu.memory_space<vmem>>, vector<1x64x256xf32>
    %swap3A_516 = vector.shape_cast %swap3A_515 : vector<1x64x256xf32> to vector<64x256xf32>
    %swap3A_517 = vector.shape_cast %add3A_511 : vector<64x256xf32> to vector<1x64x256xf32>
    tpu.vector_store %arg10[%swap3A_512, %swap3A_513, %swap3A_514], %swap3A_517 {strides = array<i32>} : memref<50x64x256xf32, #tpu.memory_space<vmem>>, vector<1x64x256xf32>,
    %slice3A_518 = vector.extract_strided_slice %get3A_2 {offsets = [16, 0, 0], sizes = [1, 16, 256], strides = [1, 1, 1]} : vector<50x16x256xf32> to vector<1x16x256xf32>
    %squeeze3A_519 = vector.shape_cast %slice3A_518 : vector<1x16x256xf32> to vector<16x256xf32>
    %dot_general3A_520 = arith.constant dense<0.000000e+00> : vector<64x256xf32>
    %dot_general3A_521 = tpu.matmul %get3A_9, %squeeze3A_519, %dot_general3A_520 {dimension_numbers = #tpu.dot_dimension_numbers<[1], [0], [0], [1], [0, 0, 1, 1], [], []>, transpose_lhs_hint = false} : vector<64x16xf32>, vector<16x256xf32>, vector<64x256xf32> -> vector<64x256xf32>
    %add3A_522 = vector.broadcast %get3A_12 : vector<64x1xf32> to vector<64x256xf32>
    %add3A_523 = arith.addf %dot_general3A_521, %add3A_522 : vector<64x256xf32>
    %max3A_524 = arith.constant 0.000000e+00 : f32
    %max3A_525 = vector.broadcast %max3A_524 : f32 to vector<64x256xf32>
    %max3A_526 = arith.maximumf %add3A_523, %max3A_525 : vector<64x256xf32>
    %slice3A_527 = vector.extract_strided_slice %get3A_6 {offsets = [0, 16, 0], sizes = [3, 1, 256], strides = [1, 1, 1]} : vector<3x50x256xf32> to vector<3x1x256xf32>
    %squeeze3A_528 = vector.shape_cast %slice3A_527 : vector<3x1x256xf32> to vector<3x256xf32>
    %dot_general3A_529 = arith.constant dense<0.000000e+00> : vector<64x256xf32>
    %dot_general3A_530 = tpu.matmul %get3A_15, %squeeze3A_528, %dot_general3A_529 {dimension_numbers = #tpu.dot_dimension_numbers<[1], [0], [0], [1], [0, 0, 1, 1], [], []>, transpose_lhs_hint = false} : vector<64x3xf32>, vector<3x256xf32>, vector<64x256xf32> -> vector<64x256xf32>
    %add3A_531 = vector.broadcast %get3A_18 : vector<64x1xf32> to vector<64x256xf32>
    %add3A_532 = arith.addf %dot_general3A_530, %add3A_531 : vector<64x256xf32>
    %max3A_533 = arith.constant 0.000000e+00 : f32
    %max3A_534 = vector.broadcast %max3A_533 : f32 to vector<64x256xf32>
    %max3A_535 = arith.maximumf %add3A_532, %max3A_534 : vector<64x256xf32>
    %dot_general3A_536 = arith.constant dense<0.000000e+00> : vector<64x256xf32>
    %dot_general3A_537 = tpu.matmul %get3A_21, %max3A_526, %dot_general3A_536 {dimension_numbers = #tpu.dot_dimension_numbers<[1], [0], [0], [1], [0, 0, 1, 1], [], []>, transpose_lhs_hint = false} : vector<64x64xf32>, vector<64x256xf32>, vector<64x256xf32> -> vector<64x256xf32>
    %dot_general3A_538 = arith.constant dense<0.000000e+00> : vector<64x256xf32>
    %dot_general3A_539 = tpu.matmul %get3A_24, %max3A_535, %dot_general3A_538 {dimension_numbers = #tpu.dot_dimension_numbers<[1], [0], [0], [1], [0, 0, 1, 1], [], []>, transpose_lhs_hint = false} : vector<64x64xf32>, vector<64x256xf32>, vector<64x256xf32> -> vector<64x256xf32>
    %add3A_540 = arith.addf %dot_general3A_537, %dot_general3A_539 : vector<64x256xf32>
    %add3A_541 = vector.broadcast %get3A_27 : vector<64x1xf32> to vector<64x256xf32>
    %add3A_542 = arith.addf %add3A_540, %add3A_541 : vector<64x256xf32>
    %swap3A_543 = arith.constant 16 : index
    %swap3A_544 = arith.constant 0 : index
    %swap3A_545 = arith.constant 0 : index
    %swap3A_546 = vector.load %arg10[%swap3A_543, %swap3A_544, %swap3A_545] : memref<50x64x256xf32, #tpu.memory_space<vmem>>, vector<1x64x256xf32>
    %swap3A_547 = vector.shape_cast %swap3A_546 : vector<1x64x256xf32> to vector<64x256xf32>
    %swap3A_548 = vector.shape_cast %add3A_542 : vector<64x256xf32> to vector<1x64x256xf32>
    tpu.vector_store %arg10[%swap3A_543, %swap3A_544, %swap3A_545], %swap3A_548 {strides = array<i32>} : memref<50x64x256xf32, #tpu.memory_space<vmem>>, vector<1x64x256xf32>,
    %slice3A_549 = vector.extract_strided_slice %get3A_2 {offsets = [17, 0, 0], sizes = [1, 16, 256], strides = [1, 1, 1]} : vector<50x16x256xf32> to vector<1x16x256xf32>
    %squeeze3A_550 = vector.shape_cast %slice3A_549 : vector<1x16x256xf32> to vector<16x256xf32>
    %dot_general3A_551 = arith.constant dense<0.000000e+00> : vector<64x256xf32>
    %dot_general3A_552 = tpu.matmul %get3A_9, %squeeze3A_550, %dot_general3A_551 {dimension_numbers = #tpu.dot_dimension_numbers<[1], [0], [0], [1], [0, 0, 1, 1], [], []>, transpose_lhs_hint = false} : vector<64x16xf32>, vector<16x256xf32>, vector<64x256xf32> -> vector<64x256xf32>
    %add3A_553 = vector.broadcast %get3A_12 : vector<64x1xf32> to vector<64x256xf32>
    %add3A_554 = arith.addf %dot_general3A_552, %add3A_553 : vector<64x256xf32>
    %max3A_555 = arith.constant 0.000000e+00 : f32
    %max3A_556 = vector.broadcast %max3A_555 : f32 to vector<64x256xf32>
    %max3A_557 = arith.maximumf %add3A_554, %max3A_556 : vector<64x256xf32>
    %slice3A_558 = vector.extract_strided_slice %get3A_6 {offsets = [0, 17, 0], sizes = [3, 1, 256], strides = [1, 1, 1]} : vector<3x50x256xf32> to vector<3x1x256xf32>
    %squeeze3A_559 = vector.shape_cast %slice3A_558 : vector<3x1x256xf32> to vector<3x256xf32>
    %dot_general3A_560 = arith.constant dense<0.000000e+00> : vector<64x256xf32>
    %dot_general3A_561 = tpu.matmul %get3A_15, %squeeze3A_559, %dot_general3A_560 {dimension_numbers = #tpu.dot_dimension_numbers<[1], [0], [0], [1], [0, 0, 1, 1], [], []>, transpose_lhs_hint = false} : vector<64x3xf32>, vector<3x256xf32>, vector<64x256xf32> -> vector<64x256xf32>
    %add3A_562 = vector.broadcast %get3A_18 : vector<64x1xf32> to vector<64x256xf32>
    %add3A_563 = arith.addf %dot_general3A_561, %add3A_562 : vector<64x256xf32>
    %max3A_564 = arith.constant 0.000000e+00 : f32
    %max3A_565 = vector.broadcast %max3A_564 : f32 to vector<64x256xf32>
    %max3A_566 = arith.maximumf %add3A_563, %max3A_565 : vector<64x256xf32>
    %dot_general3A_567 = arith.constant dense<0.000000e+00> : vector<64x256xf32>
    %dot_general3A_568 = tpu.matmul %get3A_21, %max3A_557, %dot_general3A_567 {dimension_numbers = #tpu.dot_dimension_numbers<[1], [0], [0], [1], [0, 0, 1, 1], [], []>, transpose_lhs_hint = false} : vector<64x64xf32>, vector<64x256xf32>, vector<64x256xf32> -> vector<64x256xf32>
    %dot_general3A_569 = arith.constant dense<0.000000e+00> : vector<64x256xf32>
    %dot_general3A_570 = tpu.matmul %get3A_24, %max3A_566, %dot_general3A_569 {dimension_numbers = #tpu.dot_dimension_numbers<[1], [0], [0], [1], [0, 0, 1, 1], [], []>, transpose_lhs_hint = false} : vector<64x64xf32>, vector<64x256xf32>, vector<64x256xf32> -> vector<64x256xf32>
    %add3A_571 = arith.addf %dot_general3A_568, %dot_general3A_570 : vector<64x256xf32>
    %add3A_572 = vector.broadcast %get3A_27 : vector<64x1xf32> to vector<64x256xf32>
    %add3A_573 = arith.addf %add3A_571, %add3A_572 : vector<64x256xf32>
    %swap3A_574 = arith.constant 17 : index
    %swap3A_575 = arith.constant 0 : index
    %swap3A_576 = arith.constant 0 : index
    %swap3A_577 = vector.load %arg10[%swap3A_574, %swap3A_575, %swap3A_576] : memref<50x64x256xf32, #tpu.memory_space<vmem>>, vector<1x64x256xf32>
    %swap3A_578 = vector.shape_cast %swap3A_577 : vector<1x64x256xf32> to vector<64x256xf32>
    %swap3A_579 = vector.shape_cast %add3A_573 : vector<64x256xf32> to vector<1x64x256xf32>
    tpu.vector_store %arg10[%swap3A_574, %swap3A_575, %swap3A_576], %swap3A_579 {strides = array<i32>} : memref<50x64x256xf32, #tpu.memory_space<vmem>>, vector<1x64x256xf32>,
    %slice3A_580 = vector.extract_strided_slice %get3A_2 {offsets = [18, 0, 0], sizes = [1, 16, 256], strides = [1, 1, 1]} : vector<50x16x256xf32> to vector<1x16x256xf32>
    %squeeze3A_581 = vector.shape_cast %slice3A_580 : vector<1x16x256xf32> to vector<16x256xf32>
    %dot_general3A_582 = arith.constant dense<0.000000e+00> : vector<64x256xf32>
    %dot_general3A_583 = tpu.matmul %get3A_9, %squeeze3A_581, %dot_general3A_582 {dimension_numbers = #tpu.dot_dimension_numbers<[1], [0], [0], [1], [0, 0, 1, 1], [], []>, transpose_lhs_hint = false} : vector<64x16xf32>, vector<16x256xf32>, vector<64x256xf32> -> vector<64x256xf32>
    %add3A_584 = vector.broadcast %get3A_12 : vector<64x1xf32> to vector<64x256xf32>
    %add3A_585 = arith.addf %dot_general3A_583, %add3A_584 : vector<64x256xf32>
    %max3A_586 = arith.constant 0.000000e+00 : f32
    %max3A_587 = vector.broadcast %max3A_586 : f32 to vector<64x256xf32>
    %max3A_588 = arith.maximumf %add3A_585, %max3A_587 : vector<64x256xf32>
    %slice3A_589 = vector.extract_strided_slice %get3A_6 {offsets = [0, 18, 0], sizes = [3, 1, 256], strides = [1, 1, 1]} : vector<3x50x256xf32> to vector<3x1x256xf32>
    %squeeze3A_590 = vector.shape_cast %slice3A_589 : vector<3x1x256xf32> to vector<3x256xf32>
    %dot_general3A_591 = arith.constant dense<0.000000e+00> : vector<64x256xf32>
    %dot_general3A_592 = tpu.matmul %get3A_15, %squeeze3A_590, %dot_general3A_591 {dimension_numbers = #tpu.dot_dimension_numbers<[1], [0], [0], [1], [0, 0, 1, 1], [], []>, transpose_lhs_hint = false} : vector<64x3xf32>, vector<3x256xf32>, vector<64x256xf32> -> vector<64x256xf32>
    %add3A_593 = vector.broadcast %get3A_18 : vector<64x1xf32> to vector<64x256xf32>
    %add3A_594 = arith.addf %dot_general3A_592, %add3A_593 : vector<64x256xf32>
    %max3A_595 = arith.constant 0.000000e+00 : f32
    %max3A_596 = vector.broadcast %max3A_595 : f32 to vector<64x256xf32>
    %max3A_597 = arith.maximumf %add3A_594, %max3A_596 : vector<64x256xf32>
    %dot_general3A_598 = arith.constant dense<0.000000e+00> : vector<64x256xf32>
    %dot_general3A_599 = tpu.matmul %get3A_21, %max3A_588, %dot_general3A_598 {dimension_numbers = #tpu.dot_dimension_numbers<[1], [0], [0], [1], [0, 0, 1, 1], [], []>, transpose_lhs_hint = false} : vector<64x64xf32>, vector<64x256xf32>, vector<64x256xf32> -> vector<64x256xf32>
    %dot_general3A_600 = arith.constant dense<0.000000e+00> : vector<64x256xf32>
    %dot_general3A_601 = tpu.matmul %get3A_24, %max3A_597, %dot_general3A_600 {dimension_numbers = #tpu.dot_dimension_numbers<[1], [0], [0], [1], [0, 0, 1, 1], [], []>, transpose_lhs_hint = false} : vector<64x64xf32>, vector<64x256xf32>, vector<64x256xf32> -> vector<64x256xf32>
    %add3A_602 = arith.addf %dot_general3A_599, %dot_general3A_601 : vector<64x256xf32>
    %add3A_603 = vector.broadcast %get3A_27 : vector<64x1xf32> to vector<64x256xf32>
    %add3A_604 = arith.addf %add3A_602, %add3A_603 : vector<64x256xf32>
    %swap3A_605 = arith.constant 18 : index
    %swap3A_606 = arith.constant 0 : index
    %swap3A_607 = arith.constant 0 : index
    %swap3A_608 = vector.load %arg10[%swap3A_605, %swap3A_606, %swap3A_607] : memref<50x64x256xf32, #tpu.memory_space<vmem>>, vector<1x64x256xf32>
    %swap3A_609 = vector.shape_cast %swap3A_608 : vector<1x64x256xf32> to vector<64x256xf32>
    %swap3A_610 = vector.shape_cast %add3A_604 : vector<64x256xf32> to vector<1x64x256xf32>
    tpu.vector_store %arg10[%swap3A_605, %swap3A_606, %swap3A_607], %swap3A_610 {strides = array<i32>} : memref<50x64x256xf32, #tpu.memory_space<vmem>>, vector<1x64x256xf32>,
    %slice3A_611 = vector.extract_strided_slice %get3A_2 {offsets = [19, 0, 0], sizes = [1, 16, 256], strides = [1, 1, 1]} : vector<50x16x256xf32> to vector<1x16x256xf32>
    %squeeze3A_612 = vector.shape_cast %slice3A_611 : vector<1x16x256xf32> to vector<16x256xf32>
    %dot_general3A_613 = arith.constant dense<0.000000e+00> : vector<64x256xf32>
    %dot_general3A_614 = tpu.matmul %get3A_9, %squeeze3A_612, %dot_general3A_613 {dimension_numbers = #tpu.dot_dimension_numbers<[1], [0], [0], [1], [0, 0, 1, 1], [], []>, transpose_lhs_hint = false} : vector<64x16xf32>, vector<16x256xf32>, vector<64x256xf32> -> vector<64x256xf32>
    %add3A_615 = vector.broadcast %get3A_12 : vector<64x1xf32> to vector<64x256xf32>
    %add3A_616 = arith.addf %dot_general3A_614, %add3A_615 : vector<64x256xf32>
    %max3A_617 = arith.constant 0.000000e+00 : f32
    %max3A_618 = vector.broadcast %max3A_617 : f32 to vector<64x256xf32>
    %max3A_619 = arith.maximumf %add3A_616, %max3A_618 : vector<64x256xf32>
    %slice3A_620 = vector.extract_strided_slice %get3A_6 {offsets = [0, 19, 0], sizes = [3, 1, 256], strides = [1, 1, 1]} : vector<3x50x256xf32> to vector<3x1x256xf32>
    %squeeze3A_621 = vector.shape_cast %slice3A_620 : vector<3x1x256xf32> to vector<3x256xf32>
    %dot_general3A_622 = arith.constant dense<0.000000e+00> : vector<64x256xf32>
    %dot_general3A_623 = tpu.matmul %get3A_15, %squeeze3A_621, %dot_general3A_622 {dimension_numbers = #tpu.dot_dimension_numbers<[1], [0], [0], [1], [0, 0, 1, 1], [], []>, transpose_lhs_hint = false} : vector<64x3xf32>, vector<3x256xf32>, vector<64x256xf32> -> vector<64x256xf32>
    %add3A_624 = vector.broadcast %get3A_18 : vector<64x1xf32> to vector<64x256xf32>
    %add3A_625 = arith.addf %dot_general3A_623, %add3A_624 : vector<64x256xf32>
    %max3A_626 = arith.constant 0.000000e+00 : f32
    %max3A_627 = vector.broadcast %max3A_626 : f32 to vector<64x256xf32>
    %max3A_628 = arith.maximumf %add3A_625, %max3A_627 : vector<64x256xf32>
    %dot_general3A_629 = arith.constant dense<0.000000e+00> : vector<64x256xf32>
    %dot_general3A_630 = tpu.matmul %get3A_21, %max3A_619, %dot_general3A_629 {dimension_numbers = #tpu.dot_dimension_numbers<[1], [0], [0], [1], [0, 0, 1, 1], [], []>, transpose_lhs_hint = false} : vector<64x64xf32>, vector<64x256xf32>, vector<64x256xf32> -> vector<64x256xf32>
    %dot_general3A_631 = arith.constant dense<0.000000e+00> : vector<64x256xf32>
    %dot_general3A_632 = tpu.matmul %get3A_24, %max3A_628, %dot_general3A_631 {dimension_numbers = #tpu.dot_dimension_numbers<[1], [0], [0], [1], [0, 0, 1, 1], [], []>, transpose_lhs_hint = false} : vector<64x64xf32>, vector<64x256xf32>, vector<64x256xf32> -> vector<64x256xf32>
    %add3A_633 = arith.addf %dot_general3A_630, %dot_general3A_632 : vector<64x256xf32>
    %add3A_634 = vector.broadcast %get3A_27 : vector<64x1xf32> to vector<64x256xf32>
    %add3A_635 = arith.addf %add3A_633, %add3A_634 : vector<64x256xf32>
    %swap3A_636 = arith.constant 19 : index
    %swap3A_637 = arith.constant 0 : index
    %swap3A_638 = arith.constant 0 : index
    %swap3A_639 = vector.load %arg10[%swap3A_636, %swap3A_637, %swap3A_638] : memref<50x64x256xf32, #tpu.memory_space<vmem>>, vector<1x64x256xf32>
    %swap3A_640 = vector.shape_cast %swap3A_639 : vector<1x64x256xf32> to vector<64x256xf32>
    %swap3A_641 = vector.shape_cast %add3A_635 : vector<64x256xf32> to vector<1x64x256xf32>
    tpu.vector_store %arg10[%swap3A_636, %swap3A_637, %swap3A_638], %swap3A_641 {strides = array<i32>} : memref<50x64x256xf32, #tpu.memory_space<vmem>>, vector<1x64x256xf32>,
    %slice3A_642 = vector.extract_strided_slice %get3A_2 {offsets = [20, 0, 0], sizes = [1, 16, 256], strides = [1, 1, 1]} : vector<50x16x256xf32> to vector<1x16x256xf32>
    %squeeze3A_643 = vector.shape_cast %slice3A_642 : vector<1x16x256xf32> to vector<16x256xf32>
    %dot_general3A_644 = arith.constant dense<0.000000e+00> : vector<64x256xf32>
    %dot_general3A_645 = tpu.matmul %get3A_9, %squeeze3A_643, %dot_general3A_644 {dimension_numbers = #tpu.dot_dimension_numbers<[1], [0], [0], [1], [0, 0, 1, 1], [], []>, transpose_lhs_hint = false} : vector<64x16xf32>, vector<16x256xf32>, vector<64x256xf32> -> vector<64x256xf32>
    %add3A_646 = vector.broadcast %get3A_12 : vector<64x1xf32> to vector<64x256xf32>
    %add3A_647 = arith.addf %dot_general3A_645, %add3A_646 : vector<64x256xf32>
    %max3A_648 = arith.constant 0.000000e+00 : f32
    %max3A_649 = vector.broadcast %max3A_648 : f32 to vector<64x256xf32>
    %max3A_650 = arith.maximumf %add3A_647, %max3A_649 : vector<64x256xf32>
    %slice3A_651 = vector.extract_strided_slice %get3A_6 {offsets = [0, 20, 0], sizes = [3, 1, 256], strides = [1, 1, 1]} : vector<3x50x256xf32> to vector<3x1x256xf32>
    %squeeze3A_652 = vector.shape_cast %slice3A_651 : vector<3x1x256xf32> to vector<3x256xf32>
    %dot_general3A_653 = arith.constant dense<0.000000e+00> : vector<64x256xf32>
    %dot_general3A_654 = tpu.matmul %get3A_15, %squeeze3A_652, %dot_general3A_653 {dimension_numbers = #tpu.dot_dimension_numbers<[1], [0], [0], [1], [0, 0, 1, 1], [], []>, transpose_lhs_hint = false} : vector<64x3xf32>, vector<3x256xf32>, vector<64x256xf32> -> vector<64x256xf32>
    %add3A_655 = vector.broadcast %get3A_18 : vector<64x1xf32> to vector<64x256xf32>
    %add3A_656 = arith.addf %dot_general3A_654, %add3A_655 : vector<64x256xf32>
    %max3A_657 = arith.constant 0.000000e+00 : f32
    %max3A_658 = vector.broadcast %max3A_657 : f32 to vector<64x256xf32>
    %max3A_659 = arith.maximumf %add3A_656, %max3A_658 : vector<64x256xf32>
    %dot_general3A_660 = arith.constant dense<0.000000e+00> : vector<64x256xf32>
    %dot_general3A_661 = tpu.matmul %get3A_21, %max3A_650, %dot_general3A_660 {dimension_numbers = #tpu.dot_dimension_numbers<[1], [0], [0], [1], [0, 0, 1, 1], [], []>, transpose_lhs_hint = false} : vector<64x64xf32>, vector<64x256xf32>, vector<64x256xf32> -> vector<64x256xf32>
    %dot_general3A_662 = arith.constant dense<0.000000e+00> : vector<64x256xf32>
    %dot_general3A_663 = tpu.matmul %get3A_24, %max3A_659, %dot_general3A_662 {dimension_numbers = #tpu.dot_dimension_numbers<[1], [0], [0], [1], [0, 0, 1, 1], [], []>, transpose_lhs_hint = false} : vector<64x64xf32>, vector<64x256xf32>, vector<64x256xf32> -> vector<64x256xf32>
    %add3A_664 = arith.addf %dot_general3A_661, %dot_general3A_663 : vector<64x256xf32>
    %add3A_665 = vector.broadcast %get3A_27 : vector<64x1xf32> to vector<64x256xf32>
    %add3A_666 = arith.addf %add3A_664, %add3A_665 : vector<64x256xf32>
    %swap3A_667 = arith.constant 20 : index
    %swap3A_668 = arith.constant 0 : index
    %swap3A_669 = arith.constant 0 : index
    %swap3A_670 = vector.load %arg10[%swap3A_667, %swap3A_668, %swap3A_669] : memref<50x64x256xf32, #tpu.memory_space<vmem>>, vector<1x64x256xf32>
    %swap3A_671 = vector.shape_cast %swap3A_670 : vector<1x64x256xf32> to vector<64x256xf32>
    %swap3A_672 = vector.shape_cast %add3A_666 : vector<64x256xf32> to vector<1x64x256xf32>
    tpu.vector_store %arg10[%swap3A_667, %swap3A_668, %swap3A_669], %swap3A_672 {strides = array<i32>} : memref<50x64x256xf32, #tpu.memory_space<vmem>>, vector<1x64x256xf32>,
    %slice3A_673 = vector.extract_strided_slice %get3A_2 {offsets = [21, 0, 0], sizes = [1, 16, 256], strides = [1, 1, 1]} : vector<50x16x256xf32> to vector<1x16x256xf32>
    %squeeze3A_674 = vector.shape_cast %slice3A_673 : vector<1x16x256xf32> to vector<16x256xf32>
    %dot_general3A_675 = arith.constant dense<0.000000e+00> : vector<64x256xf32>
    %dot_general3A_676 = tpu.matmul %get3A_9, %squeeze3A_674, %dot_general3A_675 {dimension_numbers = #tpu.dot_dimension_numbers<[1], [0], [0], [1], [0, 0, 1, 1], [], []>, transpose_lhs_hint = false} : vector<64x16xf32>, vector<16x256xf32>, vector<64x256xf32> -> vector<64x256xf32>
    %add3A_677 = vector.broadcast %get3A_12 : vector<64x1xf32> to vector<64x256xf32>
    %add3A_678 = arith.addf %dot_general3A_676, %add3A_677 : vector<64x256xf32>
    %max3A_679 = arith.constant 0.000000e+00 : f32
    %max3A_680 = vector.broadcast %max3A_679 : f32 to vector<64x256xf32>
    %max3A_681 = arith.maximumf %add3A_678, %max3A_680 : vector<64x256xf32>
    %slice3A_682 = vector.extract_strided_slice %get3A_6 {offsets = [0, 21, 0], sizes = [3, 1, 256], strides = [1, 1, 1]} : vector<3x50x256xf32> to vector<3x1x256xf32>
    %squeeze3A_683 = vector.shape_cast %slice3A_682 : vector<3x1x256xf32> to vector<3x256xf32>
    %dot_general3A_684 = arith.constant dense<0.000000e+00> : vector<64x256xf32>
    %dot_general3A_685 = tpu.matmul %get3A_15, %squeeze3A_683, %dot_general3A_684 {dimension_numbers = #tpu.dot_dimension_numbers<[1], [0], [0], [1], [0, 0, 1, 1], [], []>, transpose_lhs_hint = false} : vector<64x3xf32>, vector<3x256xf32>, vector<64x256xf32> -> vector<64x256xf32>
    %add3A_686 = vector.broadcast %get3A_18 : vector<64x1xf32> to vector<64x256xf32>
    %add3A_687 = arith.addf %dot_general3A_685, %add3A_686 : vector<64x256xf32>
    %max3A_688 = arith.constant 0.000000e+00 : f32
    %max3A_689 = vector.broadcast %max3A_688 : f32 to vector<64x256xf32>
    %max3A_690 = arith.maximumf %add3A_687, %max3A_689 : vector<64x256xf32>
    %dot_general3A_691 = arith.constant dense<0.000000e+00> : vector<64x256xf32>
    %dot_general3A_692 = tpu.matmul %get3A_21, %max3A_681, %dot_general3A_691 {dimension_numbers = #tpu.dot_dimension_numbers<[1], [0], [0], [1], [0, 0, 1, 1], [], []>, transpose_lhs_hint = false} : vector<64x64xf32>, vector<64x256xf32>, vector<64x256xf32> -> vector<64x256xf32>
    %dot_general3A_693 = arith.constant dense<0.000000e+00> : vector<64x256xf32>
    %dot_general3A_694 = tpu.matmul %get3A_24, %max3A_690, %dot_general3A_693 {dimension_numbers = #tpu.dot_dimension_numbers<[1], [0], [0], [1], [0, 0, 1, 1], [], []>, transpose_lhs_hint = false} : vector<64x64xf32>, vector<64x256xf32>, vector<64x256xf32> -> vector<64x256xf32>
    %add3A_695 = arith.addf %dot_general3A_692, %dot_general3A_694 : vector<64x256xf32>
    %add3A_696 = vector.broadcast %get3A_27 : vector<64x1xf32> to vector<64x256xf32>
    %add3A_697 = arith.addf %add3A_695, %add3A_696 : vector<64x256xf32>
    %swap3A_698 = arith.constant 21 : index
    %swap3A_699 = arith.constant 0 : index
    %swap3A_700 = arith.constant 0 : index
    %swap3A_701 = vector.load %arg10[%swap3A_698, %swap3A_699, %swap3A_700] : memref<50x64x256xf32, #tpu.memory_space<vmem>>, vector<1x64x256xf32>
    %swap3A_702 = vector.shape_cast %swap3A_701 : vector<1x64x256xf32> to vector<64x256xf32>
    %swap3A_703 = vector.shape_cast %add3A_697 : vector<64x256xf32> to vector<1x64x256xf32>
    tpu.vector_store %arg10[%swap3A_698, %swap3A_699, %swap3A_700], %swap3A_703 {strides = array<i32>} : memref<50x64x256xf32, #tpu.memory_space<vmem>>, vector<1x64x256xf32>,
    %slice3A_704 = vector.extract_strided_slice %get3A_2 {offsets = [22, 0, 0], sizes = [1, 16, 256], strides = [1, 1, 1]} : vector<50x16x256xf32> to vector<1x16x256xf32>
    %squeeze3A_705 = vector.shape_cast %slice3A_704 : vector<1x16x256xf32> to vector<16x256xf32>
    %dot_general3A_706 = arith.constant dense<0.000000e+00> : vector<64x256xf32>
    %dot_general3A_707 = tpu.matmul %get3A_9, %squeeze3A_705, %dot_general3A_706 {dimension_numbers = #tpu.dot_dimension_numbers<[1], [0], [0], [1], [0, 0, 1, 1], [], []>, transpose_lhs_hint = false} : vector<64x16xf32>, vector<16x256xf32>, vector<64x256xf32> -> vector<64x256xf32>
    %add3A_708 = vector.broadcast %get3A_12 : vector<64x1xf32> to vector<64x256xf32>
    %add3A_709 = arith.addf %dot_general3A_707, %add3A_708 : vector<64x256xf32>
    %max3A_710 = arith.constant 0.000000e+00 : f32
    %max3A_711 = vector.broadcast %max3A_710 : f32 to vector<64x256xf32>
    %max3A_712 = arith.maximumf %add3A_709, %max3A_711 : vector<64x256xf32>
    %slice3A_713 = vector.extract_strided_slice %get3A_6 {offsets = [0, 22, 0], sizes = [3, 1, 256], strides = [1, 1, 1]} : vector<3x50x256xf32> to vector<3x1x256xf32>
    %squeeze3A_714 = vector.shape_cast %slice3A_713 : vector<3x1x256xf32> to vector<3x256xf32>
    %dot_general3A_715 = arith.constant dense<0.000000e+00> : vector<64x256xf32>
    %dot_general3A_716 = tpu.matmul %get3A_15, %squeeze3A_714, %dot_general3A_715 {dimension_numbers = #tpu.dot_dimension_numbers<[1], [0], [0], [1], [0, 0, 1, 1], [], []>, transpose_lhs_hint = false} : vector<64x3xf32>, vector<3x256xf32>, vector<64x256xf32> -> vector<64x256xf32>
    %add3A_717 = vector.broadcast %get3A_18 : vector<64x1xf32> to vector<64x256xf32>
    %add3A_718 = arith.addf %dot_general3A_716, %add3A_717 : vector<64x256xf32>
    %max3A_719 = arith.constant 0.000000e+00 : f32
    %max3A_720 = vector.broadcast %max3A_719 : f32 to vector<64x256xf32>
    %max3A_721 = arith.maximumf %add3A_718, %max3A_720 : vector<64x256xf32>
    %dot_general3A_722 = arith.constant dense<0.000000e+00> : vector<64x256xf32>
    %dot_general3A_723 = tpu.matmul %get3A_21, %max3A_712, %dot_general3A_722 {dimension_numbers = #tpu.dot_dimension_numbers<[1], [0], [0], [1], [0, 0, 1, 1], [], []>, transpose_lhs_hint = false} : vector<64x64xf32>, vector<64x256xf32>, vector<64x256xf32> -> vector<64x256xf32>
    %dot_general3A_724 = arith.constant dense<0.000000e+00> : vector<64x256xf32>
    %dot_general3A_725 = tpu.matmul %get3A_24, %max3A_721, %dot_general3A_724 {dimension_numbers = #tpu.dot_dimension_numbers<[1], [0], [0], [1], [0, 0, 1, 1], [], []>, transpose_lhs_hint = false} : vector<64x64xf32>, vector<64x256xf32>, vector<64x256xf32> -> vector<64x256xf32>
    %add3A_726 = arith.addf %dot_general3A_723, %dot_general3A_725 : vector<64x256xf32>
    %add3A_727 = vector.broadcast %get3A_27 : vector<64x1xf32> to vector<64x256xf32>
    %add3A_728 = arith.addf %add3A_726, %add3A_727 : vector<64x256xf32>
    %swap3A_729 = arith.constant 22 : index
    %swap3A_730 = arith.constant 0 : index
    %swap3A_731 = arith.constant 0 : index
    %swap3A_732 = vector.load %arg10[%swap3A_729, %swap3A_730, %swap3A_731] : memref<50x64x256xf32, #tpu.memory_space<vmem>>, vector<1x64x256xf32>
    %swap3A_733 = vector.shape_cast %swap3A_732 : vector<1x64x256xf32> to vector<64x256xf32>
    %swap3A_734 = vector.shape_cast %add3A_728 : vector<64x256xf32> to vector<1x64x256xf32>
    tpu.vector_store %arg10[%swap3A_729, %swap3A_730, %swap3A_731], %swap3A_734 {strides = array<i32>} : memref<50x64x256xf32, #tpu.memory_space<vmem>>, vector<1x64x256xf32>,
    %slice3A_735 = vector.extract_strided_slice %get3A_2 {offsets = [23, 0, 0], sizes = [1, 16, 256], strides = [1, 1, 1]} : vector<50x16x256xf32> to vector<1x16x256xf32>
    %squeeze3A_736 = vector.shape_cast %slice3A_735 : vector<1x16x256xf32> to vector<16x256xf32>
    %dot_general3A_737 = arith.constant dense<0.000000e+00> : vector<64x256xf32>
    %dot_general3A_738 = tpu.matmul %get3A_9, %squeeze3A_736, %dot_general3A_737 {dimension_numbers = #tpu.dot_dimension_numbers<[1], [0], [0], [1], [0, 0, 1, 1], [], []>, transpose_lhs_hint = false} : vector<64x16xf32>, vector<16x256xf32>, vector<64x256xf32> -> vector<64x256xf32>
    %add3A_739 = vector.broadcast %get3A_12 : vector<64x1xf32> to vector<64x256xf32>
    %add3A_740 = arith.addf %dot_general3A_738, %add3A_739 : vector<64x256xf32>
    %max3A_741 = arith.constant 0.000000e+00 : f32
    %max3A_742 = vector.broadcast %max3A_741 : f32 to vector<64x256xf32>
    %max3A_743 = arith.maximumf %add3A_740, %max3A_742 : vector<64x256xf32>
    %slice3A_744 = vector.extract_strided_slice %get3A_6 {offsets = [0, 23, 0], sizes = [3, 1, 256], strides = [1, 1, 1]} : vector<3x50x256xf32> to vector<3x1x256xf32>
    %squeeze3A_745 = vector.shape_cast %slice3A_744 : vector<3x1x256xf32> to vector<3x256xf32>
    %dot_general3A_746 = arith.constant dense<0.000000e+00> : vector<64x256xf32>
    %dot_general3A_747 = tpu.matmul %get3A_15, %squeeze3A_745, %dot_general3A_746 {dimension_numbers = #tpu.dot_dimension_numbers<[1], [0], [0], [1], [0, 0, 1, 1], [], []>, transpose_lhs_hint = false} : vector<64x3xf32>, vector<3x256xf32>, vector<64x256xf32> -> vector<64x256xf32>
    %add3A_748 = vector.broadcast %get3A_18 : vector<64x1xf32> to vector<64x256xf32>
    %add3A_749 = arith.addf %dot_general3A_747, %add3A_748 : vector<64x256xf32>
    %max3A_750 = arith.constant 0.000000e+00 : f32
    %max3A_751 = vector.broadcast %max3A_750 : f32 to vector<64x256xf32>
    %max3A_752 = arith.maximumf %add3A_749, %max3A_751 : vector<64x256xf32>
    %dot_general3A_753 = arith.constant dense<0.000000e+00> : vector<64x256xf32>
    %dot_general3A_754 = tpu.matmul %get3A_21, %max3A_743, %dot_general3A_753 {dimension_numbers = #tpu.dot_dimension_numbers<[1], [0], [0], [1], [0, 0, 1, 1], [], []>, transpose_lhs_hint = false} : vector<64x64xf32>, vector<64x256xf32>, vector<64x256xf32> -> vector<64x256xf32>
    %dot_general3A_755 = arith.constant dense<0.000000e+00> : vector<64x256xf32>
    %dot_general3A_756 = tpu.matmul %get3A_24, %max3A_752, %dot_general3A_755 {dimension_numbers = #tpu.dot_dimension_numbers<[1], [0], [0], [1], [0, 0, 1, 1], [], []>, transpose_lhs_hint = false} : vector<64x64xf32>, vector<64x256xf32>, vector<64x256xf32> -> vector<64x256xf32>
    %add3A_757 = arith.addf %dot_general3A_754, %dot_general3A_756 : vector<64x256xf32>
    %add3A_758 = vector.broadcast %get3A_27 : vector<64x1xf32> to vector<64x256xf32>
    %add3A_759 = arith.addf %add3A_757, %add3A_758 : vector<64x256xf32>
    %swap3A_760 = arith.constant 23 : index
    %swap3A_761 = arith.constant 0 : index
    %swap3A_762 = arith.constant 0 : index
    %swap3A_763 = vector.load %arg10[%swap3A_760, %swap3A_761, %swap3A_762] : memref<50x64x256xf32, #tpu.memory_space<vmem>>, vector<1x64x256xf32>
    %swap3A_764 = vector.shape_cast %swap3A_763 : vector<1x64x256xf32> to vector<64x256xf32>
    %swap3A_765 = vector.shape_cast %add3A_759 : vector<64x256xf32> to vector<1x64x256xf32>
    tpu.vector_store %arg10[%swap3A_760, %swap3A_761, %swap3A_762], %swap3A_765 {strides = array<i32>} : memref<50x64x256xf32, #tpu.memory_space<vmem>>, vector<1x64x256xf32>,
    %slice3A_766 = vector.extract_strided_slice %get3A_2 {offsets = [24, 0, 0], sizes = [1, 16, 256], strides = [1, 1, 1]} : vector<50x16x256xf32> to vector<1x16x256xf32>
    %squeeze3A_767 = vector.shape_cast %slice3A_766 : vector<1x16x256xf32> to vector<16x256xf32>
    %dot_general3A_768 = arith.constant dense<0.000000e+00> : vector<64x256xf32>
    %dot_general3A_769 = tpu.matmul %get3A_9, %squeeze3A_767, %dot_general3A_768 {dimension_numbers = #tpu.dot_dimension_numbers<[1], [0], [0], [1], [0, 0, 1, 1], [], []>, transpose_lhs_hint = false} : vector<64x16xf32>, vector<16x256xf32>, vector<64x256xf32> -> vector<64x256xf32>
    %add3A_770 = vector.broadcast %get3A_12 : vector<64x1xf32> to vector<64x256xf32>
    %add3A_771 = arith.addf %dot_general3A_769, %add3A_770 : vector<64x256xf32>
    %max3A_772 = arith.constant 0.000000e+00 : f32
    %max3A_773 = vector.broadcast %max3A_772 : f32 to vector<64x256xf32>
    %max3A_774 = arith.maximumf %add3A_771, %max3A_773 : vector<64x256xf32>
    %slice3A_775 = vector.extract_strided_slice %get3A_6 {offsets = [0, 24, 0], sizes = [3, 1, 256], strides = [1, 1, 1]} : vector<3x50x256xf32> to vector<3x1x256xf32>
    %squeeze3A_776 = vector.shape_cast %slice3A_775 : vector<3x1x256xf32> to vector<3x256xf32>
    %dot_general3A_777 = arith.constant dense<0.000000e+00> : vector<64x256xf32>
    %dot_general3A_778 = tpu.matmul %get3A_15, %squeeze3A_776, %dot_general3A_777 {dimension_numbers = #tpu.dot_dimension_numbers<[1], [0], [0], [1], [0, 0, 1, 1], [], []>, transpose_lhs_hint = false} : vector<64x3xf32>, vector<3x256xf32>, vector<64x256xf32> -> vector<64x256xf32>
    %add3A_779 = vector.broadcast %get3A_18 : vector<64x1xf32> to vector<64x256xf32>
    %add3A_780 = arith.addf %dot_general3A_778, %add3A_779 : vector<64x256xf32>
    %max3A_781 = arith.constant 0.000000e+00 : f32
    %max3A_782 = vector.broadcast %max3A_781 : f32 to vector<64x256xf32>
    %max3A_783 = arith.maximumf %add3A_780, %max3A_782 : vector<64x256xf32>
    %dot_general3A_784 = arith.constant dense<0.000000e+00> : vector<64x256xf32>
    %dot_general3A_785 = tpu.matmul %get3A_21, %max3A_774, %dot_general3A_784 {dimension_numbers = #tpu.dot_dimension_numbers<[1], [0], [0], [1], [0, 0, 1, 1], [], []>, transpose_lhs_hint = false} : vector<64x64xf32>, vector<64x256xf32>, vector<64x256xf32> -> vector<64x256xf32>
    %dot_general3A_786 = arith.constant dense<0.000000e+00> : vector<64x256xf32>
    %dot_general3A_787 = tpu.matmul %get3A_24, %max3A_783, %dot_general3A_786 {dimension_numbers = #tpu.dot_dimension_numbers<[1], [0], [0], [1], [0, 0, 1, 1], [], []>, transpose_lhs_hint = false} : vector<64x64xf32>, vector<64x256xf32>, vector<64x256xf32> -> vector<64x256xf32>
    %add3A_788 = arith.addf %dot_general3A_785, %dot_general3A_787 : vector<64x256xf32>
    %add3A_789 = vector.broadcast %get3A_27 : vector<64x1xf32> to vector<64x256xf32>
    %add3A_790 = arith.addf %add3A_788, %add3A_789 : vector<64x256xf32>
    %swap3A_791 = arith.constant 24 : index
    %swap3A_792 = arith.constant 0 : index
    %swap3A_793 = arith.constant 0 : index
    %swap3A_794 = vector.load %arg10[%swap3A_791, %swap3A_792, %swap3A_793] : memref<50x64x256xf32, #tpu.memory_space<vmem>>, vector<1x64x256xf32>
    %swap3A_795 = vector.shape_cast %swap3A_794 : vector<1x64x256xf32> to vector<64x256xf32>
    %swap3A_796 = vector.shape_cast %add3A_790 : vector<64x256xf32> to vector<1x64x256xf32>
    tpu.vector_store %arg10[%swap3A_791, %swap3A_792, %swap3A_793], %swap3A_796 {strides = array<i32>} : memref<50x64x256xf32, #tpu.memory_space<vmem>>, vector<1x64x256xf32>,
    %slice3A_797 = vector.extract_strided_slice %get3A_2 {offsets = [25, 0, 0], sizes = [1, 16, 256], strides = [1, 1, 1]} : vector<50x16x256xf32> to vector<1x16x256xf32>
    %squeeze3A_798 = vector.shape_cast %slice3A_797 : vector<1x16x256xf32> to vector<16x256xf32>
    %dot_general3A_799 = arith.constant dense<0.000000e+00> : vector<64x256xf32>
    %dot_general3A_800 = tpu.matmul %get3A_9, %squeeze3A_798, %dot_general3A_799 {dimension_numbers = #tpu.dot_dimension_numbers<[1], [0], [0], [1], [0, 0, 1, 1], [], []>, transpose_lhs_hint = false} : vector<64x16xf32>, vector<16x256xf32>, vector<64x256xf32> -> vector<64x256xf32>
    %add3A_801 = vector.broadcast %get3A_12 : vector<64x1xf32> to vector<64x256xf32>
    %add3A_802 = arith.addf %dot_general3A_800, %add3A_801 : vector<64x256xf32>
    %max3A_803 = arith.constant 0.000000e+00 : f32
    %max3A_804 = vector.broadcast %max3A_803 : f32 to vector<64x256xf32>
    %max3A_805 = arith.maximumf %add3A_802, %max3A_804 : vector<64x256xf32>
    %slice3A_806 = vector.extract_strided_slice %get3A_6 {offsets = [0, 25, 0], sizes = [3, 1, 256], strides = [1, 1, 1]} : vector<3x50x256xf32> to vector<3x1x256xf32>
    %squeeze3A_807 = vector.shape_cast %slice3A_806 : vector<3x1x256xf32> to vector<3x256xf32>
    %dot_general3A_808 = arith.constant dense<0.000000e+00> : vector<64x256xf32>
    %dot_general3A_809 = tpu.matmul %get3A_15, %squeeze3A_807, %dot_general3A_808 {dimension_numbers = #tpu.dot_dimension_numbers<[1], [0], [0], [1], [0, 0, 1, 1], [], []>, transpose_lhs_hint = false} : vector<64x3xf32>, vector<3x256xf32>, vector<64x256xf32> -> vector<64x256xf32>
    %add3A_810 = vector.broadcast %get3A_18 : vector<64x1xf32> to vector<64x256xf32>
    %add3A_811 = arith.addf %dot_general3A_809, %add3A_810 : vector<64x256xf32>
    %max3A_812 = arith.constant 0.000000e+00 : f32
    %max3A_813 = vector.broadcast %max3A_812 : f32 to vector<64x256xf32>
    %max3A_814 = arith.maximumf %add3A_811, %max3A_813 : vector<64x256xf32>
    %dot_general3A_815 = arith.constant dense<0.000000e+00> : vector<64x256xf32>
    %dot_general3A_816 = tpu.matmul %get3A_21, %max3A_805, %dot_general3A_815 {dimension_numbers = #tpu.dot_dimension_numbers<[1], [0], [0], [1], [0, 0, 1, 1], [], []>, transpose_lhs_hint = false} : vector<64x64xf32>, vector<64x256xf32>, vector<64x256xf32> -> vector<64x256xf32>
    %dot_general3A_817 = arith.constant dense<0.000000e+00> : vector<64x256xf32>
    %dot_general3A_818 = tpu.matmul %get3A_24, %max3A_814, %dot_general3A_817 {dimension_numbers = #tpu.dot_dimension_numbers<[1], [0], [0], [1], [0, 0, 1, 1], [], []>, transpose_lhs_hint = false} : vector<64x64xf32>, vector<64x256xf32>, vector<64x256xf32> -> vector<64x256xf32>
    %add3A_819 = arith.addf %dot_general3A_816, %dot_general3A_818 : vector<64x256xf32>
    %add3A_820 = vector.broadcast %get3A_27 : vector<64x1xf32> to vector<64x256xf32>
    %add3A_821 = arith.addf %add3A_819, %add3A_820 : vector<64x256xf32>
    %swap3A_822 = arith.constant 25 : index
    %swap3A_823 = arith.constant 0 : index
    %swap3A_824 = arith.constant 0 : index
    %swap3A_825 = vector.load %arg10[%swap3A_822, %swap3A_823, %swap3A_824] : memref<50x64x256xf32, #tpu.memory_space<vmem>>, vector<1x64x256xf32>
    %swap3A_826 = vector.shape_cast %swap3A_825 : vector<1x64x256xf32> to vector<64x256xf32>
    %swap3A_827 = vector.shape_cast %add3A_821 : vector<64x256xf32> to vector<1x64x256xf32>
    tpu.vector_store %arg10[%swap3A_822, %swap3A_823, %swap3A_824], %swap3A_827 {strides = array<i32>} : memref<50x64x256xf32, #tpu.memory_space<vmem>>, vector<1x64x256xf32>,
    %slice3A_828 = vector.extract_strided_slice %get3A_2 {offsets = [26, 0, 0], sizes = [1, 16, 256], strides = [1, 1, 1]} : vector<50x16x256xf32> to vector<1x16x256xf32>
    %squeeze3A_829 = vector.shape_cast %slice3A_828 : vector<1x16x256xf32> to vector<16x256xf32>
    %dot_general3A_830 = arith.constant dense<0.000000e+00> : vector<64x256xf32>
    %dot_general3A_831 = tpu.matmul %get3A_9, %squeeze3A_829, %dot_general3A_830 {dimension_numbers = #tpu.dot_dimension_numbers<[1], [0], [0], [1], [0, 0, 1, 1], [], []>, transpose_lhs_hint = false} : vector<64x16xf32>, vector<16x256xf32>, vector<64x256xf32> -> vector<64x256xf32>
    %add3A_832 = vector.broadcast %get3A_12 : vector<64x1xf32> to vector<64x256xf32>
    %add3A_833 = arith.addf %dot_general3A_831, %add3A_832 : vector<64x256xf32>
    %max3A_834 = arith.constant 0.000000e+00 : f32
    %max3A_835 = vector.broadcast %max3A_834 : f32 to vector<64x256xf32>
    %max3A_836 = arith.maximumf %add3A_833, %max3A_835 : vector<64x256xf32>
    %slice3A_837 = vector.extract_strided_slice %get3A_6 {offsets = [0, 26, 0], sizes = [3, 1, 256], strides = [1, 1, 1]} : vector<3x50x256xf32> to vector<3x1x256xf32>
    %squeeze3A_838 = vector.shape_cast %slice3A_837 : vector<3x1x256xf32> to vector<3x256xf32>
    %dot_general3A_839 = arith.constant dense<0.000000e+00> : vector<64x256xf32>
    %dot_general3A_840 = tpu.matmul %get3A_15, %squeeze3A_838, %dot_general3A_839 {dimension_numbers = #tpu.dot_dimension_numbers<[1], [0], [0], [1], [0, 0, 1, 1], [], []>, transpose_lhs_hint = false} : vector<64x3xf32>, vector<3x256xf32>, vector<64x256xf32> -> vector<64x256xf32>
    %add3A_841 = vector.broadcast %get3A_18 : vector<64x1xf32> to vector<64x256xf32>
    %add3A_842 = arith.addf %dot_general3A_840, %add3A_841 : vector<64x256xf32>
    %max3A_843 = arith.constant 0.000000e+00 : f32
    %max3A_844 = vector.broadcast %max3A_843 : f32 to vector<64x256xf32>
    %max3A_845 = arith.maximumf %add3A_842, %max3A_844 : vector<64x256xf32>
    %dot_general3A_846 = arith.constant dense<0.000000e+00> : vector<64x256xf32>
    %dot_general3A_847 = tpu.matmul %get3A_21, %max3A_836, %dot_general3A_846 {dimension_numbers = #tpu.dot_dimension_numbers<[1], [0], [0], [1], [0, 0, 1, 1], [], []>, transpose_lhs_hint = false} : vector<64x64xf32>, vector<64x256xf32>, vector<64x256xf32> -> vector<64x256xf32>
    %dot_general3A_848 = arith.constant dense<0.000000e+00> : vector<64x256xf32>
    %dot_general3A_849 = tpu.matmul %get3A_24, %max3A_845, %dot_general3A_848 {dimension_numbers = #tpu.dot_dimension_numbers<[1], [0], [0], [1], [0, 0, 1, 1], [], []>, transpose_lhs_hint = false} : vector<64x64xf32>, vector<64x256xf32>, vector<64x256xf32> -> vector<64x256xf32>
    %add3A_850 = arith.addf %dot_general3A_847, %dot_general3A_849 : vector<64x256xf32>
    %add3A_851 = vector.broadcast %get3A_27 : vector<64x1xf32> to vector<64x256xf32>
    %add3A_852 = arith.addf %add3A_850, %add3A_851 : vector<64x256xf32>
    %swap3A_853 = arith.constant 26 : index
    %swap3A_854 = arith.constant 0 : index
    %swap3A_855 = arith.constant 0 : index
    %swap3A_856 = vector.load %arg10[%swap3A_853, %swap3A_854, %swap3A_855] : memref<50x64x256xf32, #tpu.memory_space<vmem>>, vector<1x64x256xf32>
    %swap3A_857 = vector.shape_cast %swap3A_856 : vector<1x64x256xf32> to vector<64x256xf32>
    %swap3A_858 = vector.shape_cast %add3A_852 : vector<64x256xf32> to vector<1x64x256xf32>
    tpu.vector_store %arg10[%swap3A_853, %swap3A_854, %swap3A_855], %swap3A_858 {strides = array<i32>} : memref<50x64x256xf32, #tpu.memory_space<vmem>>, vector<1x64x256xf32>,
    %slice3A_859 = vector.extract_strided_slice %get3A_2 {offsets = [27, 0, 0], sizes = [1, 16, 256], strides = [1, 1, 1]} : vector<50x16x256xf32> to vector<1x16x256xf32>
    %squeeze3A_860 = vector.shape_cast %slice3A_859 : vector<1x16x256xf32> to vector<16x256xf32>
    %dot_general3A_861 = arith.constant dense<0.000000e+00> : vector<64x256xf32>
    %dot_general3A_862 = tpu.matmul %get3A_9, %squeeze3A_860, %dot_general3A_861 {dimension_numbers = #tpu.dot_dimension_numbers<[1], [0], [0], [1], [0, 0, 1, 1], [], []>, transpose_lhs_hint = false} : vector<64x16xf32>, vector<16x256xf32>, vector<64x256xf32> -> vector<64x256xf32>
    %add3A_863 = vector.broadcast %get3A_12 : vector<64x1xf32> to vector<64x256xf32>
    %add3A_864 = arith.addf %dot_general3A_862, %add3A_863 : vector<64x256xf32>
    %max3A_865 = arith.constant 0.000000e+00 : f32
    %max3A_866 = vector.broadcast %max3A_865 : f32 to vector<64x256xf32>
    %max3A_867 = arith.maximumf %add3A_864, %max3A_866 : vector<64x256xf32>
    %slice3A_868 = vector.extract_strided_slice %get3A_6 {offsets = [0, 27, 0], sizes = [3, 1, 256], strides = [1, 1, 1]} : vector<3x50x256xf32> to vector<3x1x256xf32>
    %squeeze3A_869 = vector.shape_cast %slice3A_868 : vector<3x1x256xf32> to vector<3x256xf32>
    %dot_general3A_870 = arith.constant dense<0.000000e+00> : vector<64x256xf32>
    %dot_general3A_871 = tpu.matmul %get3A_15, %squeeze3A_869, %dot_general3A_870 {dimension_numbers = #tpu.dot_dimension_numbers<[1], [0], [0], [1], [0, 0, 1, 1], [], []>, transpose_lhs_hint = false} : vector<64x3xf32>, vector<3x256xf32>, vector<64x256xf32> -> vector<64x256xf32>
    %add3A_872 = vector.broadcast %get3A_18 : vector<64x1xf32> to vector<64x256xf32>
    %add3A_873 = arith.addf %dot_general3A_871, %add3A_872 : vector<64x256xf32>
    %max3A_874 = arith.constant 0.000000e+00 : f32
    %max3A_875 = vector.broadcast %max3A_874 : f32 to vector<64x256xf32>
    %max3A_876 = arith.maximumf %add3A_873, %max3A_875 : vector<64x256xf32>
    %dot_general3A_877 = arith.constant dense<0.000000e+00> : vector<64x256xf32>
    %dot_general3A_878 = tpu.matmul %get3A_21, %max3A_867, %dot_general3A_877 {dimension_numbers = #tpu.dot_dimension_numbers<[1], [0], [0], [1], [0, 0, 1, 1], [], []>, transpose_lhs_hint = false} : vector<64x64xf32>, vector<64x256xf32>, vector<64x256xf32> -> vector<64x256xf32>
    %dot_general3A_879 = arith.constant dense<0.000000e+00> : vector<64x256xf32>
    %dot_general3A_880 = tpu.matmul %get3A_24, %max3A_876, %dot_general3A_879 {dimension_numbers = #tpu.dot_dimension_numbers<[1], [0], [0], [1], [0, 0, 1, 1], [], []>, transpose_lhs_hint = false} : vector<64x64xf32>, vector<64x256xf32>, vector<64x256xf32> -> vector<64x256xf32>
    %add3A_881 = arith.addf %dot_general3A_878, %dot_general3A_880 : vector<64x256xf32>
    %add3A_882 = vector.broadcast %get3A_27 : vector<64x1xf32> to vector<64x256xf32>
    %add3A_883 = arith.addf %add3A_881, %add3A_882 : vector<64x256xf32>
    %swap3A_884 = arith.constant 27 : index
    %swap3A_885 = arith.constant 0 : index
    %swap3A_886 = arith.constant 0 : index
    %swap3A_887 = vector.load %arg10[%swap3A_884, %swap3A_885, %swap3A_886] : memref<50x64x256xf32, #tpu.memory_space<vmem>>, vector<1x64x256xf32>
    %swap3A_888 = vector.shape_cast %swap3A_887 : vector<1x64x256xf32> to vector<64x256xf32>
    %swap3A_889 = vector.shape_cast %add3A_883 : vector<64x256xf32> to vector<1x64x256xf32>
    tpu.vector_store %arg10[%swap3A_884, %swap3A_885, %swap3A_886], %swap3A_889 {strides = array<i32>} : memref<50x64x256xf32, #tpu.memory_space<vmem>>, vector<1x64x256xf32>,
    %slice3A_890 = vector.extract_strided_slice %get3A_2 {offsets = [28, 0, 0], sizes = [1, 16, 256], strides = [1, 1, 1]} : vector<50x16x256xf32> to vector<1x16x256xf32>
    %squeeze3A_891 = vector.shape_cast %slice3A_890 : vector<1x16x256xf32> to vector<16x256xf32>
    %dot_general3A_892 = arith.constant dense<0.000000e+00> : vector<64x256xf32>
    %dot_general3A_893 = tpu.matmul %get3A_9, %squeeze3A_891, %dot_general3A_892 {dimension_numbers = #tpu.dot_dimension_numbers<[1], [0], [0], [1], [0, 0, 1, 1], [], []>, transpose_lhs_hint = false} : vector<64x16xf32>, vector<16x256xf32>, vector<64x256xf32> -> vector<64x256xf32>
    %add3A_894 = vector.broadcast %get3A_12 : vector<64x1xf32> to vector<64x256xf32>
    %add3A_895 = arith.addf %dot_general3A_893, %add3A_894 : vector<64x256xf32>
    %max3A_896 = arith.constant 0.000000e+00 : f32
    %max3A_897 = vector.broadcast %max3A_896 : f32 to vector<64x256xf32>
    %max3A_898 = arith.maximumf %add3A_895, %max3A_897 : vector<64x256xf32>
    %slice3A_899 = vector.extract_strided_slice %get3A_6 {offsets = [0, 28, 0], sizes = [3, 1, 256], strides = [1, 1, 1]} : vector<3x50x256xf32> to vector<3x1x256xf32>
    %squeeze3A_900 = vector.shape_cast %slice3A_899 : vector<3x1x256xf32> to vector<3x256xf32>
    %dot_general3A_901 = arith.constant dense<0.000000e+00> : vector<64x256xf32>
    %dot_general3A_902 = tpu.matmul %get3A_15, %squeeze3A_900, %dot_general3A_901 {dimension_numbers = #tpu.dot_dimension_numbers<[1], [0], [0], [1], [0, 0, 1, 1], [], []>, transpose_lhs_hint = false} : vector<64x3xf32>, vector<3x256xf32>, vector<64x256xf32> -> vector<64x256xf32>
    %add3A_903 = vector.broadcast %get3A_18 : vector<64x1xf32> to vector<64x256xf32>
    %add3A_904 = arith.addf %dot_general3A_902, %add3A_903 : vector<64x256xf32>
    %max3A_905 = arith.constant 0.000000e+00 : f32
    %max3A_906 = vector.broadcast %max3A_905 : f32 to vector<64x256xf32>
    %max3A_907 = arith.maximumf %add3A_904, %max3A_906 : vector<64x256xf32>
    %dot_general3A_908 = arith.constant dense<0.000000e+00> : vector<64x256xf32>
    %dot_general3A_909 = tpu.matmul %get3A_21, %max3A_898, %dot_general3A_908 {dimension_numbers = #tpu.dot_dimension_numbers<[1], [0], [0], [1], [0, 0, 1, 1], [], []>, transpose_lhs_hint = false} : vector<64x64xf32>, vector<64x256xf32>, vector<64x256xf32> -> vector<64x256xf32>
    %dot_general3A_910 = arith.constant dense<0.000000e+00> : vector<64x256xf32>
    %dot_general3A_911 = tpu.matmul %get3A_24, %max3A_907, %dot_general3A_910 {dimension_numbers = #tpu.dot_dimension_numbers<[1], [0], [0], [1], [0, 0, 1, 1], [], []>, transpose_lhs_hint = false} : vector<64x64xf32>, vector<64x256xf32>, vector<64x256xf32> -> vector<64x256xf32>
    %add3A_912 = arith.addf %dot_general3A_909, %dot_general3A_911 : vector<64x256xf32>
    %add3A_913 = vector.broadcast %get3A_27 : vector<64x1xf32> to vector<64x256xf32>
    %add3A_914 = arith.addf %add3A_912, %add3A_913 : vector<64x256xf32>
    %swap3A_915 = arith.constant 28 : index
    %swap3A_916 = arith.constant 0 : index
    %swap3A_917 = arith.constant 0 : index
    %swap3A_918 = vector.load %arg10[%swap3A_915, %swap3A_916, %swap3A_917] : memref<50x64x256xf32, #tpu.memory_space<vmem>>, vector<1x64x256xf32>
    %swap3A_919 = vector.shape_cast %swap3A_918 : vector<1x64x256xf32> to vector<64x256xf32>
    %swap3A_920 = vector.shape_cast %add3A_914 : vector<64x256xf32> to vector<1x64x256xf32>
    tpu.vector_store %arg10[%swap3A_915, %swap3A_916, %swap3A_917], %swap3A_920 {strides = array<i32>} : memref<50x64x256xf32, #tpu.memory_space<vmem>>, vector<1x64x256xf32>,
    %slice3A_921 = vector.extract_strided_slice %get3A_2 {offsets = [29, 0, 0], sizes = [1, 16, 256], strides = [1, 1, 1]} : vector<50x16x256xf32> to vector<1x16x256xf32>
    %squeeze3A_922 = vector.shape_cast %slice3A_921 : vector<1x16x256xf32> to vector<16x256xf32>
    %dot_general3A_923 = arith.constant dense<0.000000e+00> : vector<64x256xf32>
    %dot_general3A_924 = tpu.matmul %get3A_9, %squeeze3A_922, %dot_general3A_923 {dimension_numbers = #tpu.dot_dimension_numbers<[1], [0], [0], [1], [0, 0, 1, 1], [], []>, transpose_lhs_hint = false} : vector<64x16xf32>, vector<16x256xf32>, vector<64x256xf32> -> vector<64x256xf32>
    %add3A_925 = vector.broadcast %get3A_12 : vector<64x1xf32> to vector<64x256xf32>
    %add3A_926 = arith.addf %dot_general3A_924, %add3A_925 : vector<64x256xf32>
    %max3A_927 = arith.constant 0.000000e+00 : f32
    %max3A_928 = vector.broadcast %max3A_927 : f32 to vector<64x256xf32>
    %max3A_929 = arith.maximumf %add3A_926, %max3A_928 : vector<64x256xf32>
    %slice3A_930 = vector.extract_strided_slice %get3A_6 {offsets = [0, 29, 0], sizes = [3, 1, 256], strides = [1, 1, 1]} : vector<3x50x256xf32> to vector<3x1x256xf32>
    %squeeze3A_931 = vector.shape_cast %slice3A_930 : vector<3x1x256xf32> to vector<3x256xf32>
    %dot_general3A_932 = arith.constant dense<0.000000e+00> : vector<64x256xf32>
    %dot_general3A_933 = tpu.matmul %get3A_15, %squeeze3A_931, %dot_general3A_932 {dimension_numbers = #tpu.dot_dimension_numbers<[1], [0], [0], [1], [0, 0, 1, 1], [], []>, transpose_lhs_hint = false} : vector<64x3xf32>, vector<3x256xf32>, vector<64x256xf32> -> vector<64x256xf32>
    %add3A_934 = vector.broadcast %get3A_18 : vector<64x1xf32> to vector<64x256xf32>
    %add3A_935 = arith.addf %dot_general3A_933, %add3A_934 : vector<64x256xf32>
    %max3A_936 = arith.constant 0.000000e+00 : f32
    %max3A_937 = vector.broadcast %max3A_936 : f32 to vector<64x256xf32>
    %max3A_938 = arith.maximumf %add3A_935, %max3A_937 : vector<64x256xf32>
    %dot_general3A_939 = arith.constant dense<0.000000e+00> : vector<64x256xf32>
    %dot_general3A_940 = tpu.matmul %get3A_21, %max3A_929, %dot_general3A_939 {dimension_numbers = #tpu.dot_dimension_numbers<[1], [0], [0], [1], [0, 0, 1, 1], [], []>, transpose_lhs_hint = false} : vector<64x64xf32>, vector<64x256xf32>, vector<64x256xf32> -> vector<64x256xf32>
    %dot_general3A_941 = arith.constant dense<0.000000e+00> : vector<64x256xf32>
    %dot_general3A_942 = tpu.matmul %get3A_24, %max3A_938, %dot_general3A_941 {dimension_numbers = #tpu.dot_dimension_numbers<[1], [0], [0], [1], [0, 0, 1, 1], [], []>, transpose_lhs_hint = false} : vector<64x64xf32>, vector<64x256xf32>, vector<64x256xf32> -> vector<64x256xf32>
    %add3A_943 = arith.addf %dot_general3A_940, %dot_general3A_942 : vector<64x256xf32>
    %add3A_944 = vector.broadcast %get3A_27 : vector<64x1xf32> to vector<64x256xf32>
    %add3A_945 = arith.addf %add3A_943, %add3A_944 : vector<64x256xf32>
    %swap3A_946 = arith.constant 29 : index
    %swap3A_947 = arith.constant 0 : index
    %swap3A_948 = arith.constant 0 : index
    %swap3A_949 = vector.load %arg10[%swap3A_946, %swap3A_947, %swap3A_948] : memref<50x64x256xf32, #tpu.memory_space<vmem>>, vector<1x64x256xf32>
    %swap3A_950 = vector.shape_cast %swap3A_949 : vector<1x64x256xf32> to vector<64x256xf32>
    %swap3A_951 = vector.shape_cast %add3A_945 : vector<64x256xf32> to vector<1x64x256xf32>
    tpu.vector_store %arg10[%swap3A_946, %swap3A_947, %swap3A_948], %swap3A_951 {strides = array<i32>} : memref<50x64x256xf32, #tpu.memory_space<vmem>>, vector<1x64x256xf32>,
    %slice3A_952 = vector.extract_strided_slice %get3A_2 {offsets = [30, 0, 0], sizes = [1, 16, 256], strides = [1, 1, 1]} : vector<50x16x256xf32> to vector<1x16x256xf32>
    %squeeze3A_953 = vector.shape_cast %slice3A_952 : vector<1x16x256xf32> to vector<16x256xf32>
    %dot_general3A_954 = arith.constant dense<0.000000e+00> : vector<64x256xf32>
    %dot_general3A_955 = tpu.matmul %get3A_9, %squeeze3A_953, %dot_general3A_954 {dimension_numbers = #tpu.dot_dimension_numbers<[1], [0], [0], [1], [0, 0, 1, 1], [], []>, transpose_lhs_hint = false} : vector<64x16xf32>, vector<16x256xf32>, vector<64x256xf32> -> vector<64x256xf32>
    %add3A_956 = vector.broadcast %get3A_12 : vector<64x1xf32> to vector<64x256xf32>
    %add3A_957 = arith.addf %dot_general3A_955, %add3A_956 : vector<64x256xf32>
    %max3A_958 = arith.constant 0.000000e+00 : f32
    %max3A_959 = vector.broadcast %max3A_958 : f32 to vector<64x256xf32>
    %max3A_960 = arith.maximumf %add3A_957, %max3A_959 : vector<64x256xf32>
    %slice3A_961 = vector.extract_strided_slice %get3A_6 {offsets = [0, 30, 0], sizes = [3, 1, 256], strides = [1, 1, 1]} : vector<3x50x256xf32> to vector<3x1x256xf32>
    %squeeze3A_962 = vector.shape_cast %slice3A_961 : vector<3x1x256xf32> to vector<3x256xf32>
    %dot_general3A_963 = arith.constant dense<0.000000e+00> : vector<64x256xf32>
    %dot_general3A_964 = tpu.matmul %get3A_15, %squeeze3A_962, %dot_general3A_963 {dimension_numbers = #tpu.dot_dimension_numbers<[1], [0], [0], [1], [0, 0, 1, 1], [], []>, transpose_lhs_hint = false} : vector<64x3xf32>, vector<3x256xf32>, vector<64x256xf32> -> vector<64x256xf32>
    %add3A_965 = vector.broadcast %get3A_18 : vector<64x1xf32> to vector<64x256xf32>
    %add3A_966 = arith.addf %dot_general3A_964, %add3A_965 : vector<64x256xf32>
    %max3A_967 = arith.constant 0.000000e+00 : f32
    %max3A_968 = vector.broadcast %max3A_967 : f32 to vector<64x256xf32>
    %max3A_969 = arith.maximumf %add3A_966, %max3A_968 : vector<64x256xf32>
    %dot_general3A_970 = arith.constant dense<0.000000e+00> : vector<64x256xf32>
    %dot_general3A_971 = tpu.matmul %get3A_21, %max3A_960, %dot_general3A_970 {dimension_numbers = #tpu.dot_dimension_numbers<[1], [0], [0], [1], [0, 0, 1, 1], [], []>, transpose_lhs_hint = false} : vector<64x64xf32>, vector<64x256xf32>, vector<64x256xf32> -> vector<64x256xf32>
    %dot_general3A_972 = arith.constant dense<0.000000e+00> : vector<64x256xf32>
    %dot_general3A_973 = tpu.matmul %get3A_24, %max3A_969, %dot_general3A_972 {dimension_numbers = #tpu.dot_dimension_numbers<[1], [0], [0], [1], [0, 0, 1, 1], [], []>, transpose_lhs_hint = false} : vector<64x64xf32>, vector<64x256xf32>, vector<64x256xf32> -> vector<64x256xf32>
    %add3A_974 = arith.addf %dot_general3A_971, %dot_general3A_973 : vector<64x256xf32>
    %add3A_975 = vector.broadcast %get3A_27 : vector<64x1xf32> to vector<64x256xf32>
    %add3A_976 = arith.addf %add3A_974, %add3A_975 : vector<64x256xf32>
    %swap3A_977 = arith.constant 30 : index
    %swap3A_978 = arith.constant 0 : index
    %swap3A_979 = arith.constant 0 : index
    %swap3A_980 = vector.load %arg10[%swap3A_977, %swap3A_978, %swap3A_979] : memref<50x64x256xf32, #tpu.memory_space<vmem>>, vector<1x64x256xf32>
    %swap3A_981 = vector.shape_cast %swap3A_980 : vector<1x64x256xf32> to vector<64x256xf32>
    %swap3A_982 = vector.shape_cast %add3A_976 : vector<64x256xf32> to vector<1x64x256xf32>
    tpu.vector_store %arg10[%swap3A_977, %swap3A_978, %swap3A_979], %swap3A_982 {strides = array<i32>} : memref<50x64x256xf32, #tpu.memory_space<vmem>>, vector<1x64x256xf32>,
    %slice3A_983 = vector.extract_strided_slice %get3A_2 {offsets = [31, 0, 0], sizes = [1, 16, 256], strides = [1, 1, 1]} : vector<50x16x256xf32> to vector<1x16x256xf32>
    %squeeze3A_984 = vector.shape_cast %slice3A_983 : vector<1x16x256xf32> to vector<16x256xf32>
    %dot_general3A_985 = arith.constant dense<0.000000e+00> : vector<64x256xf32>
    %dot_general3A_986 = tpu.matmul %get3A_9, %squeeze3A_984, %dot_general3A_985 {dimension_numbers = #tpu.dot_dimension_numbers<[1], [0], [0], [1], [0, 0, 1, 1], [], []>, transpose_lhs_hint = false} : vector<64x16xf32>, vector<16x256xf32>, vector<64x256xf32> -> vector<64x256xf32>
    %add3A_987 = vector.broadcast %get3A_12 : vector<64x1xf32> to vector<64x256xf32>
    %add3A_988 = arith.addf %dot_general3A_986, %add3A_987 : vector<64x256xf32>
    %max3A_989 = arith.constant 0.000000e+00 : f32
    %max3A_990 = vector.broadcast %max3A_989 : f32 to vector<64x256xf32>
    %max3A_991 = arith.maximumf %add3A_988, %max3A_990 : vector<64x256xf32>
    %slice3A_992 = vector.extract_strided_slice %get3A_6 {offsets = [0, 31, 0], sizes = [3, 1, 256], strides = [1, 1, 1]} : vector<3x50x256xf32> to vector<3x1x256xf32>
    %squeeze3A_993 = vector.shape_cast %slice3A_992 : vector<3x1x256xf32> to vector<3x256xf32>
    %dot_general3A_994 = arith.constant dense<0.000000e+00> : vector<64x256xf32>
    %dot_general3A_995 = tpu.matmul %get3A_15, %squeeze3A_993, %dot_general3A_994 {dimension_numbers = #tpu.dot_dimension_numbers<[1], [0], [0], [1], [0, 0, 1, 1], [], []>, transpose_lhs_hint = false} : vector<64x3xf32>, vector<3x256xf32>, vector<64x256xf32> -> vector<64x256xf32>
    %add3A_996 = vector.broadcast %get3A_18 : vector<64x1xf32> to vector<64x256xf32>
    %add3A_997 = arith.addf %dot_general3A_995, %add3A_996 : vector<64x256xf32>
    %max3A_998 = arith.constant 0.000000e+00 : f32
    %max3A_999 = vector.broadcast %max3A_998 : f32 to vector<64x256xf32>
    %max3A_1000 = arith.maximumf %add3A_997, %max3A_999 : vector<64x256xf32>
    %dot_general3A_1001 = arith.constant dense<0.000000e+00> : vector<64x256xf32>
    %dot_general3A_1002 = tpu.matmul %get3A_21, %max3A_991, %dot_general3A_1001 {dimension_numbers = #tpu.dot_dimension_numbers<[1], [0], [0], [1], [0, 0, 1, 1], [], []>, transpose_lhs_hint = false} : vector<64x64xf32>, vector<64x256xf32>, vector<64x256xf32> -> vector<64x256xf32>
    %dot_general3A_1003 = arith.constant dense<0.000000e+00> : vector<64x256xf32>
    %dot_general3A_1004 = tpu.matmul %get3A_24, %max3A_1000, %dot_general3A_1003 {dimension_numbers = #tpu.dot_dimension_numbers<[1], [0], [0], [1], [0, 0, 1, 1], [], []>, transpose_lhs_hint = false} : vector<64x64xf32>, vector<64x256xf32>, vector<64x256xf32> -> vector<64x256xf32>
    %add3A_1005 = arith.addf %dot_general3A_1002, %dot_general3A_1004 : vector<64x256xf32>
    %add3A_1006 = vector.broadcast %get3A_27 : vector<64x1xf32> to vector<64x256xf32>
    %add3A_1007 = arith.addf %add3A_1005, %add3A_1006 : vector<64x256xf32>
    %swap3A_1008 = arith.constant 31 : index
    %swap3A_1009 = arith.constant 0 : index
    %swap3A_1010 = arith.constant 0 : index
    %swap3A_1011 = vector.load %arg10[%swap3A_1008, %swap3A_1009, %swap3A_1010] : memref<50x64x256xf32, #tpu.memory_space<vmem>>, vector<1x64x256xf32>
    %swap3A_1012 = vector.shape_cast %swap3A_1011 : vector<1x64x256xf32> to vector<64x256xf32>
    %swap3A_1013 = vector.shape_cast %add3A_1007 : vector<64x256xf32> to vector<1x64x256xf32>
    tpu.vector_store %arg10[%swap3A_1008, %swap3A_1009, %swap3A_1010], %swap3A_1013 {strides = array<i32>} : memref<50x64x256xf32, #tpu.memory_space<vmem>>, vector<1x64x256xf32>,
    %slice3A_1014 = vector.extract_strided_slice %get3A_2 {offsets = [32, 0, 0], sizes = [1, 16, 256], strides = [1, 1, 1]} : vector<50x16x256xf32> to vector<1x16x256xf32>
    %squeeze3A_1015 = vector.shape_cast %slice3A_1014 : vector<1x16x256xf32> to vector<16x256xf32>
    %dot_general3A_1016 = arith.constant dense<0.000000e+00> : vector<64x256xf32>
    %dot_general3A_1017 = tpu.matmul %get3A_9, %squeeze3A_1015, %dot_general3A_1016 {dimension_numbers = #tpu.dot_dimension_numbers<[1], [0], [0], [1], [0, 0, 1, 1], [], []>, transpose_lhs_hint = false} : vector<64x16xf32>, vector<16x256xf32>, vector<64x256xf32> -> vector<64x256xf32>
    %add3A_1018 = vector.broadcast %get3A_12 : vector<64x1xf32> to vector<64x256xf32>
    %add3A_1019 = arith.addf %dot_general3A_1017, %add3A_1018 : vector<64x256xf32>
    %max3A_1020 = arith.constant 0.000000e+00 : f32
    %max3A_1021 = vector.broadcast %max3A_1020 : f32 to vector<64x256xf32>
    %max3A_1022 = arith.maximumf %add3A_1019, %max3A_1021 : vector<64x256xf32>
    %slice3A_1023 = vector.extract_strided_slice %get3A_6 {offsets = [0, 32, 0], sizes = [3, 1, 256], strides = [1, 1, 1]} : vector<3x50x256xf32> to vector<3x1x256xf32>
    %squeeze3A_1024 = vector.shape_cast %slice3A_1023 : vector<3x1x256xf32> to vector<3x256xf32>
    %dot_general3A_1025 = arith.constant dense<0.000000e+00> : vector<64x256xf32>
    %dot_general3A_1026 = tpu.matmul %get3A_15, %squeeze3A_1024, %dot_general3A_1025 {dimension_numbers = #tpu.dot_dimension_numbers<[1], [0], [0], [1], [0, 0, 1, 1], [], []>, transpose_lhs_hint = false} : vector<64x3xf32>, vector<3x256xf32>, vector<64x256xf32> -> vector<64x256xf32>
    %add3A_1027 = vector.broadcast %get3A_18 : vector<64x1xf32> to vector<64x256xf32>
    %add3A_1028 = arith.addf %dot_general3A_1026, %add3A_1027 : vector<64x256xf32>
    %max3A_1029 = arith.constant 0.000000e+00 : f32
    %max3A_1030 = vector.broadcast %max3A_1029 : f32 to vector<64x256xf32>
    %max3A_1031 = arith.maximumf %add3A_1028, %max3A_1030 : vector<64x256xf32>
    %dot_general3A_1032 = arith.constant dense<0.000000e+00> : vector<64x256xf32>
    %dot_general3A_1033 = tpu.matmul %get3A_21, %max3A_1022, %dot_general3A_1032 {dimension_numbers = #tpu.dot_dimension_numbers<[1], [0], [0], [1], [0, 0, 1, 1], [], []>, transpose_lhs_hint = false} : vector<64x64xf32>, vector<64x256xf32>, vector<64x256xf32> -> vector<64x256xf32>
    %dot_general3A_1034 = arith.constant dense<0.000000e+00> : vector<64x256xf32>
    %dot_general3A_1035 = tpu.matmul %get3A_24, %max3A_1031, %dot_general3A_1034 {dimension_numbers = #tpu.dot_dimension_numbers<[1], [0], [0], [1], [0, 0, 1, 1], [], []>, transpose_lhs_hint = false} : vector<64x64xf32>, vector<64x256xf32>, vector<64x256xf32> -> vector<64x256xf32>
    %add3A_1036 = arith.addf %dot_general3A_1033, %dot_general3A_1035 : vector<64x256xf32>
    %add3A_1037 = vector.broadcast %get3A_27 : vector<64x1xf32> to vector<64x256xf32>
    %add3A_1038 = arith.addf %add3A_1036, %add3A_1037 : vector<64x256xf32>
    %swap3A_1039 = arith.constant 32 : index
    %swap3A_1040 = arith.constant 0 : index
    %swap3A_1041 = arith.constant 0 : index
    %swap3A_1042 = vector.load %arg10[%swap3A_1039, %swap3A_1040, %swap3A_1041] : memref<50x64x256xf32, #tpu.memory_space<vmem>>, vector<1x64x256xf32>
    %swap3A_1043 = vector.shape_cast %swap3A_1042 : vector<1x64x256xf32> to vector<64x256xf32>
    %swap3A_1044 = vector.shape_cast %add3A_1038 : vector<64x256xf32> to vector<1x64x256xf32>
    tpu.vector_store %arg10[%swap3A_1039, %swap3A_1040, %swap3A_1041], %swap3A_1044 {strides = array<i32>} : memref<50x64x256xf32, #tpu.memory_space<vmem>>, vector<1x64x256xf32>,
    %slice3A_1045 = vector.extract_strided_slice %get3A_2 {offsets = [33, 0, 0], sizes = [1, 16, 256], strides = [1, 1, 1]} : vector<50x16x256xf32> to vector<1x16x256xf32>
    %squeeze3A_1046 = vector.shape_cast %slice3A_1045 : vector<1x16x256xf32> to vector<16x256xf32>
    %dot_general3A_1047 = arith.constant dense<0.000000e+00> : vector<64x256xf32>
    %dot_general3A_1048 = tpu.matmul %get3A_9, %squeeze3A_1046, %dot_general3A_1047 {dimension_numbers = #tpu.dot_dimension_numbers<[1], [0], [0], [1], [0, 0, 1, 1], [], []>, transpose_lhs_hint = false} : vector<64x16xf32>, vector<16x256xf32>, vector<64x256xf32> -> vector<64x256xf32>
    %add3A_1049 = vector.broadcast %get3A_12 : vector<64x1xf32> to vector<64x256xf32>
    %add3A_1050 = arith.addf %dot_general3A_1048, %add3A_1049 : vector<64x256xf32>
    %max3A_1051 = arith.constant 0.000000e+00 : f32
    %max3A_1052 = vector.broadcast %max3A_1051 : f32 to vector<64x256xf32>
    %max3A_1053 = arith.maximumf %add3A_1050, %max3A_1052 : vector<64x256xf32>
    %slice3A_1054 = vector.extract_strided_slice %get3A_6 {offsets = [0, 33, 0], sizes = [3, 1, 256], strides = [1, 1, 1]} : vector<3x50x256xf32> to vector<3x1x256xf32>
    %squeeze3A_1055 = vector.shape_cast %slice3A_1054 : vector<3x1x256xf32> to vector<3x256xf32>
    %dot_general3A_1056 = arith.constant dense<0.000000e+00> : vector<64x256xf32>
    %dot_general3A_1057 = tpu.matmul %get3A_15, %squeeze3A_1055, %dot_general3A_1056 {dimension_numbers = #tpu.dot_dimension_numbers<[1], [0], [0], [1], [0, 0, 1, 1], [], []>, transpose_lhs_hint = false} : vector<64x3xf32>, vector<3x256xf32>, vector<64x256xf32> -> vector<64x256xf32>
    %add3A_1058 = vector.broadcast %get3A_18 : vector<64x1xf32> to vector<64x256xf32>
    %add3A_1059 = arith.addf %dot_general3A_1057, %add3A_1058 : vector<64x256xf32>
    %max3A_1060 = arith.constant 0.000000e+00 : f32
    %max3A_1061 = vector.broadcast %max3A_1060 : f32 to vector<64x256xf32>
    %max3A_1062 = arith.maximumf %add3A_1059, %max3A_1061 : vector<64x256xf32>
    %dot_general3A_1063 = arith.constant dense<0.000000e+00> : vector<64x256xf32>
    %dot_general3A_1064 = tpu.matmul %get3A_21, %max3A_1053, %dot_general3A_1063 {dimension_numbers = #tpu.dot_dimension_numbers<[1], [0], [0], [1], [0, 0, 1, 1], [], []>, transpose_lhs_hint = false} : vector<64x64xf32>, vector<64x256xf32>, vector<64x256xf32> -> vector<64x256xf32>
    %dot_general3A_1065 = arith.constant dense<0.000000e+00> : vector<64x256xf32>
    %dot_general3A_1066 = tpu.matmul %get3A_24, %max3A_1062, %dot_general3A_1065 {dimension_numbers = #tpu.dot_dimension_numbers<[1], [0], [0], [1], [0, 0, 1, 1], [], []>, transpose_lhs_hint = false} : vector<64x64xf32>, vector<64x256xf32>, vector<64x256xf32> -> vector<64x256xf32>
    %add3A_1067 = arith.addf %dot_general3A_1064, %dot_general3A_1066 : vector<64x256xf32>
    %add3A_1068 = vector.broadcast %get3A_27 : vector<64x1xf32> to vector<64x256xf32>
    %add3A_1069 = arith.addf %add3A_1067, %add3A_1068 : vector<64x256xf32>
    %swap3A_1070 = arith.constant 33 : index
    %swap3A_1071 = arith.constant 0 : index
    %swap3A_1072 = arith.constant 0 : index
    %swap3A_1073 = vector.load %arg10[%swap3A_1070, %swap3A_1071, %swap3A_1072] : memref<50x64x256xf32, #tpu.memory_space<vmem>>, vector<1x64x256xf32>
    %swap3A_1074 = vector.shape_cast %swap3A_1073 : vector<1x64x256xf32> to vector<64x256xf32>
    %swap3A_1075 = vector.shape_cast %add3A_1069 : vector<64x256xf32> to vector<1x64x256xf32>
    tpu.vector_store %arg10[%swap3A_1070, %swap3A_1071, %swap3A_1072], %swap3A_1075 {strides = array<i32>} : memref<50x64x256xf32, #tpu.memory_space<vmem>>, vector<1x64x256xf32>,
    %slice3A_1076 = vector.extract_strided_slice %get3A_2 {offsets = [34, 0, 0], sizes = [1, 16, 256], strides = [1, 1, 1]} : vector<50x16x256xf32> to vector<1x16x256xf32>
    %squeeze3A_1077 = vector.shape_cast %slice3A_1076 : vector<1x16x256xf32> to vector<16x256xf32>
    %dot_general3A_1078 = arith.constant dense<0.000000e+00> : vector<64x256xf32>
    %dot_general3A_1079 = tpu.matmul %get3A_9, %squeeze3A_1077, %dot_general3A_1078 {dimension_numbers = #tpu.dot_dimension_numbers<[1], [0], [0], [1], [0, 0, 1, 1], [], []>, transpose_lhs_hint = false} : vector<64x16xf32>, vector<16x256xf32>, vector<64x256xf32> -> vector<64x256xf32>
    %add3A_1080 = vector.broadcast %get3A_12 : vector<64x1xf32> to vector<64x256xf32>
    %add3A_1081 = arith.addf %dot_general3A_1079, %add3A_1080 : vector<64x256xf32>
    %max3A_1082 = arith.constant 0.000000e+00 : f32
    %max3A_1083 = vector.broadcast %max3A_1082 : f32 to vector<64x256xf32>
    %max3A_1084 = arith.maximumf %add3A_1081, %max3A_1083 : vector<64x256xf32>
    %slice3A_1085 = vector.extract_strided_slice %get3A_6 {offsets = [0, 34, 0], sizes = [3, 1, 256], strides = [1, 1, 1]} : vector<3x50x256xf32> to vector<3x1x256xf32>
    %squeeze3A_1086 = vector.shape_cast %slice3A_1085 : vector<3x1x256xf32> to vector<3x256xf32>
    %dot_general3A_1087 = arith.constant dense<0.000000e+00> : vector<64x256xf32>
    %dot_general3A_1088 = tpu.matmul %get3A_15, %squeeze3A_1086, %dot_general3A_1087 {dimension_numbers = #tpu.dot_dimension_numbers<[1], [0], [0], [1], [0, 0, 1, 1], [], []>, transpose_lhs_hint = false} : vector<64x3xf32>, vector<3x256xf32>, vector<64x256xf32> -> vector<64x256xf32>
    %add3A_1089 = vector.broadcast %get3A_18 : vector<64x1xf32> to vector<64x256xf32>
    %add3A_1090 = arith.addf %dot_general3A_1088, %add3A_1089 : vector<64x256xf32>
    %max3A_1091 = arith.constant 0.000000e+00 : f32
    %max3A_1092 = vector.broadcast %max3A_1091 : f32 to vector<64x256xf32>
    %max3A_1093 = arith.maximumf %add3A_1090, %max3A_1092 : vector<64x256xf32>
    %dot_general3A_1094 = arith.constant dense<0.000000e+00> : vector<64x256xf32>
    %dot_general3A_1095 = tpu.matmul %get3A_21, %max3A_1084, %dot_general3A_1094 {dimension_numbers = #tpu.dot_dimension_numbers<[1], [0], [0], [1], [0, 0, 1, 1], [], []>, transpose_lhs_hint = false} : vector<64x64xf32>, vector<64x256xf32>, vector<64x256xf32> -> vector<64x256xf32>
    %dot_general3A_1096 = arith.constant dense<0.000000e+00> : vector<64x256xf32>
    %dot_general3A_1097 = tpu.matmul %get3A_24, %max3A_1093, %dot_general3A_1096 {dimension_numbers = #tpu.dot_dimension_numbers<[1], [0], [0], [1], [0, 0, 1, 1], [], []>, transpose_lhs_hint = false} : vector<64x64xf32>, vector<64x256xf32>, vector<64x256xf32> -> vector<64x256xf32>
    %add3A_1098 = arith.addf %dot_general3A_1095, %dot_general3A_1097 : vector<64x256xf32>
    %add3A_1099 = vector.broadcast %get3A_27 : vector<64x1xf32> to vector<64x256xf32>
    %add3A_1100 = arith.addf %add3A_1098, %add3A_1099 : vector<64x256xf32>
    %swap3A_1101 = arith.constant 34 : index
    %swap3A_1102 = arith.constant 0 : index
    %swap3A_1103 = arith.constant 0 : index
    %swap3A_1104 = vector.load %arg10[%swap3A_1101, %swap3A_1102, %swap3A_1103] : memref<50x64x256xf32, #tpu.memory_space<vmem>>, vector<1x64x256xf32>
    %swap3A_1105 = vector.shape_cast %swap3A_1104 : vector<1x64x256xf32> to vector<64x256xf32>
    %swap3A_1106 = vector.shape_cast %add3A_1100 : vector<64x256xf32> to vector<1x64x256xf32>
    tpu.vector_store %arg10[%swap3A_1101, %swap3A_1102, %swap3A_1103], %swap3A_1106 {strides = array<i32>} : memref<50x64x256xf32, #tpu.memory_space<vmem>>, vector<1x64x256xf32>,
    %slice3A_1107 = vector.extract_strided_slice %get3A_2 {offsets = [35, 0, 0], sizes = [1, 16, 256], strides = [1, 1, 1]} : vector<50x16x256xf32> to vector<1x16x256xf32>
    %squeeze3A_1108 = vector.shape_cast %slice3A_1107 : vector<1x16x256xf32> to vector<16x256xf32>
    %dot_general3A_1109 = arith.constant dense<0.000000e+00> : vector<64x256xf32>
    %dot_general3A_1110 = tpu.matmul %get3A_9, %squeeze3A_1108, %dot_general3A_1109 {dimension_numbers = #tpu.dot_dimension_numbers<[1], [0], [0], [1], [0, 0, 1, 1], [], []>, transpose_lhs_hint = false} : vector<64x16xf32>, vector<16x256xf32>, vector<64x256xf32> -> vector<64x256xf32>
    %add3A_1111 = vector.broadcast %get3A_12 : vector<64x1xf32> to vector<64x256xf32>
    %add3A_1112 = arith.addf %dot_general3A_1110, %add3A_1111 : vector<64x256xf32>
    %max3A_1113 = arith.constant 0.000000e+00 : f32
    %max3A_1114 = vector.broadcast %max3A_1113 : f32 to vector<64x256xf32>
    %max3A_1115 = arith.maximumf %add3A_1112, %max3A_1114 : vector<64x256xf32>
    %slice3A_1116 = vector.extract_strided_slice %get3A_6 {offsets = [0, 35, 0], sizes = [3, 1, 256], strides = [1, 1, 1]} : vector<3x50x256xf32> to vector<3x1x256xf32>
    %squeeze3A_1117 = vector.shape_cast %slice3A_1116 : vector<3x1x256xf32> to vector<3x256xf32>
    %dot_general3A_1118 = arith.constant dense<0.000000e+00> : vector<64x256xf32>
    %dot_general3A_1119 = tpu.matmul %get3A_15, %squeeze3A_1117, %dot_general3A_1118 {dimension_numbers = #tpu.dot_dimension_numbers<[1], [0], [0], [1], [0, 0, 1, 1], [], []>, transpose_lhs_hint = false} : vector<64x3xf32>, vector<3x256xf32>, vector<64x256xf32> -> vector<64x256xf32>
    %add3A_1120 = vector.broadcast %get3A_18 : vector<64x1xf32> to vector<64x256xf32>
    %add3A_1121 = arith.addf %dot_general3A_1119, %add3A_1120 : vector<64x256xf32>
    %max3A_1122 = arith.constant 0.000000e+00 : f32
    %max3A_1123 = vector.broadcast %max3A_1122 : f32 to vector<64x256xf32>
    %max3A_1124 = arith.maximumf %add3A_1121, %max3A_1123 : vector<64x256xf32>
    %dot_general3A_1125 = arith.constant dense<0.000000e+00> : vector<64x256xf32>
    %dot_general3A_1126 = tpu.matmul %get3A_21, %max3A_1115, %dot_general3A_1125 {dimension_numbers = #tpu.dot_dimension_numbers<[1], [0], [0], [1], [0, 0, 1, 1], [], []>, transpose_lhs_hint = false} : vector<64x64xf32>, vector<64x256xf32>, vector<64x256xf32> -> vector<64x256xf32>
    %dot_general3A_1127 = arith.constant dense<0.000000e+00> : vector<64x256xf32>
    %dot_general3A_1128 = tpu.matmul %get3A_24, %max3A_1124, %dot_general3A_1127 {dimension_numbers = #tpu.dot_dimension_numbers<[1], [0], [0], [1], [0, 0, 1, 1], [], []>, transpose_lhs_hint = false} : vector<64x64xf32>, vector<64x256xf32>, vector<64x256xf32> -> vector<64x256xf32>
    %add3A_1129 = arith.addf %dot_general3A_1126, %dot_general3A_1128 : vector<64x256xf32>
    %add3A_1130 = vector.broadcast %get3A_27 : vector<64x1xf32> to vector<64x256xf32>
    %add3A_1131 = arith.addf %add3A_1129, %add3A_1130 : vector<64x256xf32>
    %swap3A_1132 = arith.constant 35 : index
    %swap3A_1133 = arith.constant 0 : index
    %swap3A_1134 = arith.constant 0 : index
    %swap3A_1135 = vector.load %arg10[%swap3A_1132, %swap3A_1133, %swap3A_1134] : memref<50x64x256xf32, #tpu.memory_space<vmem>>, vector<1x64x256xf32>
    %swap3A_1136 = vector.shape_cast %swap3A_1135 : vector<1x64x256xf32> to vector<64x256xf32>
    %swap3A_1137 = vector.shape_cast %add3A_1131 : vector<64x256xf32> to vector<1x64x256xf32>
    tpu.vector_store %arg10[%swap3A_1132, %swap3A_1133, %swap3A_1134], %swap3A_1137 {strides = array<i32>} : memref<50x64x256xf32, #tpu.memory_space<vmem>>, vector<1x64x256xf32>,
    %slice3A_1138 = vector.extract_strided_slice %get3A_2 {offsets = [36, 0, 0], sizes = [1, 16, 256], strides = [1, 1, 1]} : vector<50x16x256xf32> to vector<1x16x256xf32>
    %squeeze3A_1139 = vector.shape_cast %slice3A_1138 : vector<1x16x256xf32> to vector<16x256xf32>
    %dot_general3A_1140 = arith.constant dense<0.000000e+00> : vector<64x256xf32>
    %dot_general3A_1141 = tpu.matmul %get3A_9, %squeeze3A_1139, %dot_general3A_1140 {dimension_numbers = #tpu.dot_dimension_numbers<[1], [0], [0], [1], [0, 0, 1, 1], [], []>, transpose_lhs_hint = false} : vector<64x16xf32>, vector<16x256xf32>, vector<64x256xf32> -> vector<64x256xf32>
    %add3A_1142 = vector.broadcast %get3A_12 : vector<64x1xf32> to vector<64x256xf32>
    %add3A_1143 = arith.addf %dot_general3A_1141, %add3A_1142 : vector<64x256xf32>
    %max3A_1144 = arith.constant 0.000000e+00 : f32
    %max3A_1145 = vector.broadcast %max3A_1144 : f32 to vector<64x256xf32>
    %max3A_1146 = arith.maximumf %add3A_1143, %max3A_1145 : vector<64x256xf32>
    %slice3A_1147 = vector.extract_strided_slice %get3A_6 {offsets = [0, 36, 0], sizes = [3, 1, 256], strides = [1, 1, 1]} : vector<3x50x256xf32> to vector<3x1x256xf32>
    %squeeze3A_1148 = vector.shape_cast %slice3A_1147 : vector<3x1x256xf32> to vector<3x256xf32>
    %dot_general3A_1149 = arith.constant dense<0.000000e+00> : vector<64x256xf32>
    %dot_general3A_1150 = tpu.matmul %get3A_15, %squeeze3A_1148, %dot_general3A_1149 {dimension_numbers = #tpu.dot_dimension_numbers<[1], [0], [0], [1], [0, 0, 1, 1], [], []>, transpose_lhs_hint = false} : vector<64x3xf32>, vector<3x256xf32>, vector<64x256xf32> -> vector<64x256xf32>
    %add3A_1151 = vector.broadcast %get3A_18 : vector<64x1xf32> to vector<64x256xf32>
    %add3A_1152 = arith.addf %dot_general3A_1150, %add3A_1151 : vector<64x256xf32>
    %max3A_1153 = arith.constant 0.000000e+00 : f32
    %max3A_1154 = vector.broadcast %max3A_1153 : f32 to vector<64x256xf32>
    %max3A_1155 = arith.maximumf %add3A_1152, %max3A_1154 : vector<64x256xf32>
    %dot_general3A_1156 = arith.constant dense<0.000000e+00> : vector<64x256xf32>
    %dot_general3A_1157 = tpu.matmul %get3A_21, %max3A_1146, %dot_general3A_1156 {dimension_numbers = #tpu.dot_dimension_numbers<[1], [0], [0], [1], [0, 0, 1, 1], [], []>, transpose_lhs_hint = false} : vector<64x64xf32>, vector<64x256xf32>, vector<64x256xf32> -> vector<64x256xf32>
    %dot_general3A_1158 = arith.constant dense<0.000000e+00> : vector<64x256xf32>
    %dot_general3A_1159 = tpu.matmul %get3A_24, %max3A_1155, %dot_general3A_1158 {dimension_numbers = #tpu.dot_dimension_numbers<[1], [0], [0], [1], [0, 0, 1, 1], [], []>, transpose_lhs_hint = false} : vector<64x64xf32>, vector<64x256xf32>, vector<64x256xf32> -> vector<64x256xf32>
    %add3A_1160 = arith.addf %dot_general3A_1157, %dot_general3A_1159 : vector<64x256xf32>
    %add3A_1161 = vector.broadcast %get3A_27 : vector<64x1xf32> to vector<64x256xf32>
    %add3A_1162 = arith.addf %add3A_1160, %add3A_1161 : vector<64x256xf32>
    %swap3A_1163 = arith.constant 36 : index
    %swap3A_1164 = arith.constant 0 : index
    %swap3A_1165 = arith.constant 0 : index
    %swap3A_1166 = vector.load %arg10[%swap3A_1163, %swap3A_1164, %swap3A_1165] : memref<50x64x256xf32, #tpu.memory_space<vmem>>, vector<1x64x256xf32>
    %swap3A_1167 = vector.shape_cast %swap3A_1166 : vector<1x64x256xf32> to vector<64x256xf32>
    %swap3A_1168 = vector.shape_cast %add3A_1162 : vector<64x256xf32> to vector<1x64x256xf32>
    tpu.vector_store %arg10[%swap3A_1163, %swap3A_1164, %swap3A_1165], %swap3A_1168 {strides = array<i32>} : memref<50x64x256xf32, #tpu.memory_space<vmem>>, vector<1x64x256xf32>,
    %slice3A_1169 = vector.extract_strided_slice %get3A_2 {offsets = [37, 0, 0], sizes = [1, 16, 256], strides = [1, 1, 1]} : vector<50x16x256xf32> to vector<1x16x256xf32>
    %squeeze3A_1170 = vector.shape_cast %slice3A_1169 : vector<1x16x256xf32> to vector<16x256xf32>
    %dot_general3A_1171 = arith.constant dense<0.000000e+00> : vector<64x256xf32>
    %dot_general3A_1172 = tpu.matmul %get3A_9, %squeeze3A_1170, %dot_general3A_1171 {dimension_numbers = #tpu.dot_dimension_numbers<[1], [0], [0], [1], [0, 0, 1, 1], [], []>, transpose_lhs_hint = false} : vector<64x16xf32>, vector<16x256xf32>, vector<64x256xf32> -> vector<64x256xf32>
    %add3A_1173 = vector.broadcast %get3A_12 : vector<64x1xf32> to vector<64x256xf32>
    %add3A_1174 = arith.addf %dot_general3A_1172, %add3A_1173 : vector<64x256xf32>
    %max3A_1175 = arith.constant 0.000000e+00 : f32
    %max3A_1176 = vector.broadcast %max3A_1175 : f32 to vector<64x256xf32>
    %max3A_1177 = arith.maximumf %add3A_1174, %max3A_1176 : vector<64x256xf32>
    %slice3A_1178 = vector.extract_strided_slice %get3A_6 {offsets = [0, 37, 0], sizes = [3, 1, 256], strides = [1, 1, 1]} : vector<3x50x256xf32> to vector<3x1x256xf32>
    %squeeze3A_1179 = vector.shape_cast %slice3A_1178 : vector<3x1x256xf32> to vector<3x256xf32>
    %dot_general3A_1180 = arith.constant dense<0.000000e+00> : vector<64x256xf32>
    %dot_general3A_1181 = tpu.matmul %get3A_15, %squeeze3A_1179, %dot_general3A_1180 {dimension_numbers = #tpu.dot_dimension_numbers<[1], [0], [0], [1], [0, 0, 1, 1], [], []>, transpose_lhs_hint = false} : vector<64x3xf32>, vector<3x256xf32>, vector<64x256xf32> -> vector<64x256xf32>
    %add3A_1182 = vector.broadcast %get3A_18 : vector<64x1xf32> to vector<64x256xf32>
    %add3A_1183 = arith.addf %dot_general3A_1181, %add3A_1182 : vector<64x256xf32>
    %max3A_1184 = arith.constant 0.000000e+00 : f32
    %max3A_1185 = vector.broadcast %max3A_1184 : f32 to vector<64x256xf32>
    %max3A_1186 = arith.maximumf %add3A_1183, %max3A_1185 : vector<64x256xf32>
    %dot_general3A_1187 = arith.constant dense<0.000000e+00> : vector<64x256xf32>
    %dot_general3A_1188 = tpu.matmul %get3A_21, %max3A_1177, %dot_general3A_1187 {dimension_numbers = #tpu.dot_dimension_numbers<[1], [0], [0], [1], [0, 0, 1, 1], [], []>, transpose_lhs_hint = false} : vector<64x64xf32>, vector<64x256xf32>, vector<64x256xf32> -> vector<64x256xf32>
    %dot_general3A_1189 = arith.constant dense<0.000000e+00> : vector<64x256xf32>
    %dot_general3A_1190 = tpu.matmul %get3A_24, %max3A_1186, %dot_general3A_1189 {dimension_numbers = #tpu.dot_dimension_numbers<[1], [0], [0], [1], [0, 0, 1, 1], [], []>, transpose_lhs_hint = false} : vector<64x64xf32>, vector<64x256xf32>, vector<64x256xf32> -> vector<64x256xf32>
    %add3A_1191 = arith.addf %dot_general3A_1188, %dot_general3A_1190 : vector<64x256xf32>
    %add3A_1192 = vector.broadcast %get3A_27 : vector<64x1xf32> to vector<64x256xf32>
    %add3A_1193 = arith.addf %add3A_1191, %add3A_1192 : vector<64x256xf32>
    %swap3A_1194 = arith.constant 37 : index
    %swap3A_1195 = arith.constant 0 : index
    %swap3A_1196 = arith.constant 0 : index
    %swap3A_1197 = vector.load %arg10[%swap3A_1194, %swap3A_1195, %swap3A_1196] : memref<50x64x256xf32, #tpu.memory_space<vmem>>, vector<1x64x256xf32>
    %swap3A_1198 = vector.shape_cast %swap3A_1197 : vector<1x64x256xf32> to vector<64x256xf32>
    %swap3A_1199 = vector.shape_cast %add3A_1193 : vector<64x256xf32> to vector<1x64x256xf32>
    tpu.vector_store %arg10[%swap3A_1194, %swap3A_1195, %swap3A_1196], %swap3A_1199 {strides = array<i32>} : memref<50x64x256xf32, #tpu.memory_space<vmem>>, vector<1x64x256xf32>,
    %slice3A_1200 = vector.extract_strided_slice %get3A_2 {offsets = [38, 0, 0], sizes = [1, 16, 256], strides = [1, 1, 1]} : vector<50x16x256xf32> to vector<1x16x256xf32>
    %squeeze3A_1201 = vector.shape_cast %slice3A_1200 : vector<1x16x256xf32> to vector<16x256xf32>
    %dot_general3A_1202 = arith.constant dense<0.000000e+00> : vector<64x256xf32>
    %dot_general3A_1203 = tpu.matmul %get3A_9, %squeeze3A_1201, %dot_general3A_1202 {dimension_numbers = #tpu.dot_dimension_numbers<[1], [0], [0], [1], [0, 0, 1, 1], [], []>, transpose_lhs_hint = false} : vector<64x16xf32>, vector<16x256xf32>, vector<64x256xf32> -> vector<64x256xf32>
    %add3A_1204 = vector.broadcast %get3A_12 : vector<64x1xf32> to vector<64x256xf32>
    %add3A_1205 = arith.addf %dot_general3A_1203, %add3A_1204 : vector<64x256xf32>
    %max3A_1206 = arith.constant 0.000000e+00 : f32
    %max3A_1207 = vector.broadcast %max3A_1206 : f32 to vector<64x256xf32>
    %max3A_1208 = arith.maximumf %add3A_1205, %max3A_1207 : vector<64x256xf32>
    %slice3A_1209 = vector.extract_strided_slice %get3A_6 {offsets = [0, 38, 0], sizes = [3, 1, 256], strides = [1, 1, 1]} : vector<3x50x256xf32> to vector<3x1x256xf32>
    %squeeze3A_1210 = vector.shape_cast %slice3A_1209 : vector<3x1x256xf32> to vector<3x256xf32>
    %dot_general3A_1211 = arith.constant dense<0.000000e+00> : vector<64x256xf32>
    %dot_general3A_1212 = tpu.matmul %get3A_15, %squeeze3A_1210, %dot_general3A_1211 {dimension_numbers = #tpu.dot_dimension_numbers<[1], [0], [0], [1], [0, 0, 1, 1], [], []>, transpose_lhs_hint = false} : vector<64x3xf32>, vector<3x256xf32>, vector<64x256xf32> -> vector<64x256xf32>
    %add3A_1213 = vector.broadcast %get3A_18 : vector<64x1xf32> to vector<64x256xf32>
    %add3A_1214 = arith.addf %dot_general3A_1212, %add3A_1213 : vector<64x256xf32>
    %max3A_1215 = arith.constant 0.000000e+00 : f32
    %max3A_1216 = vector.broadcast %max3A_1215 : f32 to vector<64x256xf32>
    %max3A_1217 = arith.maximumf %add3A_1214, %max3A_1216 : vector<64x256xf32>
    %dot_general3A_1218 = arith.constant dense<0.000000e+00> : vector<64x256xf32>
    %dot_general3A_1219 = tpu.matmul %get3A_21, %max3A_1208, %dot_general3A_1218 {dimension_numbers = #tpu.dot_dimension_numbers<[1], [0], [0], [1], [0, 0, 1, 1], [], []>, transpose_lhs_hint = false} : vector<64x64xf32>, vector<64x256xf32>, vector<64x256xf32> -> vector<64x256xf32>
    %dot_general3A_1220 = arith.constant dense<0.000000e+00> : vector<64x256xf32>
    %dot_general3A_1221 = tpu.matmul %get3A_24, %max3A_1217, %dot_general3A_1220 {dimension_numbers = #tpu.dot_dimension_numbers<[1], [0], [0], [1], [0, 0, 1, 1], [], []>, transpose_lhs_hint = false} : vector<64x64xf32>, vector<64x256xf32>, vector<64x256xf32> -> vector<64x256xf32>
    %add3A_1222 = arith.addf %dot_general3A_1219, %dot_general3A_1221 : vector<64x256xf32>
    %add3A_1223 = vector.broadcast %get3A_27 : vector<64x1xf32> to vector<64x256xf32>
    %add3A_1224 = arith.addf %add3A_1222, %add3A_1223 : vector<64x256xf32>
    %swap3A_1225 = arith.constant 38 : index
    %swap3A_1226 = arith.constant 0 : index
    %swap3A_1227 = arith.constant 0 : index
    %swap3A_1228 = vector.load %arg10[%swap3A_1225, %swap3A_1226, %swap3A_1227] : memref<50x64x256xf32, #tpu.memory_space<vmem>>, vector<1x64x256xf32>
    %swap3A_1229 = vector.shape_cast %swap3A_1228 : vector<1x64x256xf32> to vector<64x256xf32>
    %swap3A_1230 = vector.shape_cast %add3A_1224 : vector<64x256xf32> to vector<1x64x256xf32>
    tpu.vector_store %arg10[%swap3A_1225, %swap3A_1226, %swap3A_1227], %swap3A_1230 {strides = array<i32>} : memref<50x64x256xf32, #tpu.memory_space<vmem>>, vector<1x64x256xf32>,
    %slice3A_1231 = vector.extract_strided_slice %get3A_2 {offsets = [39, 0, 0], sizes = [1, 16, 256], strides = [1, 1, 1]} : vector<50x16x256xf32> to vector<1x16x256xf32>
    %squeeze3A_1232 = vector.shape_cast %slice3A_1231 : vector<1x16x256xf32> to vector<16x256xf32>
    %dot_general3A_1233 = arith.constant dense<0.000000e+00> : vector<64x256xf32>
    %dot_general3A_1234 = tpu.matmul %get3A_9, %squeeze3A_1232, %dot_general3A_1233 {dimension_numbers = #tpu.dot_dimension_numbers<[1], [0], [0], [1], [0, 0, 1, 1], [], []>, transpose_lhs_hint = false} : vector<64x16xf32>, vector<16x256xf32>, vector<64x256xf32> -> vector<64x256xf32>
    %add3A_1235 = vector.broadcast %get3A_12 : vector<64x1xf32> to vector<64x256xf32>
    %add3A_1236 = arith.addf %dot_general3A_1234, %add3A_1235 : vector<64x256xf32>
    %max3A_1237 = arith.constant 0.000000e+00 : f32
    %max3A_1238 = vector.broadcast %max3A_1237 : f32 to vector<64x256xf32>
    %max3A_1239 = arith.maximumf %add3A_1236, %max3A_1238 : vector<64x256xf32>
    %slice3A_1240 = vector.extract_strided_slice %get3A_6 {offsets = [0, 39, 0], sizes = [3, 1, 256], strides = [1, 1, 1]} : vector<3x50x256xf32> to vector<3x1x256xf32>
    %squeeze3A_1241 = vector.shape_cast %slice3A_1240 : vector<3x1x256xf32> to vector<3x256xf32>
    %dot_general3A_1242 = arith.constant dense<0.000000e+00> : vector<64x256xf32>
    %dot_general3A_1243 = tpu.matmul %get3A_15, %squeeze3A_1241, %dot_general3A_1242 {dimension_numbers = #tpu.dot_dimension_numbers<[1], [0], [0], [1], [0, 0, 1, 1], [], []>, transpose_lhs_hint = false} : vector<64x3xf32>, vector<3x256xf32>, vector<64x256xf32> -> vector<64x256xf32>
    %add3A_1244 = vector.broadcast %get3A_18 : vector<64x1xf32> to vector<64x256xf32>
    %add3A_1245 = arith.addf %dot_general3A_1243, %add3A_1244 : vector<64x256xf32>
    %max3A_1246 = arith.constant 0.000000e+00 : f32
    %max3A_1247 = vector.broadcast %max3A_1246 : f32 to vector<64x256xf32>
    %max3A_1248 = arith.maximumf %add3A_1245, %max3A_1247 : vector<64x256xf32>
    %dot_general3A_1249 = arith.constant dense<0.000000e+00> : vector<64x256xf32>
    %dot_general3A_1250 = tpu.matmul %get3A_21, %max3A_1239, %dot_general3A_1249 {dimension_numbers = #tpu.dot_dimension_numbers<[1], [0], [0], [1], [0, 0, 1, 1], [], []>, transpose_lhs_hint = false} : vector<64x64xf32>, vector<64x256xf32>, vector<64x256xf32> -> vector<64x256xf32>
    %dot_general3A_1251 = arith.constant dense<0.000000e+00> : vector<64x256xf32>
    %dot_general3A_1252 = tpu.matmul %get3A_24, %max3A_1248, %dot_general3A_1251 {dimension_numbers = #tpu.dot_dimension_numbers<[1], [0], [0], [1], [0, 0, 1, 1], [], []>, transpose_lhs_hint = false} : vector<64x64xf32>, vector<64x256xf32>, vector<64x256xf32> -> vector<64x256xf32>
    %add3A_1253 = arith.addf %dot_general3A_1250, %dot_general3A_1252 : vector<64x256xf32>
    %add3A_1254 = vector.broadcast %get3A_27 : vector<64x1xf32> to vector<64x256xf32>
    %add3A_1255 = arith.addf %add3A_1253, %add3A_1254 : vector<64x256xf32>
    %swap3A_1256 = arith.constant 39 : index
    %swap3A_1257 = arith.constant 0 : index
    %swap3A_1258 = arith.constant 0 : index
    %swap3A_1259 = vector.load %arg10[%swap3A_1256, %swap3A_1257, %swap3A_1258] : memref<50x64x256xf32, #tpu.memory_space<vmem>>, vector<1x64x256xf32>
    %swap3A_1260 = vector.shape_cast %swap3A_1259 : vector<1x64x256xf32> to vector<64x256xf32>
    %swap3A_1261 = vector.shape_cast %add3A_1255 : vector<64x256xf32> to vector<1x64x256xf32>
    tpu.vector_store %arg10[%swap3A_1256, %swap3A_1257, %swap3A_1258], %swap3A_1261 {strides = array<i32>} : memref<50x64x256xf32, #tpu.memory_space<vmem>>, vector<1x64x256xf32>,
    %slice3A_1262 = vector.extract_strided_slice %get3A_2 {offsets = [40, 0, 0], sizes = [1, 16, 256], strides = [1, 1, 1]} : vector<50x16x256xf32> to vector<1x16x256xf32>
    %squeeze3A_1263 = vector.shape_cast %slice3A_1262 : vector<1x16x256xf32> to vector<16x256xf32>
    %dot_general3A_1264 = arith.constant dense<0.000000e+00> : vector<64x256xf32>
    %dot_general3A_1265 = tpu.matmul %get3A_9, %squeeze3A_1263, %dot_general3A_1264 {dimension_numbers = #tpu.dot_dimension_numbers<[1], [0], [0], [1], [0, 0, 1, 1], [], []>, transpose_lhs_hint = false} : vector<64x16xf32>, vector<16x256xf32>, vector<64x256xf32> -> vector<64x256xf32>
    %add3A_1266 = vector.broadcast %get3A_12 : vector<64x1xf32> to vector<64x256xf32>
    %add3A_1267 = arith.addf %dot_general3A_1265, %add3A_1266 : vector<64x256xf32>
    %max3A_1268 = arith.constant 0.000000e+00 : f32
    %max3A_1269 = vector.broadcast %max3A_1268 : f32 to vector<64x256xf32>
    %max3A_1270 = arith.maximumf %add3A_1267, %max3A_1269 : vector<64x256xf32>
    %slice3A_1271 = vector.extract_strided_slice %get3A_6 {offsets = [0, 40, 0], sizes = [3, 1, 256], strides = [1, 1, 1]} : vector<3x50x256xf32> to vector<3x1x256xf32>
    %squeeze3A_1272 = vector.shape_cast %slice3A_1271 : vector<3x1x256xf32> to vector<3x256xf32>
    %dot_general3A_1273 = arith.constant dense<0.000000e+00> : vector<64x256xf32>
    %dot_general3A_1274 = tpu.matmul %get3A_15, %squeeze3A_1272, %dot_general3A_1273 {dimension_numbers = #tpu.dot_dimension_numbers<[1], [0], [0], [1], [0, 0, 1, 1], [], []>, transpose_lhs_hint = false} : vector<64x3xf32>, vector<3x256xf32>, vector<64x256xf32> -> vector<64x256xf32>
    %add3A_1275 = vector.broadcast %get3A_18 : vector<64x1xf32> to vector<64x256xf32>
    %add3A_1276 = arith.addf %dot_general3A_1274, %add3A_1275 : vector<64x256xf32>
    %max3A_1277 = arith.constant 0.000000e+00 : f32
    %max3A_1278 = vector.broadcast %max3A_1277 : f32 to vector<64x256xf32>
    %max3A_1279 = arith.maximumf %add3A_1276, %max3A_1278 : vector<64x256xf32>
    %dot_general3A_1280 = arith.constant dense<0.000000e+00> : vector<64x256xf32>
    %dot_general3A_1281 = tpu.matmul %get3A_21, %max3A_1270, %dot_general3A_1280 {dimension_numbers = #tpu.dot_dimension_numbers<[1], [0], [0], [1], [0, 0, 1, 1], [], []>, transpose_lhs_hint = false} : vector<64x64xf32>, vector<64x256xf32>, vector<64x256xf32> -> vector<64x256xf32>
    %dot_general3A_1282 = arith.constant dense<0.000000e+00> : vector<64x256xf32>
    %dot_general3A_1283 = tpu.matmul %get3A_24, %max3A_1279, %dot_general3A_1282 {dimension_numbers = #tpu.dot_dimension_numbers<[1], [0], [0], [1], [0, 0, 1, 1], [], []>, transpose_lhs_hint = false} : vector<64x64xf32>, vector<64x256xf32>, vector<64x256xf32> -> vector<64x256xf32>
    %add3A_1284 = arith.addf %dot_general3A_1281, %dot_general3A_1283 : vector<64x256xf32>
    %add3A_1285 = vector.broadcast %get3A_27 : vector<64x1xf32> to vector<64x256xf32>
    %add3A_1286 = arith.addf %add3A_1284, %add3A_1285 : vector<64x256xf32>
    %swap3A_1287 = arith.constant 40 : index
    %swap3A_1288 = arith.constant 0 : index
    %swap3A_1289 = arith.constant 0 : index
    %swap3A_1290 = vector.load %arg10[%swap3A_1287, %swap3A_1288, %swap3A_1289] : memref<50x64x256xf32, #tpu.memory_space<vmem>>, vector<1x64x256xf32>
    %swap3A_1291 = vector.shape_cast %swap3A_1290 : vector<1x64x256xf32> to vector<64x256xf32>
    %swap3A_1292 = vector.shape_cast %add3A_1286 : vector<64x256xf32> to vector<1x64x256xf32>
    tpu.vector_store %arg10[%swap3A_1287, %swap3A_1288, %swap3A_1289], %swap3A_1292 {strides = array<i32>} : memref<50x64x256xf32, #tpu.memory_space<vmem>>, vector<1x64x256xf32>,
    %slice3A_1293 = vector.extract_strided_slice %get3A_2 {offsets = [41, 0, 0], sizes = [1, 16, 256], strides = [1, 1, 1]} : vector<50x16x256xf32> to vector<1x16x256xf32>
    %squeeze3A_1294 = vector.shape_cast %slice3A_1293 : vector<1x16x256xf32> to vector<16x256xf32>
    %dot_general3A_1295 = arith.constant dense<0.000000e+00> : vector<64x256xf32>
    %dot_general3A_1296 = tpu.matmul %get3A_9, %squeeze3A_1294, %dot_general3A_1295 {dimension_numbers = #tpu.dot_dimension_numbers<[1], [0], [0], [1], [0, 0, 1, 1], [], []>, transpose_lhs_hint = false} : vector<64x16xf32>, vector<16x256xf32>, vector<64x256xf32> -> vector<64x256xf32>
    %add3A_1297 = vector.broadcast %get3A_12 : vector<64x1xf32> to vector<64x256xf32>
    %add3A_1298 = arith.addf %dot_general3A_1296, %add3A_1297 : vector<64x256xf32>
    %max3A_1299 = arith.constant 0.000000e+00 : f32
    %max3A_1300 = vector.broadcast %max3A_1299 : f32 to vector<64x256xf32>
    %max3A_1301 = arith.maximumf %add3A_1298, %max3A_1300 : vector<64x256xf32>
    %slice3A_1302 = vector.extract_strided_slice %get3A_6 {offsets = [0, 41, 0], sizes = [3, 1, 256], strides = [1, 1, 1]} : vector<3x50x256xf32> to vector<3x1x256xf32>
    %squeeze3A_1303 = vector.shape_cast %slice3A_1302 : vector<3x1x256xf32> to vector<3x256xf32>
    %dot_general3A_1304 = arith.constant dense<0.000000e+00> : vector<64x256xf32>
    %dot_general3A_1305 = tpu.matmul %get3A_15, %squeeze3A_1303, %dot_general3A_1304 {dimension_numbers = #tpu.dot_dimension_numbers<[1], [0], [0], [1], [0, 0, 1, 1], [], []>, transpose_lhs_hint = false} : vector<64x3xf32>, vector<3x256xf32>, vector<64x256xf32> -> vector<64x256xf32>
    %add3A_1306 = vector.broadcast %get3A_18 : vector<64x1xf32> to vector<64x256xf32>
    %add3A_1307 = arith.addf %dot_general3A_1305, %add3A_1306 : vector<64x256xf32>
    %max3A_1308 = arith.constant 0.000000e+00 : f32
    %max3A_1309 = vector.broadcast %max3A_1308 : f32 to vector<64x256xf32>
    %max3A_1310 = arith.maximumf %add3A_1307, %max3A_1309 : vector<64x256xf32>
    %dot_general3A_1311 = arith.constant dense<0.000000e+00> : vector<64x256xf32>
    %dot_general3A_1312 = tpu.matmul %get3A_21, %max3A_1301, %dot_general3A_1311 {dimension_numbers = #tpu.dot_dimension_numbers<[1], [0], [0], [1], [0, 0, 1, 1], [], []>, transpose_lhs_hint = false} : vector<64x64xf32>, vector<64x256xf32>, vector<64x256xf32> -> vector<64x256xf32>
    %dot_general3A_1313 = arith.constant dense<0.000000e+00> : vector<64x256xf32>
    %dot_general3A_1314 = tpu.matmul %get3A_24, %max3A_1310, %dot_general3A_1313 {dimension_numbers = #tpu.dot_dimension_numbers<[1], [0], [0], [1], [0, 0, 1, 1], [], []>, transpose_lhs_hint = false} : vector<64x64xf32>, vector<64x256xf32>, vector<64x256xf32> -> vector<64x256xf32>
    %add3A_1315 = arith.addf %dot_general3A_1312, %dot_general3A_1314 : vector<64x256xf32>
    %add3A_1316 = vector.broadcast %get3A_27 : vector<64x1xf32> to vector<64x256xf32>
    %add3A_1317 = arith.addf %add3A_1315, %add3A_1316 : vector<64x256xf32>
    %swap3A_1318 = arith.constant 41 : index
    %swap3A_1319 = arith.constant 0 : index
    %swap3A_1320 = arith.constant 0 : index
    %swap3A_1321 = vector.load %arg10[%swap3A_1318, %swap3A_1319, %swap3A_1320] : memref<50x64x256xf32, #tpu.memory_space<vmem>>, vector<1x64x256xf32>
    %swap3A_1322 = vector.shape_cast %swap3A_1321 : vector<1x64x256xf32> to vector<64x256xf32>
    %swap3A_1323 = vector.shape_cast %add3A_1317 : vector<64x256xf32> to vector<1x64x256xf32>
    tpu.vector_store %arg10[%swap3A_1318, %swap3A_1319, %swap3A_1320], %swap3A_1323 {strides = array<i32>} : memref<50x64x256xf32, #tpu.memory_space<vmem>>, vector<1x64x256xf32>,
    %slice3A_1324 = vector.extract_strided_slice %get3A_2 {offsets = [42, 0, 0], sizes = [1, 16, 256], strides = [1, 1, 1]} : vector<50x16x256xf32> to vector<1x16x256xf32>
    %squeeze3A_1325 = vector.shape_cast %slice3A_1324 : vector<1x16x256xf32> to vector<16x256xf32>
    %dot_general3A_1326 = arith.constant dense<0.000000e+00> : vector<64x256xf32>
    %dot_general3A_1327 = tpu.matmul %get3A_9, %squeeze3A_1325, %dot_general3A_1326 {dimension_numbers = #tpu.dot_dimension_numbers<[1], [0], [0], [1], [0, 0, 1, 1], [], []>, transpose_lhs_hint = false} : vector<64x16xf32>, vector<16x256xf32>, vector<64x256xf32> -> vector<64x256xf32>
    %add3A_1328 = vector.broadcast %get3A_12 : vector<64x1xf32> to vector<64x256xf32>
    %add3A_1329 = arith.addf %dot_general3A_1327, %add3A_1328 : vector<64x256xf32>
    %max3A_1330 = arith.constant 0.000000e+00 : f32
    %max3A_1331 = vector.broadcast %max3A_1330 : f32 to vector<64x256xf32>
    %max3A_1332 = arith.maximumf %add3A_1329, %max3A_1331 : vector<64x256xf32>
    %slice3A_1333 = vector.extract_strided_slice %get3A_6 {offsets = [0, 42, 0], sizes = [3, 1, 256], strides = [1, 1, 1]} : vector<3x50x256xf32> to vector<3x1x256xf32>
    %squeeze3A_1334 = vector.shape_cast %slice3A_1333 : vector<3x1x256xf32> to vector<3x256xf32>
    %dot_general3A_1335 = arith.constant dense<0.000000e+00> : vector<64x256xf32>
    %dot_general3A_1336 = tpu.matmul %get3A_15, %squeeze3A_1334, %dot_general3A_1335 {dimension_numbers = #tpu.dot_dimension_numbers<[1], [0], [0], [1], [0, 0, 1, 1], [], []>, transpose_lhs_hint = false} : vector<64x3xf32>, vector<3x256xf32>, vector<64x256xf32> -> vector<64x256xf32>
    %add3A_1337 = vector.broadcast %get3A_18 : vector<64x1xf32> to vector<64x256xf32>
    %add3A_1338 = arith.addf %dot_general3A_1336, %add3A_1337 : vector<64x256xf32>
    %max3A_1339 = arith.constant 0.000000e+00 : f32
    %max3A_1340 = vector.broadcast %max3A_1339 : f32 to vector<64x256xf32>
    %max3A_1341 = arith.maximumf %add3A_1338, %max3A_1340 : vector<64x256xf32>
    %dot_general3A_1342 = arith.constant dense<0.000000e+00> : vector<64x256xf32>
    %dot_general3A_1343 = tpu.matmul %get3A_21, %max3A_1332, %dot_general3A_1342 {dimension_numbers = #tpu.dot_dimension_numbers<[1], [0], [0], [1], [0, 0, 1, 1], [], []>, transpose_lhs_hint = false} : vector<64x64xf32>, vector<64x256xf32>, vector<64x256xf32> -> vector<64x256xf32>
    %dot_general3A_1344 = arith.constant dense<0.000000e+00> : vector<64x256xf32>
    %dot_general3A_1345 = tpu.matmul %get3A_24, %max3A_1341, %dot_general3A_1344 {dimension_numbers = #tpu.dot_dimension_numbers<[1], [0], [0], [1], [0, 0, 1, 1], [], []>, transpose_lhs_hint = false} : vector<64x64xf32>, vector<64x256xf32>, vector<64x256xf32> -> vector<64x256xf32>
    %add3A_1346 = arith.addf %dot_general3A_1343, %dot_general3A_1345 : vector<64x256xf32>
    %add3A_1347 = vector.broadcast %get3A_27 : vector<64x1xf32> to vector<64x256xf32>
    %add3A_1348 = arith.addf %add3A_1346, %add3A_1347 : vector<64x256xf32>
    %swap3A_1349 = arith.constant 42 : index
    %swap3A_1350 = arith.constant 0 : index
    %swap3A_1351 = arith.constant 0 : index
    %swap3A_1352 = vector.load %arg10[%swap3A_1349, %swap3A_1350, %swap3A_1351] : memref<50x64x256xf32, #tpu.memory_space<vmem>>, vector<1x64x256xf32>
    %swap3A_1353 = vector.shape_cast %swap3A_1352 : vector<1x64x256xf32> to vector<64x256xf32>
    %swap3A_1354 = vector.shape_cast %add3A_1348 : vector<64x256xf32> to vector<1x64x256xf32>
    tpu.vector_store %arg10[%swap3A_1349, %swap3A_1350, %swap3A_1351], %swap3A_1354 {strides = array<i32>} : memref<50x64x256xf32, #tpu.memory_space<vmem>>, vector<1x64x256xf32>,
    %slice3A_1355 = vector.extract_strided_slice %get3A_2 {offsets = [43, 0, 0], sizes = [1, 16, 256], strides = [1, 1, 1]} : vector<50x16x256xf32> to vector<1x16x256xf32>
    %squeeze3A_1356 = vector.shape_cast %slice3A_1355 : vector<1x16x256xf32> to vector<16x256xf32>
    %dot_general3A_1357 = arith.constant dense<0.000000e+00> : vector<64x256xf32>
    %dot_general3A_1358 = tpu.matmul %get3A_9, %squeeze3A_1356, %dot_general3A_1357 {dimension_numbers = #tpu.dot_dimension_numbers<[1], [0], [0], [1], [0, 0, 1, 1], [], []>, transpose_lhs_hint = false} : vector<64x16xf32>, vector<16x256xf32>, vector<64x256xf32> -> vector<64x256xf32>
    %add3A_1359 = vector.broadcast %get3A_12 : vector<64x1xf32> to vector<64x256xf32>
    %add3A_1360 = arith.addf %dot_general3A_1358, %add3A_1359 : vector<64x256xf32>
    %max3A_1361 = arith.constant 0.000000e+00 : f32
    %max3A_1362 = vector.broadcast %max3A_1361 : f32 to vector<64x256xf32>
    %max3A_1363 = arith.maximumf %add3A_1360, %max3A_1362 : vector<64x256xf32>
    %slice3A_1364 = vector.extract_strided_slice %get3A_6 {offsets = [0, 43, 0], sizes = [3, 1, 256], strides = [1, 1, 1]} : vector<3x50x256xf32> to vector<3x1x256xf32>
    %squeeze3A_1365 = vector.shape_cast %slice3A_1364 : vector<3x1x256xf32> to vector<3x256xf32>
    %dot_general3A_1366 = arith.constant dense<0.000000e+00> : vector<64x256xf32>
    %dot_general3A_1367 = tpu.matmul %get3A_15, %squeeze3A_1365, %dot_general3A_1366 {dimension_numbers = #tpu.dot_dimension_numbers<[1], [0], [0], [1], [0, 0, 1, 1], [], []>, transpose_lhs_hint = false} : vector<64x3xf32>, vector<3x256xf32>, vector<64x256xf32> -> vector<64x256xf32>
    %add3A_1368 = vector.broadcast %get3A_18 : vector<64x1xf32> to vector<64x256xf32>
    %add3A_1369 = arith.addf %dot_general3A_1367, %add3A_1368 : vector<64x256xf32>
    %max3A_1370 = arith.constant 0.000000e+00 : f32
    %max3A_1371 = vector.broadcast %max3A_1370 : f32 to vector<64x256xf32>
    %max3A_1372 = arith.maximumf %add3A_1369, %max3A_1371 : vector<64x256xf32>
    %dot_general3A_1373 = arith.constant dense<0.000000e+00> : vector<64x256xf32>
    %dot_general3A_1374 = tpu.matmul %get3A_21, %max3A_1363, %dot_general3A_1373 {dimension_numbers = #tpu.dot_dimension_numbers<[1], [0], [0], [1], [0, 0, 1, 1], [], []>, transpose_lhs_hint = false} : vector<64x64xf32>, vector<64x256xf32>, vector<64x256xf32> -> vector<64x256xf32>
    %dot_general3A_1375 = arith.constant dense<0.000000e+00> : vector<64x256xf32>
    %dot_general3A_1376 = tpu.matmul %get3A_24, %max3A_1372, %dot_general3A_1375 {dimension_numbers = #tpu.dot_dimension_numbers<[1], [0], [0], [1], [0, 0, 1, 1], [], []>, transpose_lhs_hint = false} : vector<64x64xf32>, vector<64x256xf32>, vector<64x256xf32> -> vector<64x256xf32>
    %add3A_1377 = arith.addf %dot_general3A_1374, %dot_general3A_1376 : vector<64x256xf32>
    %add3A_1378 = vector.broadcast %get3A_27 : vector<64x1xf32> to vector<64x256xf32>
    %add3A_1379 = arith.addf %add3A_1377, %add3A_1378 : vector<64x256xf32>
    %swap3A_1380 = arith.constant 43 : index
    %swap3A_1381 = arith.constant 0 : index
    %swap3A_1382 = arith.constant 0 : index
    %swap3A_1383 = vector.load %arg10[%swap3A_1380, %swap3A_1381, %swap3A_1382] : memref<50x64x256xf32, #tpu.memory_space<vmem>>, vector<1x64x256xf32>
    %swap3A_1384 = vector.shape_cast %swap3A_1383 : vector<1x64x256xf32> to vector<64x256xf32>
    %swap3A_1385 = vector.shape_cast %add3A_1379 : vector<64x256xf32> to vector<1x64x256xf32>
    tpu.vector_store %arg10[%swap3A_1380, %swap3A_1381, %swap3A_1382], %swap3A_1385 {strides = array<i32>} : memref<50x64x256xf32, #tpu.memory_space<vmem>>, vector<1x64x256xf32>,
    %slice3A_1386 = vector.extract_strided_slice %get3A_2 {offsets = [44, 0, 0], sizes = [1, 16, 256], strides = [1, 1, 1]} : vector<50x16x256xf32> to vector<1x16x256xf32>
    %squeeze3A_1387 = vector.shape_cast %slice3A_1386 : vector<1x16x256xf32> to vector<16x256xf32>
    %dot_general3A_1388 = arith.constant dense<0.000000e+00> : vector<64x256xf32>
    %dot_general3A_1389 = tpu.matmul %get3A_9, %squeeze3A_1387, %dot_general3A_1388 {dimension_numbers = #tpu.dot_dimension_numbers<[1], [0], [0], [1], [0, 0, 1, 1], [], []>, transpose_lhs_hint = false} : vector<64x16xf32>, vector<16x256xf32>, vector<64x256xf32> -> vector<64x256xf32>
    %add3A_1390 = vector.broadcast %get3A_12 : vector<64x1xf32> to vector<64x256xf32>
    %add3A_1391 = arith.addf %dot_general3A_1389, %add3A_1390 : vector<64x256xf32>
    %max3A_1392 = arith.constant 0.000000e+00 : f32
    %max3A_1393 = vector.broadcast %max3A_1392 : f32 to vector<64x256xf32>
    %max3A_1394 = arith.maximumf %add3A_1391, %max3A_1393 : vector<64x256xf32>
    %slice3A_1395 = vector.extract_strided_slice %get3A_6 {offsets = [0, 44, 0], sizes = [3, 1, 256], strides = [1, 1, 1]} : vector<3x50x256xf32> to vector<3x1x256xf32>
    %squeeze3A_1396 = vector.shape_cast %slice3A_1395 : vector<3x1x256xf32> to vector<3x256xf32>
    %dot_general3A_1397 = arith.constant dense<0.000000e+00> : vector<64x256xf32>
    %dot_general3A_1398 = tpu.matmul %get3A_15, %squeeze3A_1396, %dot_general3A_1397 {dimension_numbers = #tpu.dot_dimension_numbers<[1], [0], [0], [1], [0, 0, 1, 1], [], []>, transpose_lhs_hint = false} : vector<64x3xf32>, vector<3x256xf32>, vector<64x256xf32> -> vector<64x256xf32>
    %add3A_1399 = vector.broadcast %get3A_18 : vector<64x1xf32> to vector<64x256xf32>
    %add3A_1400 = arith.addf %dot_general3A_1398, %add3A_1399 : vector<64x256xf32>
    %max3A_1401 = arith.constant 0.000000e+00 : f32
    %max3A_1402 = vector.broadcast %max3A_1401 : f32 to vector<64x256xf32>
    %max3A_1403 = arith.maximumf %add3A_1400, %max3A_1402 : vector<64x256xf32>
    %dot_general3A_1404 = arith.constant dense<0.000000e+00> : vector<64x256xf32>
    %dot_general3A_1405 = tpu.matmul %get3A_21, %max3A_1394, %dot_general3A_1404 {dimension_numbers = #tpu.dot_dimension_numbers<[1], [0], [0], [1], [0, 0, 1, 1], [], []>, transpose_lhs_hint = false} : vector<64x64xf32>, vector<64x256xf32>, vector<64x256xf32> -> vector<64x256xf32>
    %dot_general3A_1406 = arith.constant dense<0.000000e+00> : vector<64x256xf32>
    %dot_general3A_1407 = tpu.matmul %get3A_24, %max3A_1403, %dot_general3A_1406 {dimension_numbers = #tpu.dot_dimension_numbers<[1], [0], [0], [1], [0, 0, 1, 1], [], []>, transpose_lhs_hint = false} : vector<64x64xf32>, vector<64x256xf32>, vector<64x256xf32> -> vector<64x256xf32>
    %add3A_1408 = arith.addf %dot_general3A_1405, %dot_general3A_1407 : vector<64x256xf32>
    %add3A_1409 = vector.broadcast %get3A_27 : vector<64x1xf32> to vector<64x256xf32>
    %add3A_1410 = arith.addf %add3A_1408, %add3A_1409 : vector<64x256xf32>
    %swap3A_1411 = arith.constant 44 : index
    %swap3A_1412 = arith.constant 0 : index
    %swap3A_1413 = arith.constant 0 : index
    %swap3A_1414 = vector.load %arg10[%swap3A_1411, %swap3A_1412, %swap3A_1413] : memref<50x64x256xf32, #tpu.memory_space<vmem>>, vector<1x64x256xf32>
    %swap3A_1415 = vector.shape_cast %swap3A_1414 : vector<1x64x256xf32> to vector<64x256xf32>
    %swap3A_1416 = vector.shape_cast %add3A_1410 : vector<64x256xf32> to vector<1x64x256xf32>
    tpu.vector_store %arg10[%swap3A_1411, %swap3A_1412, %swap3A_1413], %swap3A_1416 {strides = array<i32>} : memref<50x64x256xf32, #tpu.memory_space<vmem>>, vector<1x64x256xf32>,
    %slice3A_1417 = vector.extract_strided_slice %get3A_2 {offsets = [45, 0, 0], sizes = [1, 16, 256], strides = [1, 1, 1]} : vector<50x16x256xf32> to vector<1x16x256xf32>
    %squeeze3A_1418 = vector.shape_cast %slice3A_1417 : vector<1x16x256xf32> to vector<16x256xf32>
    %dot_general3A_1419 = arith.constant dense<0.000000e+00> : vector<64x256xf32>
    %dot_general3A_1420 = tpu.matmul %get3A_9, %squeeze3A_1418, %dot_general3A_1419 {dimension_numbers = #tpu.dot_dimension_numbers<[1], [0], [0], [1], [0, 0, 1, 1], [], []>, transpose_lhs_hint = false} : vector<64x16xf32>, vector<16x256xf32>, vector<64x256xf32> -> vector<64x256xf32>
    %add3A_1421 = vector.broadcast %get3A_12 : vector<64x1xf32> to vector<64x256xf32>
    %add3A_1422 = arith.addf %dot_general3A_1420, %add3A_1421 : vector<64x256xf32>
    %max3A_1423 = arith.constant 0.000000e+00 : f32
    %max3A_1424 = vector.broadcast %max3A_1423 : f32 to vector<64x256xf32>
    %max3A_1425 = arith.maximumf %add3A_1422, %max3A_1424 : vector<64x256xf32>
    %slice3A_1426 = vector.extract_strided_slice %get3A_6 {offsets = [0, 45, 0], sizes = [3, 1, 256], strides = [1, 1, 1]} : vector<3x50x256xf32> to vector<3x1x256xf32>
    %squeeze3A_1427 = vector.shape_cast %slice3A_1426 : vector<3x1x256xf32> to vector<3x256xf32>
    %dot_general3A_1428 = arith.constant dense<0.000000e+00> : vector<64x256xf32>
    %dot_general3A_1429 = tpu.matmul %get3A_15, %squeeze3A_1427, %dot_general3A_1428 {dimension_numbers = #tpu.dot_dimension_numbers<[1], [0], [0], [1], [0, 0, 1, 1], [], []>, transpose_lhs_hint = false} : vector<64x3xf32>, vector<3x256xf32>, vector<64x256xf32> -> vector<64x256xf32>
    %add3A_1430 = vector.broadcast %get3A_18 : vector<64x1xf32> to vector<64x256xf32>
    %add3A_1431 = arith.addf %dot_general3A_1429, %add3A_1430 : vector<64x256xf32>
    %max3A_1432 = arith.constant 0.000000e+00 : f32
    %max3A_1433 = vector.broadcast %max3A_1432 : f32 to vector<64x256xf32>
    %max3A_1434 = arith.maximumf %add3A_1431, %max3A_1433 : vector<64x256xf32>
    %dot_general3A_1435 = arith.constant dense<0.000000e+00> : vector<64x256xf32>
    %dot_general3A_1436 = tpu.matmul %get3A_21, %max3A_1425, %dot_general3A_1435 {dimension_numbers = #tpu.dot_dimension_numbers<[1], [0], [0], [1], [0, 0, 1, 1], [], []>, transpose_lhs_hint = false} : vector<64x64xf32>, vector<64x256xf32>, vector<64x256xf32> -> vector<64x256xf32>
    %dot_general3A_1437 = arith.constant dense<0.000000e+00> : vector<64x256xf32>
    %dot_general3A_1438 = tpu.matmul %get3A_24, %max3A_1434, %dot_general3A_1437 {dimension_numbers = #tpu.dot_dimension_numbers<[1], [0], [0], [1], [0, 0, 1, 1], [], []>, transpose_lhs_hint = false} : vector<64x64xf32>, vector<64x256xf32>, vector<64x256xf32> -> vector<64x256xf32>
    %add3A_1439 = arith.addf %dot_general3A_1436, %dot_general3A_1438 : vector<64x256xf32>
    %add3A_1440 = vector.broadcast %get3A_27 : vector<64x1xf32> to vector<64x256xf32>
    %add3A_1441 = arith.addf %add3A_1439, %add3A_1440 : vector<64x256xf32>
    %swap3A_1442 = arith.constant 45 : index
    %swap3A_1443 = arith.constant 0 : index
    %swap3A_1444 = arith.constant 0 : index
    %swap3A_1445 = vector.load %arg10[%swap3A_1442, %swap3A_1443, %swap3A_1444] : memref<50x64x256xf32, #tpu.memory_space<vmem>>, vector<1x64x256xf32>
    %swap3A_1446 = vector.shape_cast %swap3A_1445 : vector<1x64x256xf32> to vector<64x256xf32>
    %swap3A_1447 = vector.shape_cast %add3A_1441 : vector<64x256xf32> to vector<1x64x256xf32>
    tpu.vector_store %arg10[%swap3A_1442, %swap3A_1443, %swap3A_1444], %swap3A_1447 {strides = array<i32>} : memref<50x64x256xf32, #tpu.memory_space<vmem>>, vector<1x64x256xf32>,
    %slice3A_1448 = vector.extract_strided_slice %get3A_2 {offsets = [46, 0, 0], sizes = [1, 16, 256], strides = [1, 1, 1]} : vector<50x16x256xf32> to vector<1x16x256xf32>
    %squeeze3A_1449 = vector.shape_cast %slice3A_1448 : vector<1x16x256xf32> to vector<16x256xf32>
    %dot_general3A_1450 = arith.constant dense<0.000000e+00> : vector<64x256xf32>
    %dot_general3A_1451 = tpu.matmul %get3A_9, %squeeze3A_1449, %dot_general3A_1450 {dimension_numbers = #tpu.dot_dimension_numbers<[1], [0], [0], [1], [0, 0, 1, 1], [], []>, transpose_lhs_hint = false} : vector<64x16xf32>, vector<16x256xf32>, vector<64x256xf32> -> vector<64x256xf32>
    %add3A_1452 = vector.broadcast %get3A_12 : vector<64x1xf32> to vector<64x256xf32>
    %add3A_1453 = arith.addf %dot_general3A_1451, %add3A_1452 : vector<64x256xf32>
    %max3A_1454 = arith.constant 0.000000e+00 : f32
    %max3A_1455 = vector.broadcast %max3A_1454 : f32 to vector<64x256xf32>
    %max3A_1456 = arith.maximumf %add3A_1453, %max3A_1455 : vector<64x256xf32>
    %slice3A_1457 = vector.extract_strided_slice %get3A_6 {offsets = [0, 46, 0], sizes = [3, 1, 256], strides = [1, 1, 1]} : vector<3x50x256xf32> to vector<3x1x256xf32>
    %squeeze3A_1458 = vector.shape_cast %slice3A_1457 : vector<3x1x256xf32> to vector<3x256xf32>
    %dot_general3A_1459 = arith.constant dense<0.000000e+00> : vector<64x256xf32>
    %dot_general3A_1460 = tpu.matmul %get3A_15, %squeeze3A_1458, %dot_general3A_1459 {dimension_numbers = #tpu.dot_dimension_numbers<[1], [0], [0], [1], [0, 0, 1, 1], [], []>, transpose_lhs_hint = false} : vector<64x3xf32>, vector<3x256xf32>, vector<64x256xf32> -> vector<64x256xf32>
    %add3A_1461 = vector.broadcast %get3A_18 : vector<64x1xf32> to vector<64x256xf32>
    %add3A_1462 = arith.addf %dot_general3A_1460, %add3A_1461 : vector<64x256xf32>
    %max3A_1463 = arith.constant 0.000000e+00 : f32
    %max3A_1464 = vector.broadcast %max3A_1463 : f32 to vector<64x256xf32>
    %max3A_1465 = arith.maximumf %add3A_1462, %max3A_1464 : vector<64x256xf32>
    %dot_general3A_1466 = arith.constant dense<0.000000e+00> : vector<64x256xf32>
    %dot_general3A_1467 = tpu.matmul %get3A_21, %max3A_1456, %dot_general3A_1466 {dimension_numbers = #tpu.dot_dimension_numbers<[1], [0], [0], [1], [0, 0, 1, 1], [], []>, transpose_lhs_hint = false} : vector<64x64xf32>, vector<64x256xf32>, vector<64x256xf32> -> vector<64x256xf32>
    %dot_general3A_1468 = arith.constant dense<0.000000e+00> : vector<64x256xf32>
    %dot_general3A_1469 = tpu.matmul %get3A_24, %max3A_1465, %dot_general3A_1468 {dimension_numbers = #tpu.dot_dimension_numbers<[1], [0], [0], [1], [0, 0, 1, 1], [], []>, transpose_lhs_hint = false} : vector<64x64xf32>, vector<64x256xf32>, vector<64x256xf32> -> vector<64x256xf32>
    %add3A_1470 = arith.addf %dot_general3A_1467, %dot_general3A_1469 : vector<64x256xf32>
    %add3A_1471 = vector.broadcast %get3A_27 : vector<64x1xf32> to vector<64x256xf32>
    %add3A_1472 = arith.addf %add3A_1470, %add3A_1471 : vector<64x256xf32>
    %swap3A_1473 = arith.constant 46 : index
    %swap3A_1474 = arith.constant 0 : index
    %swap3A_1475 = arith.constant 0 : index
    %swap3A_1476 = vector.load %arg10[%swap3A_1473, %swap3A_1474, %swap3A_1475] : memref<50x64x256xf32, #tpu.memory_space<vmem>>, vector<1x64x256xf32>
    %swap3A_1477 = vector.shape_cast %swap3A_1476 : vector<1x64x256xf32> to vector<64x256xf32>
    %swap3A_1478 = vector.shape_cast %add3A_1472 : vector<64x256xf32> to vector<1x64x256xf32>
    tpu.vector_store %arg10[%swap3A_1473, %swap3A_1474, %swap3A_1475], %swap3A_1478 {strides = array<i32>} : memref<50x64x256xf32, #tpu.memory_space<vmem>>, vector<1x64x256xf32>,
    %slice3A_1479 = vector.extract_strided_slice %get3A_2 {offsets = [47, 0, 0], sizes = [1, 16, 256], strides = [1, 1, 1]} : vector<50x16x256xf32> to vector<1x16x256xf32>
    %squeeze3A_1480 = vector.shape_cast %slice3A_1479 : vector<1x16x256xf32> to vector<16x256xf32>
    %dot_general3A_1481 = arith.constant dense<0.000000e+00> : vector<64x256xf32>
    %dot_general3A_1482 = tpu.matmul %get3A_9, %squeeze3A_1480, %dot_general3A_1481 {dimension_numbers = #tpu.dot_dimension_numbers<[1], [0], [0], [1], [0, 0, 1, 1], [], []>, transpose_lhs_hint = false} : vector<64x16xf32>, vector<16x256xf32>, vector<64x256xf32> -> vector<64x256xf32>
    %add3A_1483 = vector.broadcast %get3A_12 : vector<64x1xf32> to vector<64x256xf32>
    %add3A_1484 = arith.addf %dot_general3A_1482, %add3A_1483 : vector<64x256xf32>
    %max3A_1485 = arith.constant 0.000000e+00 : f32
    %max3A_1486 = vector.broadcast %max3A_1485 : f32 to vector<64x256xf32>
    %max3A_1487 = arith.maximumf %add3A_1484, %max3A_1486 : vector<64x256xf32>
    %slice3A_1488 = vector.extract_strided_slice %get3A_6 {offsets = [0, 47, 0], sizes = [3, 1, 256], strides = [1, 1, 1]} : vector<3x50x256xf32> to vector<3x1x256xf32>
    %squeeze3A_1489 = vector.shape_cast %slice3A_1488 : vector<3x1x256xf32> to vector<3x256xf32>
    %dot_general3A_1490 = arith.constant dense<0.000000e+00> : vector<64x256xf32>
    %dot_general3A_1491 = tpu.matmul %get3A_15, %squeeze3A_1489, %dot_general3A_1490 {dimension_numbers = #tpu.dot_dimension_numbers<[1], [0], [0], [1], [0, 0, 1, 1], [], []>, transpose_lhs_hint = false} : vector<64x3xf32>, vector<3x256xf32>, vector<64x256xf32> -> vector<64x256xf32>
    %add3A_1492 = vector.broadcast %get3A_18 : vector<64x1xf32> to vector<64x256xf32>
    %add3A_1493 = arith.addf %dot_general3A_1491, %add3A_1492 : vector<64x256xf32>
    %max3A_1494 = arith.constant 0.000000e+00 : f32
    %max3A_1495 = vector.broadcast %max3A_1494 : f32 to vector<64x256xf32>
    %max3A_1496 = arith.maximumf %add3A_1493, %max3A_1495 : vector<64x256xf32>
    %dot_general3A_1497 = arith.constant dense<0.000000e+00> : vector<64x256xf32>
    %dot_general3A_1498 = tpu.matmul %get3A_21, %max3A_1487, %dot_general3A_1497 {dimension_numbers = #tpu.dot_dimension_numbers<[1], [0], [0], [1], [0, 0, 1, 1], [], []>, transpose_lhs_hint = false} : vector<64x64xf32>, vector<64x256xf32>, vector<64x256xf32> -> vector<64x256xf32>
    %dot_general3A_1499 = arith.constant dense<0.000000e+00> : vector<64x256xf32>
    %dot_general3A_1500 = tpu.matmul %get3A_24, %max3A_1496, %dot_general3A_1499 {dimension_numbers = #tpu.dot_dimension_numbers<[1], [0], [0], [1], [0, 0, 1, 1], [], []>, transpose_lhs_hint = false} : vector<64x64xf32>, vector<64x256xf32>, vector<64x256xf32> -> vector<64x256xf32>
    %add3A_1501 = arith.addf %dot_general3A_1498, %dot_general3A_1500 : vector<64x256xf32>
    %add3A_1502 = vector.broadcast %get3A_27 : vector<64x1xf32> to vector<64x256xf32>
    %add3A_1503 = arith.addf %add3A_1501, %add3A_1502 : vector<64x256xf32>
    %swap3A_1504 = arith.constant 47 : index
    %swap3A_1505 = arith.constant 0 : index
    %swap3A_1506 = arith.constant 0 : index
    %swap3A_1507 = vector.load %arg10[%swap3A_1504, %swap3A_1505, %swap3A_1506] : memref<50x64x256xf32, #tpu.memory_space<vmem>>, vector<1x64x256xf32>
    %swap3A_1508 = vector.shape_cast %swap3A_1507 : vector<1x64x256xf32> to vector<64x256xf32>
    %swap3A_1509 = vector.shape_cast %add3A_1503 : vector<64x256xf32> to vector<1x64x256xf32>
    tpu.vector_store %arg10[%swap3A_1504, %swap3A_1505, %swap3A_1506], %swap3A_1509 {strides = array<i32>} : memref<50x64x256xf32, #tpu.memory_space<vmem>>, vector<1x64x256xf32>,
    %slice3A_1510 = vector.extract_strided_slice %get3A_2 {offsets = [48, 0, 0], sizes = [1, 16, 256], strides = [1, 1, 1]} : vector<50x16x256xf32> to vector<1x16x256xf32>
    %squeeze3A_1511 = vector.shape_cast %slice3A_1510 : vector<1x16x256xf32> to vector<16x256xf32>
    %dot_general3A_1512 = arith.constant dense<0.000000e+00> : vector<64x256xf32>
    %dot_general3A_1513 = tpu.matmul %get3A_9, %squeeze3A_1511, %dot_general3A_1512 {dimension_numbers = #tpu.dot_dimension_numbers<[1], [0], [0], [1], [0, 0, 1, 1], [], []>, transpose_lhs_hint = false} : vector<64x16xf32>, vector<16x256xf32>, vector<64x256xf32> -> vector<64x256xf32>
    %add3A_1514 = vector.broadcast %get3A_12 : vector<64x1xf32> to vector<64x256xf32>
    %add3A_1515 = arith.addf %dot_general3A_1513, %add3A_1514 : vector<64x256xf32>
    %max3A_1516 = arith.constant 0.000000e+00 : f32
    %max3A_1517 = vector.broadcast %max3A_1516 : f32 to vector<64x256xf32>
    %max3A_1518 = arith.maximumf %add3A_1515, %max3A_1517 : vector<64x256xf32>
    %slice3A_1519 = vector.extract_strided_slice %get3A_6 {offsets = [0, 48, 0], sizes = [3, 1, 256], strides = [1, 1, 1]} : vector<3x50x256xf32> to vector<3x1x256xf32>
    %squeeze3A_1520 = vector.shape_cast %slice3A_1519 : vector<3x1x256xf32> to vector<3x256xf32>
    %dot_general3A_1521 = arith.constant dense<0.000000e+00> : vector<64x256xf32>
    %dot_general3A_1522 = tpu.matmul %get3A_15, %squeeze3A_1520, %dot_general3A_1521 {dimension_numbers = #tpu.dot_dimension_numbers<[1], [0], [0], [1], [0, 0, 1, 1], [], []>, transpose_lhs_hint = false} : vector<64x3xf32>, vector<3x256xf32>, vector<64x256xf32> -> vector<64x256xf32>
    %add3A_1523 = vector.broadcast %get3A_18 : vector<64x1xf32> to vector<64x256xf32>
    %add3A_1524 = arith.addf %dot_general3A_1522, %add3A_1523 : vector<64x256xf32>
    %max3A_1525 = arith.constant 0.000000e+00 : f32
    %max3A_1526 = vector.broadcast %max3A_1525 : f32 to vector<64x256xf32>
    %max3A_1527 = arith.maximumf %add3A_1524, %max3A_1526 : vector<64x256xf32>
    %dot_general3A_1528 = arith.constant dense<0.000000e+00> : vector<64x256xf32>
    %dot_general3A_1529 = tpu.matmul %get3A_21, %max3A_1518, %dot_general3A_1528 {dimension_numbers = #tpu.dot_dimension_numbers<[1], [0], [0], [1], [0, 0, 1, 1], [], []>, transpose_lhs_hint = false} : vector<64x64xf32>, vector<64x256xf32>, vector<64x256xf32> -> vector<64x256xf32>
    %dot_general3A_1530 = arith.constant dense<0.000000e+00> : vector<64x256xf32>
    %dot_general3A_1531 = tpu.matmul %get3A_24, %max3A_1527, %dot_general3A_1530 {dimension_numbers = #tpu.dot_dimension_numbers<[1], [0], [0], [1], [0, 0, 1, 1], [], []>, transpose_lhs_hint = false} : vector<64x64xf32>, vector<64x256xf32>, vector<64x256xf32> -> vector<64x256xf32>
    %add3A_1532 = arith.addf %dot_general3A_1529, %dot_general3A_1531 : vector<64x256xf32>
    %add3A_1533 = vector.broadcast %get3A_27 : vector<64x1xf32> to vector<64x256xf32>
    %add3A_1534 = arith.addf %add3A_1532, %add3A_1533 : vector<64x256xf32>
    %swap3A_1535 = arith.constant 48 : index
    %swap3A_1536 = arith.constant 0 : index
    %swap3A_1537 = arith.constant 0 : index
    %swap3A_1538 = vector.load %arg10[%swap3A_1535, %swap3A_1536, %swap3A_1537] : memref<50x64x256xf32, #tpu.memory_space<vmem>>, vector<1x64x256xf32>
    %swap3A_1539 = vector.shape_cast %swap3A_1538 : vector<1x64x256xf32> to vector<64x256xf32>
    %swap3A_1540 = vector.shape_cast %add3A_1534 : vector<64x256xf32> to vector<1x64x256xf32>
    tpu.vector_store %arg10[%swap3A_1535, %swap3A_1536, %swap3A_1537], %swap3A_1540 {strides = array<i32>} : memref<50x64x256xf32, #tpu.memory_space<vmem>>, vector<1x64x256xf32>,
    %slice3A_1541 = vector.extract_strided_slice %get3A_2 {offsets = [49, 0, 0], sizes = [1, 16, 256], strides = [1, 1, 1]} : vector<50x16x256xf32> to vector<1x16x256xf32>
    %squeeze3A_1542 = vector.shape_cast %slice3A_1541 : vector<1x16x256xf32> to vector<16x256xf32>
    %dot_general3A_1543 = arith.constant dense<0.000000e+00> : vector<64x256xf32>
    %dot_general3A_1544 = tpu.matmul %get3A_9, %squeeze3A_1542, %dot_general3A_1543 {dimension_numbers = #tpu.dot_dimension_numbers<[1], [0], [0], [1], [0, 0, 1, 1], [], []>, transpose_lhs_hint = false} : vector<64x16xf32>, vector<16x256xf32>, vector<64x256xf32> -> vector<64x256xf32>
    %add3A_1545 = vector.broadcast %get3A_12 : vector<64x1xf32> to vector<64x256xf32>
    %add3A_1546 = arith.addf %dot_general3A_1544, %add3A_1545 : vector<64x256xf32>
    %max3A_1547 = arith.constant 0.000000e+00 : f32
    %max3A_1548 = vector.broadcast %max3A_1547 : f32 to vector<64x256xf32>
    %max3A_1549 = arith.maximumf %add3A_1546, %max3A_1548 : vector<64x256xf32>
    %slice3A_1550 = vector.extract_strided_slice %get3A_6 {offsets = [0, 49, 0], sizes = [3, 1, 256], strides = [1, 1, 1]} : vector<3x50x256xf32> to vector<3x1x256xf32>
    %squeeze3A_1551 = vector.shape_cast %slice3A_1550 : vector<3x1x256xf32> to vector<3x256xf32>
    %dot_general3A_1552 = arith.constant dense<0.000000e+00> : vector<64x256xf32>
    %dot_general3A_1553 = tpu.matmul %get3A_15, %squeeze3A_1551, %dot_general3A_1552 {dimension_numbers = #tpu.dot_dimension_numbers<[1], [0], [0], [1], [0, 0, 1, 1], [], []>, transpose_lhs_hint = false} : vector<64x3xf32>, vector<3x256xf32>, vector<64x256xf32> -> vector<64x256xf32>
    %add3A_1554 = vector.broadcast %get3A_18 : vector<64x1xf32> to vector<64x256xf32>
    %add3A_1555 = arith.addf %dot_general3A_1553, %add3A_1554 : vector<64x256xf32>
    %max3A_1556 = arith.constant 0.000000e+00 : f32
    %max3A_1557 = vector.broadcast %max3A_1556 : f32 to vector<64x256xf32>
    %max3A_1558 = arith.maximumf %add3A_1555, %max3A_1557 : vector<64x256xf32>
    %dot_general3A_1559 = arith.constant dense<0.000000e+00> : vector<64x256xf32>
    %dot_general3A_1560 = tpu.matmul %get3A_21, %max3A_1549, %dot_general3A_1559 {dimension_numbers = #tpu.dot_dimension_numbers<[1], [0], [0], [1], [0, 0, 1, 1], [], []>, transpose_lhs_hint = false} : vector<64x64xf32>, vector<64x256xf32>, vector<64x256xf32> -> vector<64x256xf32>
    %dot_general3A_1561 = arith.constant dense<0.000000e+00> : vector<64x256xf32>
    %dot_general3A_1562 = tpu.matmul %get3A_24, %max3A_1558, %dot_general3A_1561 {dimension_numbers = #tpu.dot_dimension_numbers<[1], [0], [0], [1], [0, 0, 1, 1], [], []>, transpose_lhs_hint = false} : vector<64x64xf32>, vector<64x256xf32>, vector<64x256xf32> -> vector<64x256xf32>
    %add3A_1563 = arith.addf %dot_general3A_1560, %dot_general3A_1562 : vector<64x256xf32>
    %add3A_1564 = vector.broadcast %get3A_27 : vector<64x1xf32> to vector<64x256xf32>
    %add3A_1565 = arith.addf %add3A_1563, %add3A_1564 : vector<64x256xf32>
    %swap3A_1566 = arith.constant 49 : index
    %swap3A_1567 = arith.constant 0 : index
    %swap3A_1568 = arith.constant 0 : index
    %swap3A_1569 = vector.load %arg10[%swap3A_1566, %swap3A_1567, %swap3A_1568] : memref<50x64x256xf32, #tpu.memory_space<vmem>>, vector<1x64x256xf32>
    %swap3A_1570 = vector.shape_cast %swap3A_1569 : vector<1x64x256xf32> to vector<64x256xf32>
    %swap3A_1571 = vector.shape_cast %add3A_1565 : vector<64x256xf32> to vector<1x64x256xf32>
    tpu.vector_store %arg10[%swap3A_1566, %swap3A_1567, %swap3A_1568], %swap3A_1571 {strides = array<i32>} : memref<50x64x256xf32, #tpu.memory_space<vmem>>, vector<1x64x256xf32>,
    return
  }
  func.func @transform_0(%arg0: i32) -> (i32, i32, i32) {
    %c0_i32 = arith.constant 0 : i32
    %c0_i32_0 = arith.constant 0 : i32
    %c0_i32_1 = arith.constant 0 : i32
    return %c0_i32, %c0_i32_0, %arg0 : i32, i32, i32
  }
  func.func @transform_1(%arg0: i32) -> (i32, i32, i32) {
    %c0_i32 = arith.constant 0 : i32
    %c0_i32_0 = arith.constant 0 : i32
    %c0_i32_1 = arith.constant 0 : i32
    return %c0_i32, %c0_i32_0, %arg0 : i32, i32, i32
  }
  func.func @transform_2(%arg0: i32) -> (i32, i32) {
    %c0_i32 = arith.constant 0 : i32
    %c0_i32_0 = arith.constant 0 : i32
    %c0_i32_1 = arith.constant 0 : i32
    return %c0_i32, %c0_i32_0 : i32, i32
  }
  func.func @transform_3(%arg0: i32) -> (i32, i32) {
    %c0_i32 = arith.constant 0 : i32
    %c0_i32_0 = arith.constant 0 : i32
    %c0_i32_1 = arith.constant 0 : i32
    return %c0_i32, %c0_i32_0 : i32, i32
  }
  func.func @transform_4(%arg0: i32) -> (i32, i32) {
    %c0_i32 = arith.constant 0 : i32
    %c0_i32_0 = arith.constant 0 : i32
    %c0_i32_1 = arith.constant 0 : i32
    return %c0_i32, %c0_i32_0 : i32, i32
  }
  func.func @transform_5(%arg0: i32) -> (i32, i32) {
    %c0_i32 = arith.constant 0 : i32
    %c0_i32_0 = arith.constant 0 : i32
    %c0_i32_1 = arith.constant 0 : i32
    return %c0_i32, %c0_i32_0 : i32, i32
  }
  func.func @transform_6(%arg0: i32) -> (i32, i32) {
    %c0_i32 = arith.constant 0 : i32
    %c0_i32_0 = arith.constant 0 : i32
    %c0_i32_1 = arith.constant 0 : i32
    return %c0_i32, %c0_i32_0 : i32, i32
  }
  func.func @transform_7(%arg0: i32) -> (i32, i32) {
    %c0_i32 = arith.constant 0 : i32
    %c0_i32_0 = arith.constant 0 : i32
    %c0_i32_1 = arith.constant 0 : i32
    return %c0_i32, %c0_i32_0 : i32, i32
  }
  func.func @transform_8(%arg0: i32) -> (i32, i32) {
    %c0_i32 = arith.constant 0 : i32
    %c0_i32_0 = arith.constant 0 : i32
    %c0_i32_1 = arith.constant 0 : i32
    return %c0_i32, %c0_i32_0 : i32, i32
  }
  func.func @transform_9(%arg0: i32) -> (i32, i32, i32) {
    %c0_i32 = arith.constant 0 : i32
    %c0_i32_0 = arith.constant 0 : i32
    %c0_i32_1 = arith.constant 0 : i32
    return %c0_i32, %c0_i32_0, %arg0 : i32, i32, i32
  }
}

</mosaic_0001>

<sc_bundles>
// kernel: kernel.5.cloned.1.call-start
scs
__scs_entry_jumppad:
0x0: {  	(pc) =	sbr.rel $0x88, $3  }
0x1: {  	(tag) =	ssettag $0x0;
	lr =	simm.s32 $0x1  }
0x2: {  	[smem:$0x3F91] =	sst lr;
	_ =	strace $0xD0000000  }
0x3: {  	_ = 	snop  }
0x4: {  	_ = 	snop  }
0x5: {  	_ = 	snop  }
0x6: {  	_ = 	snop  }
0x7: {  	_ = 	snop  }
__scs_overlays_trampoline_lowered:
0x8: {  	[smem:$0x3FA0] =	sst s0  }
0x9: {  	[smem:$0x3FA1] =	sst s1  }
0xa: {  	[smem:$0x3FA2] =	sst s2  }
0xb: {  	[smem:$0x3FA3] =	sst s3  }
0xc: {  	[smem:$0x3FA4] =	sst s4  }
0xd: {  	[smem:$0x3FA5] =	sst s5  }
0xe: {  	[smem:$0x3FA6] =	sst s6  }
0xf: {  	[smem:$0x3FA7] =	sst s7  }
0x10: {  	[smem:$0x3FA8] =	sst s8  }
0x11: {  	[smem:$0x3FA9] =	sst s9;
	s0 =	simm.s32 @!p0 $0x0  }
0x12: {  	s1 =	sld [smem:$0x3F8F];
	s0 =	simm.s32 @p0 $0x1  }
0x13: {  	[smem:$0x3FAA] =	sst s0;
	s0 =	simm.s32 @!p1 $0x0  }
0x14: {  	s2 =	sld [smem:$0x3F8E];
	s0 =	simm.s32 @p1 $0x1  }
0x15: {  	[smem:$0x3FAB] =	sst s0;
	s0 =	simm.s32 @!p2 $0x0  }
0x16: {  	s3 =	sld [smem:$0x3FDB];
	s0 =	simm.s32 @p2 $0x1  }
0x17: {  	s4 =	simm.s32 $0x1BF5;
	[smem:$0x3FAD] =	sst s0  }
0x18: {  	s0 =	sld [smem:$0x3F90];
	_ =	swait.ge [sflag:s4], $0x0  }
0x19: {  	s7 =	sld [smem:$0x3F91]  }
0x1a: {  	s8 =	sadd.s32 $0xFFFFE003, lr  }
0x1b: {  	s9 =	sadd.s32 $0xFFFFFEF7, lr;
	s5 =	simm.s32 $0xFFFFFFFF;
	p2 =	slt.u32 s8, $0xFFFFF086  }
0x1c: {  	p1 =	slt.u32 s9, $0xF7A;
	s5 =	simm.s32 @!p2 $0x0  }
0x1d: {  	s5 =	simm.s32 @p1 $0x1;
	p0 =	seq.s32 s7, s2  }
0x1e: {  	s7 =	smul.u32 @!p0 $0xF7A, s2;
	p2 =	seq.s32 @!p0 s5, $0x0  }
0x1f: {  	s9 =	smul.u32 $0xF7A, s1;
	s8 =	simm.s32 @!p0 $0x1BF5;
	p2 =	por !p2, p0  }
0x20: {  	[sflag:s8] =	ssyncset.s32 @!p0 $0xFFFFF086;
	s6 =	sadd.s32 @!p0 s3, s7;
	s7 =	simm.s32 @!p0 $0x108  }
0x21: {  	s3 =	sadd.s32 s3, s9;
	s6 =	sadd.s32 @!p0 $0x88, s6;
	s7 =	simm.s32 @p2 $0x1082  }
0x22: {  	[simem:s7], [sflag:s8] =	dma.local @!p0 [hbm:s6], $0xF7A  }
0x23: {  	s9 =	sor.u32 $0xD0000000, s2;
	s6 =	simm.s32 $0x108;
	_ =	swait.ge @!p0 [sflag:s8], $0x0  }
0x24: {  	s3 =	sadd.s32 $0x88, s3;
	s6 =	simm.s32 @!p1 $0x1082;
	[sflag:s4] =	ssyncset.s32 $0xFFFFF086  }
0x25: {  	[simem:s6], [sflag:s4] =	dma.local [hbm:s3], $0xF7A  }
0x26: {  	[smem:$0x3F91] =	sst s1;
	(tag) =	ssettag s2;
	_ =	strace s9  }
0x27: {  	s1 =	sld [smem:$0x3FA1]  }
0x28: {  	s2 =	sld [smem:$0x3FA2]  }
0x29: {  	s4 =	sld [smem:$0x3FA4]  }
0x2a: {  	p0 =	seq.s32 s5, $0x0;
	s5 =	sld [smem:$0x3FA5]  }
0x2b: {  	s6 =	sld [smem:$0x3FA6]  }
0x2c: {  	s7 =	sld [smem:$0x3FA7]  }
0x2d: {  	s3 =	simm.s32 $0x108;
	s8 =	sld [smem:$0x3FA8]  }
0x2e: {  	s3 =	simm.s32 @!p0 $0x1082;
	s9 =	sld [smem:$0x3FA9]  }
0x2f: {  	lr =	sadd.s32 s0, s3;
	s0 =	sld [smem:$0x3FA0]  }
0x30: {  	s3 =	sld [smem:$0x3FA3]  }
0x31: {  	[smem:$0x3FAC] =	sst s10  }
0x32: {  	s10 =	sld [smem:$0x3FAA];
	_ =	sdelay $0x3  }
0x33: {  	p0 =	seq.s32 s10, $0x1;
	s10 =	sld [smem:$0x3FAC];
	_ =	sdelay $0x3  }
0x34: {  	[smem:$0x3FAC] =	sst s10  }
0x35: {  	s10 =	sld [smem:$0x3FAB];
	_ =	sdelay $0x3  }
0x36: {  	p1 =	seq.s32 s10, $0x1;
	s10 =	sld [smem:$0x3FAC];
	_ =	sdelay $0x3  }
0x37: {  	[smem:$0x3FAC] =	sst s10  }
0x38: {  	s10 =	sld [smem:$0x3FAD]  }
0x39: {  	_ = 	snop;
	(pc) =	sbr.ind lr, $3  }
0x3a: {  	_ = 	snop  }
0x3b: {  	_ = 	snop  }
0x3c: {  	p2 =	seq.s32 s10, $0x1;
	s10 =	sld [smem:$0x3FAC]  }
0x3d: {  	_ =	shalt  }
0x3e: {  	_ =	shalt  }
0x3f: {  	_ =	shalt  }
0x40: {  	_ =	shalt  }
0x41: {  	_ =	shalt  }
0x42: {  	_ =	shalt  }
0x43: {  	_ =	shalt  }
0x44: {  	_ =	shalt  }
0x45: {  	_ =	shalt  }
0x46: {  	_ =	shalt  }
0x47: {  	_ =	shalt  }
0x48: {  	_ =	shalt  }
0x49: {  	_ =	shalt  }
0x4a: {  	_ =	shalt  }
0x4b: {  	_ =	shalt  }
0x4c: {  	_ =	shalt  }
0x4d: {  	_ =	shalt  }
0x4e: {  	_ =	shalt  }
0x4f: {  	_ =	shalt  }
0x50: {  	_ =	shalt  }
0x51: {  	_ =	shalt  }
0x52: {  	_ =	shalt  }
0x53: {  	_ =	shalt  }
0x54: {  	_ =	shalt  }
0x55: {  	_ =	shalt  }
0x56: {  	_ =	shalt  }
0x57: {  	_ =	shalt  }
0x58: {  	_ =	shalt  }
0x59: {  	_ =	shalt  }
0x5a: {  	_ =	shalt  }
0x5b: {  	_ =	shalt  }
0x5c: {  	_ =	shalt  }
0x5d: {  	_ =	shalt  }
0x5e: {  	_ =	shalt  }
0x5f: {  	_ =	shalt  }
0x60: {  	_ =	shalt  }
0x61: {  	_ =	shalt  }
0x62: {  	_ =	shalt  }
0x63: {  	_ =	shalt  }
0x64: {  	_ =	shalt  }
0x65: {  	_ =	shalt  }
0x66: {  	_ =	shalt  }
0x67: {  	_ =	shalt  }
0x68: {  	_ =	shalt  }
0x69: {  	_ =	shalt  }
0x6a: {  	_ =	shalt  }
0x6b: {  	_ =	shalt  }
0x6c: {  	_ =	shalt  }
0x6d: {  	_ =	shalt  }
0x6e: {  	_ =	shalt  }
0x6f: {  	_ =	shalt  }
0x70: {  	_ =	shalt  }
0x71: {  	_ =	shalt  }
0x72: {  	_ =	shalt  }
0x73: {  	_ =	shalt  }
0x74: {  	_ =	shalt  }
0x75: {  	_ =	shalt  }
0x76: {  	_ =	shalt  }
0x77: {  	_ =	shalt  }
0x78: {  	_ =	shalt  }
0x79: {  	_ =	shalt  }
0x7a: {  	_ =	shalt  }
0x7b: {  	_ =	shalt  }
0x7c: {  	_ =	shalt  }
0x7d: {  	_ =	shalt  }
0x7e: {  	_ =	shalt  }
0x7f: {  	_ =	shalt  }
0x80: {  	_ =	shalt  }
0x81: {  	_ =	shalt  }
0x82: {  	_ =	shalt  }
0x83: {  	_ =	shalt  }
0x84: {  	_ =	shalt  }
0x85: {  	_ =	shalt  }
0x86: {  	_ =	shalt  }
0x87: {  	_ =	shalt  }
.Lfunc_end0:
.L_simem_size_0:
called_computation_lowered:
.L_overlay_start_0:
0x88: {  	s2 =	sld [smem:$0x3FD9]  }
0x89: {  	s3 =	sld [smem:$0x3FFE];
	_ =	sdelay $0x1  }
0x8a: {  	s1 =	srdreg.scid  }
0x8b: {  	s0 =	sand.u32 $0x1, s1  }
0x8c: {  	s16 =	sshll.u32 s0, $0xA;
	s2 =	sadd.s32 s3, s2  }
0x8d: {  	s2 =	sadd.s32 s2, s16  }
0x8e: {  	[smem:$0x3FB8] =	sst s2  }
0x8f: {  	_ = 	snop  }
0x90: {  	(tm) =	ssettm $0x1  }
0x91: {  	s17 =	sld [smem:$0x3FFB];
	_ =	sdelay $0x3  }
0x92: {  	_ =	strace s17  }
0x93: {  	s2 =	sld [smem:$0x3FFC];
	_ =	sdelay $0x3  }
0x94: {  	_ =	strace s2  }
0x95: {  	s2 =	sld [smem:$0x3FFD];
	_ =	sdelay $0x3  }
0x96: {  	_ =	strace s2  }
0x97: {  	_ =	strace $0x8FFFFFFF  }
0x98: {  	s18 =	sld [smem:$0x3FDB];
	_ =	sdelay $0x1  }
0x99: {  	s19 =	simm.s32 $_scs_section_size  }
0x9a: {  	s4 =	simm.s32 $_size__tile_overlayer_lowered;
	s5 =	simm.s32 $_tile_overlayer_lowered  }
0x9b: {  	s22 =	simm.s32 $0x1BFF;
	s21 =	sshll.u32 s5, $0x1;
	s2 =	sadd.s32 s19, s18  }
0x9c: {  	s6 =	simm.s32 $0x0;
	s20 =	sshll.u32 s4, $0x1;
	s4 =	sadd.s32 s21, s2  }
0x9d: {  	[timem:s6], [sflag:s22] =	dma.local [hbm:s4], s20  }
0x9e: {  	_ =	swait.ge [sflag:s22], s20  }
0x9f: {  	s3 =	ssub.s32 $0x0, s20;
	[sflag:s22] =	ssyncset.done $0x0  }
0xa0: {  	[sflag:s22] =	ssyncadd.s32 s3;
	_ =	sdelay $0x1  }
0xa1: {  	s23 =	simm.s32 $0x1B8B  }
0xa2: {  	_ =	swait.ge [sflag:s23], $0x1  }
0xa3: {  	[sflag:s23] =	ssyncset.done $0x0  }
0xa4: {  	s25 =	simm.s32 $0x1B8E;
	s24 =	sld [smem:$0x3FFE];
	[sflag:s23] =	ssyncadd.s32 $0xFFFFFFFF  }
0xa5: {  	s26 =	simm.s32 $execute0_lowered;
	[smem:$0x3FD2] =	sst s25  }
0xa6: {  	s4 =	sshll.u32 s26, $0x1;
	_ =	strace $0x80000046;
	[dreg:$0x1] =	wrdreg $0xFFFFFFFF  }
0xa7: {  	s28 =	simm.s32 $_size_execute0_lowered;
	s2 =	sadd.s32 s2, s4;
	[dreg:$0x0] =	wrdreg $0x0  }
0xa8: {  	s4 =	sshll.u32 s28, $0x1;
	[dreg:$0x2] =	wrdreg s2  }
0xa9: {  	[dreg:$0x3] =	wrdreg s4  }
0xaa: {  	[dreg:$0x4] =	wrdreg $0xC0  }
0xab: {  	_ =	task [dreg:s6], $0x5FFFF  }
0xac: {  	[dreg:$0x1] =	wrdreg $0xFFFFFFFF  }
0xad: {  	[dreg:$0x0] =	wrdreg $0x60  }
0xae: {  	[dreg:$0x2] =	wrdreg s24  }
0xaf: {  	[dreg:$0x3] =	wrdreg $0x9  }
0xb0: {  	_ =	task.clear_ibuf [dreg:s6], $0x4FFFF;
	_ =	strace $0x90000046  }
0xb1: {  	s29 =	simm.s32 $0x9;
	_ =	strace $0x80000048  }
0xb2: {  	_ =	swait.ge [sflag:s29], $0x1  }
0xb3: {  	[sflag:s29] =	ssyncadd.s32 $0xFFFFFFFF  }
0xb4: {  	_ =	strace $0x90000048  }
0xb5: {  	_ =	sfence  }
0xb6: {  	s30 =	sld [smem:$0x0];
	_ =	sdelay $0x2  }
0xb7: {  	s31 =	sshll.u32 s1, $0xD;
	s1 =	sshrl.u32 s1, $0x2  }
0xb8: {  	s3 =	sand.u32 $0x4000, s31;
	s1 =	sadd.s32 s1, s30  }
0xb9: {  	s0 =	sor.u32 s3, s0;
	s1 =	sshll.u32 s1, $0x11  }
0xba: {  	s0 =	sor.u32 s1, s0  }
0xbb: {  	s0 =	sadd.s32 $0x8F2B, s0  }
0xbc: {  	[sflag:s0] =	ssyncadd.remote.s32 $0x1  }
0xbd: {  	_ =	sfence.sel $0xFFFF  }
0xbe: {  	[dreg:$0x0] =	wrdreg $0xFFFFFFFF;
	(pc) =	sbr.abs _section_cstart, $3  }
0xbf: {  	[dreg:$0x1] =	wrdreg $0xFFFFFFFF  }
0xc0: {  	_ =	task.clear_ibuf [dreg:s6], $0x2FFFF;
	_ =	strace $0x9FFFFFFF  }
0xc1: {  	(tm) =	ssettm $0x7FFFFFFF  }
tec
execute0_lowered:
.L_overlay_start_1:
0x0: {  	(tag) =	ssettag $0x1  }
0x1: {  	s5 =	rddreg [dreg:$0x0]  }
0x2: {  	s0 =	rddreg [dreg:$0x1]  }
0x3: {  	s3 =	srdreg.scid;
	s1 =	stileid.u32;
	s2 =	simm.s32 $0x0  }
0x4: {  	s11 =	simm.s32 $0x1900;
	s12 =	simm.s32 $0x80;
	s13 =	simm.s32 $0x3200  }
0x5: {  	s14 =	simm.s32 $0x5200;
	s15 =	simm.s32 $0x1;
	s16 =	simm.s32 $0x2  }
0x6: {  	s6 =	sand.u32 $0x1, s3;
	s30 =	sshll.u32 s1, $0x1;
	s8 =	smul.u32 $0x19000, s1  }
0x7: {  	s3 =	sor.u32 s6, s30;
	s9 =	ssub.s32 $0x2, s6;
	s6 =	smul.u32 $0xC800, s6  }
0x8: {  	s17 =	simm.s32 $0x0;
	[smem:$0x7FF] =	sst s2;
	s7 =	smul.u32 $0x1900, s3  }
0x9: {  	s4 =	sadd.s32 $0x3400, s5;
	_ =	strace $0x80000047;
	s8 =	sadd.s32 s8, s5  }
0xa: {  	s3 =	sadd.s32 $0xC6A00, s5;
	s10 =	sadd.s32 s6, s8;
	s7 =	sshrl.u32 s7, $0x3  }
0xb: {  	s31 =	sshrl.u32 s9, $0x1;
	s8 =	sadd.s32 $0x326800, s10;
	s7 =	sadd.s32 s7, s5  }
0xc: {  	s9 =	ssub.s32 s9, s31;
	s5 =	sadd.s32 $0x190400, s7;
	s6 =	sadd.s32 $0x18A000, s7  }
0xd: {  	s7 =	smax.u32 s9, $0x1;
	s9 =	sadd.s32 $0x196800, s10;
	s10 =	simm.s32 $0x3  }
.LBB2_1:
0xe: {  	[tilespmem:s2], [sflag:$0x3] =	stream.linear.gather [hbm4b:s5+s2], $0x1900, $0x38;
	[tilespmem:$0x7200] =	vst v63  }
0xf: {  	_ =	swait.ge [sflag:s10], $0x1900  }
0x10: {  	[sflag:s10] =	ssyncset.done $0x0  }
0x11: {  	[sflag:s10] =	ssyncadd.s32 $0xFFFFE700  }
0x12: {  	[tilespmem:s11], [sflag:$0x3] =	stream.linear.gather [hbm4b:s6+s2], $0x1900, $0x38;
	[tilespmem:$0x7200] =	vst v63  }
0x13: {  	_ =	swait.ge [sflag:s10], $0x1900  }
0x14: {  	[sflag:s10] =	ssyncset.done $0x0  }
0x15: {  	s18 =	simm.s32 $0x0;
	[sflag:s10] =	ssyncadd.s32 $0xFFFFE700  }
0x16: {  	[tilespmem:s13], [sflag:$0x1] =	stream.indirect.gather [hbm4b:s3+s12], $0x40, s18, s12, $0xb8;
	[tilespmem:$0x7200] =	vst v63  }
0x17: {  	s31 =	simm.s32 $0x1900  }
0x18: {  	[tilespmem:s14], [sflag:$0x2] =	stream.indirect.gather [hbm4b:s4+s12], $0x40, s31, s12, $0xb8;
	[tilespmem:$0x7200] =	vst v63  }
0x19: {  	_ =	swait.ge [sflag:s15], $0x2000  }
0x1a: {  	[sflag:s15] =	ssyncset.done $0x0  }
0x1b: {  	[sflag:s15] =	ssyncadd.s32 $0xFFFFE000  }
0x1c: {  	[hbm4b:s9+s2] =	stream.linear.scatter [tilespmem:s13], [sflag:$0x3], $0x2000, $0x38;
	[tilespmem:$0x7200] =	vst v63  }
0x1d: {  	_ =	swait.ge [sflag:s10], $0x2000  }
0x1e: {  	[sflag:s10] =	ssyncset.done $0x0  }
0x1f: {  	[sflag:s10] =	ssyncadd.s32 $0xFFFFE000  }
0x20: {  	_ =	swait.ge [sflag:s16], $0x2000  }
0x21: {  	[sflag:s16] =	ssyncset.done $0x0  }
0x22: {  	[sflag:s16] =	ssyncadd.s32 $0xFFFFE000  }
0x23: {  	[hbm4b:s8+s2] =	stream.linear.scatter [tilespmem:s14], [sflag:$0x3], $0x2000, $0x38;
	[tilespmem:$0x7200] =	vst v63  }
0x24: {  	s20 =	simm.s32 $0x200;
	s21 =	simm.s32 $0x400;
	_ =	swait.ge [sflag:s10], $0x2000  }
0x25: {  	s19 =	sadd.s32 $0x400, s9;
	s18 =	sadd.s32 $0x400, s8;
	[sflag:s10] =	ssyncset.done $0x0  }
.LBB2_2:
0x26: {  	s22 =	sshra.s32 s20, $0x2  }
0x27: {  	[sflag:s10] =	ssyncadd.s32 $0xFFFFE000;
	s20 =	smov.u32 s21;
	s23 =	sadd.s32 $0x200, s21  }
0x28: {  	[tilespmem:s13], [sflag:$0x1] =	stream.indirect.gather [hbm4b:s3+s12], $0x40, s22, s12, $0xb8;
	[tilespmem:$0x7200] =	vst v63  }
0x29: {  	p0 =	sne.s32 s21, $0x6200;
	s21 =	sadd.s32 $0x1900, s22  }
0x2a: {  	[tilespmem:s14], [sflag:$0x2] =	stream.indirect.gather [hbm4b:s4+s12], $0x40, s21, s12, $0xb8;
	[tilespmem:$0x7200] =	vst v63  }
0x2b: {  	_ =	swait.ge [sflag:s15], $0x2000  }
0x2c: {  	[sflag:s15] =	ssyncset.done $0x0  }
0x2d: {  	[sflag:s15] =	ssyncadd.s32 $0xFFFFE000  }
0x2e: {  	[hbm4b:s19+s2] =	stream.linear.scatter [tilespmem:s13], [sflag:$0x3], $0x2000, $0x38;
	[tilespmem:$0x7200] =	vst v63  }
0x2f: {  	_ =	swait.ge [sflag:s10], $0x2000  }
0x30: {  	[sflag:s10] =	ssyncset.done $0x0  }
0x31: {  	[sflag:s10] =	ssyncadd.s32 $0xFFFFE000  }
0x32: {  	_ =	swait.ge [sflag:s16], $0x2000  }
.Ltmp0:
0x33: {  	[sflag:s16] =	ssyncset.done $0x0;
	(pc) =	sbr.rel @p0 .LBB2_2-.Ltmp0, $4  }
0x34: {  	[sflag:s16] =	ssyncadd.s32 $0xFFFFE000  }
0x35: {  	[hbm4b:s18+s2] =	stream.linear.scatter [tilespmem:s14], [sflag:$0x3], $0x2000, $0x38;
	[tilespmem:$0x7200] =	vst v63  }
0x36: {  	s21 =	smov.u32 s23;
	_ =	swait.ge [sflag:s10], $0x2000  }
0x37: {  	s19 =	sadd.s32 $0x400, s19;
	s18 =	sadd.s32 $0x400, s18;
	[sflag:s10] =	ssyncset.done $0x0  }
0x38: {  	s20 =	sshra.s32 s20, $0x2;
	[sflag:s10] =	ssyncadd.s32 $0xFFFFE000  }
0x39: {  	[tilespmem:s13], [sflag:$0x1] =	stream.indirect.gather [hbm4b:s3+s12], $0x40, s20, s12, $0xb8;
	[tilespmem:$0x7200] =	vst v63  }
0x3a: {  	s20 =	sadd.s32 $0x1900, s20  }
0x3b: {  	[tilespmem:s14], [sflag:$0x2] =	stream.indirect.gather [hbm4b:s4+s12], $0x40, s20, s12, $0xb8;
	[tilespmem:$0x7200] =	vst v63  }
0x3c: {  	_ =	swait.ge [sflag:s15], $0x2000  }
0x3d: {  	[sflag:s15] =	ssyncset.done $0x0  }
0x3e: {  	[sflag:s15] =	ssyncadd.s32 $0xFFFFE000  }
0x3f: {  	[hbm4b:s19+s2] =	stream.linear.scatter [tilespmem:s13], [sflag:$0x3], $0x2000, $0x38;
	[tilespmem:$0x7200] =	vst v63  }
0x40: {  	_ =	swait.ge [sflag:s10], $0x2000  }
0x41: {  	[sflag:s10] =	ssyncset.done $0x0  }
0x42: {  	[sflag:s10] =	ssyncadd.s32 $0xFFFFE000  }
0x43: {  	s17 =	sadd.s32 $0x1, s17;
	_ =	swait.ge [sflag:s16], $0x2000  }
0x44: {  	p0 =	sne.s32 s17, s7;
	[sflag:s16] =	ssyncset.done $0x0  }
.Ltmp1:
0x45: {  	[sflag:s16] =	ssyncadd.s32 $0xFFFFE000;
	(pc) =	sbr.rel @p0 .LBB2_1-.Ltmp1, $4  }
0x46: {  	[hbm4b:s18+s2] =	stream.linear.scatter [tilespmem:s14], [sflag:$0x3], $0x2000, $0x38;
	[tilespmem:$0x7200] =	vst v63  }
0x47: {  	_ =	swait.ge [sflag:s10], $0x2000  }
0x48: {  	[sflag:s10] =	ssyncset.done $0x0  }
0x49: {  	[sflag:s10] =	ssyncadd.s32 $0xFFFFE000  }
0x4a: {  	_ =	sfence.sel $0x180000  }
0x4b: {  	[bflag:$0x0] =	sbarrier.arrive $0xFFFF  }
0x4c: {  	p0 =	sne.s32 s1, $0x0;
	_ =	strace $0x90000047  }
0x4d: {  	s0 =	sadd.s32 @!p0 $0x100000, s0;
	[bflag:$0x2] =	sbarrier.arrive $0xFFFF  }
0x4e: {  	[sflag:s0] =	ssyncadd.tile.s32 @!p0 $0x1;
	_ =	shalt  }
.Lfunc_end2:
_tile_overlayer_lowered:
.L_overlay_start_2:
0x4f: {  	(tag) =	ssettag $0x2  }
0x50: {  	s0 =	rddreg [dreg:$0x0];
	s2 =	stileid.u32  }
0x51: {  	s1 =	rddreg [dreg:$0x1];
	p0 =	sne.s32 s2, $0x0  }
0x52: {  	s3 =	rddreg [dreg:$0x2];
	[bflag:$0x3] =	sbarrier.arrive $0xFFFF;
	s2 =	simm.s32 @!p0 $0x1C03  }
0x53: {  	[timem:s3], [sflag:s2] =	dma.local @!p0 [hbm:s0], s1  }
0x54: {  	s0 =	simm.s32 @!p0 $0x3  }
0x55: {  	_ =	swait.ge @!p0 [sflag:s0], s1  }
0x56: {  	s1 =	ssub.s32 @!p0 $0x0, s1;
	[sflag:s0] =	ssyncset.done @!p0 $0x0  }
0x57: {  	[sflag:s0] =	ssyncadd.s32 @!p0 s1  }
0x58: {  	[bflag:$0x3] =	sbarrier.arrive $0xFFFF  }
0x59: {  	_ =	shalt  }

</sc_bundles>
